<compile_context>
chip_gen: v7x
topology: tpu7x:2x2x1
jax: 0.10.2.dev20260603
libtpu: 0.0.44.dev20260713+nightly
codegen_flags: <defaults>
</compile_context>

<pallas_src>
import functools

import jax
import jax.numpy as jnp
from jax import lax
from jax.experimental import pallas as pl
from jax.experimental.pallas import tpu as pltpu
from jax.experimental.pallas import tpu_sc as plsc

NC, NS, L = 2, 16, 16
NW = NC * NS

N, E, F_IN, H = 10000, 160000, 256, 512
NPAD = 10240
HCHUNK = 128
NCHUNKS = H // HCHUNK
NB_ROWS = 2000

PT = 5008
NGRP = PT // L
COLS_PER_TILE = NPAD // NS


def _stats_body(dst_hbm, ts_hbm, nt_out, deg_out,
                dst_v, ts_v, acc_t, acc_d, red_t, red_d, out_t, out_d,
                sp_t, sp_d):
    c = lax.axis_index("c")
    s = lax.axis_index("s")
    wid = c * NS + s

    pltpu.sync_copy(dst_hbm.at[wid], dst_v)
    pltpu.sync_copy(ts_hbm.at[wid], ts_v)

    zeros16 = jnp.zeros((L,), jnp.float32)
    ones16 = jnp.ones((L,), jnp.float32)

    def zbody(j, _):
        acc_t[pl.ds(j * L, L)] = zeros16
        acc_d[pl.ds(j * L, L)] = zeros16
        return 0
    lax.fori_loop(0, NPAD // L, zbody, 0)

    def gbody(g, _):
        d = dst_v[pl.ds(g * L, L)]
        t = ts_v[pl.ds(g * L, L)]
        plsc.addupdate_scatter(acc_d, [d], ones16)

        def wcond(m):
            return jnp.any(m)

        def wbody(m):
            old = plsc.load_gather(acc_t, [d], mask=m)
            upd = m & (t > old)
            plsc.store_scatter(acc_t, [d], t, mask=upd)
            return upd
        lax.while_loop(wcond, wbody, jnp.full((L,), True))
        return 0
    lax.fori_loop(0, NGRP, gbody, 0)

    pltpu.sync_copy(acc_t, sp_t.at[s])
    pltpu.sync_copy(acc_d, sp_d.at[s])
    plsc.subcore_barrier()

    col0 = s * COLS_PER_TILE
    pltpu.sync_copy(sp_t.at[:, pl.ds(col0, COLS_PER_TILE)], red_t)
    pltpu.sync_copy(sp_d.at[:, pl.ds(col0, COLS_PER_TILE)], red_d)

    def rbody(j, _):
        mt = red_t[0, pl.ds(j * L, L)]
        md = red_d[0, pl.ds(j * L, L)]
        for r in range(1, NS):
            mt = jnp.maximum(mt, red_t[r, pl.ds(j * L, L)])
            md = md + red_d[r, pl.ds(j * L, L)]
        out_t[pl.ds(j * L, L)] = mt
        out_d[pl.ds(j * L, L)] = md
        return 0
    lax.fori_loop(0, COLS_PER_TILE // L, rbody, 0)

    pltpu.sync_copy(out_t, nt_out.at[pl.ds(c * NPAD + col0, COLS_PER_TILE)])
    pltpu.sync_copy(out_d, deg_out.at[pl.ds(c * NPAD + col0, COLS_PER_TILE)])


def _node_stats(dst_pad, ts_pad):
    mesh = plsc.VectorSubcoreMesh(core_axis_name="c", subcore_axis_name="s",
                                  num_cores=NC, num_subcores=NS)
    f = pl.kernel(
        _stats_body,
        out_type=[jax.ShapeDtypeStruct((NC * NPAD,), jnp.float32),
                  jax.ShapeDtypeStruct((NC * NPAD,), jnp.float32)],
        mesh=mesh,
        compiler_params=pltpu.CompilerParams(needs_layout_passes=False),
        scratch_types=[
            pltpu.VMEM((PT,), jnp.int32),
            pltpu.VMEM((PT,), jnp.float32),
            pltpu.VMEM((NPAD,), jnp.float32),
            pltpu.VMEM((NPAD,), jnp.float32),
            pltpu.VMEM((NS, COLS_PER_TILE), jnp.float32),
            pltpu.VMEM((NS, COLS_PER_TILE), jnp.float32),
            pltpu.VMEM((COLS_PER_TILE,), jnp.float32),
            pltpu.VMEM((COLS_PER_TILE,), jnp.float32),
            pltpu.VMEM_SHARED((NS, NPAD), jnp.float32),
            pltpu.VMEM_SHARED((NS, NPAD), jnp.float32),
        ],
    )
    ntp, degp = f(dst_pad, ts_pad)
    return ntp.reshape(NC, NPAD), degp.reshape(NC, NPAD)


def _combine_body(ntp_ref, degp_ref, nt_ref, dis_ref):
    nt = jnp.max(ntp_ref[...], axis=0, keepdims=True)
    col = lax.broadcasted_iota(jnp.int32, (1, NPAD), 1)
    valid = col < N
    tmin = jnp.min(jnp.where(valid, nt, jnp.inf))
    tmax = jnp.max(jnp.where(valid, nt, -jnp.inf))
    nt_ref[...] = jnp.where(tmax > tmin, (nt - tmin) / (tmax - tmin + 1e-8),
                            nt)
    deg = jnp.sum(degp_ref[...], axis=0, keepdims=True) + 1.0
    dis_ref[...] = lax.rsqrt(deg)


def _combine(ntp, degp):
    return pl.pallas_call(
        _combine_body,
        out_shape=[jax.ShapeDtypeStruct((1, NPAD), jnp.float32),
                   jax.ShapeDtypeStruct((1, NPAD), jnp.float32)],
    )(ntp, degp)


def _gemm1_body(x_ref, win_ref, bin_ref, wt_ref, bt_ref, nt_ref, wg_ref,
                dis_ref, u0, u1, u2, u3):
    h = lax.dot_general(x_ref[...], win_ref[...], (((1,), (1,)), ((), ())),
                        preferred_element_type=jnp.float32)
    h = h + bin_ref[...] + bt_ref[...] + nt_ref[...] * wt_ref[...]
    h = jnp.maximum(h, 0.0)
    dis = dis_ref[...]
    for k, u_ref in enumerate((u0, u1, u2, u3)):
        wgk = wg_ref[k * HCHUNK:(k + 1) * HCHUNK, :]
        uk = lax.dot_general(h, wgk, (((1,), (1,)), ((), ())),
                             preferred_element_type=jnp.float32)
        u_ref[...] = dis * uk


def _gemm1(x, w_in, b_in, wt, b_t, nt_col, w_gcn, dis_col):
    nblk = N // NB_ROWS
    return pl.pallas_call(
        _gemm1_body,
        grid=(nblk,),
        in_specs=[
            pl.BlockSpec((NB_ROWS, F_IN), lambda i: (i, 0)),
            pl.BlockSpec((H, F_IN), lambda i: (0, 0)),
            pl.BlockSpec((1, H), lambda i: (0, 0)),
            pl.BlockSpec((1, H), lambda i: (0, 0)),
            pl.BlockSpec((1, H), lambda i: (0, 0)),
            pl.BlockSpec((NB_ROWS, 1), lambda i: (i, 0)),
            pl.BlockSpec((H, H), lambda i: (0, 0)),
            pl.BlockSpec((NB_ROWS, 1), lambda i: (i, 0)),
        ],
        out_specs=[pl.BlockSpec((NB_ROWS, HCHUNK), lambda i: (i, 0))] * 4,
        out_shape=[jax.ShapeDtypeStruct((N, HCHUNK), jnp.float32)] * 4,
    )(x, w_in, b_in, wt, b_t, nt_col, w_gcn, dis_col)


EB = 128
EPT = E // NS
NDEPTH = 2
NBATCH = 80
ACC_ROWS = 10112
OUT_RPT = ACC_ROWS // NS


def _spmm_body(u0, u1, u2, u3, sd_hbm, r0, r1, r2, r3,
               sdx, rows_0, rows_1,
               sem_i0, sem_i1, sem_0, sem_1, acc):
    c = lax.axis_index("c")
    s = lax.axis_index("s")

    u_refs = (u0, u1, u2, u3)
    r_refs = (r0, r1, r2, r3)
    rows = (rows_0, rows_1)
    sems = (sem_0, sem_1)
    sem_i = (sem_i0, sem_i1)

    z16 = jnp.zeros((L,), jnp.float32)

    def zero_acc():
        def zb(i, _):
            rw, jj = i // (HCHUNK // L), i % (HCHUNK // L)
            rows_0[rw, pl.ds(jj * L, L)] = z16
            return 0
        lax.fori_loop(0, EB * (HCHUNK // L), zb, 0)
        zrow0 = s * OUT_RPT

        def zc(zi, _):
            pltpu.sync_copy(rows_0, acc.at[pl.ds(zrow0 + zi * EB, EB)])
            return 0
        lax.fori_loop(0, OUT_RPT // EB, zc, 0)
        rem = OUT_RPT % EB
        pltpu.sync_copy(rows_0.at[pl.ds(0, rem)],
                        acc.at[pl.ds(zrow0 + (OUT_RPT // EB) * EB, rem)])

    def edge_pass(u_ref):
        for j in range(NDEPTH):
            pltpu.sync_copy(sd_hbm.at[s, j], sdx.at[j])

        def bbody(i, _):
            b = NDEPTH * i
            for j in range(NDEPTH):
                pltpu.sync_copy(rows[j], acc.at[sdx.at[j, 1]], add=True)

                @pl.when(b + NDEPTH + j < NBATCH)
                def _(j=j):
                    pltpu.async_copy(sd_hbm.at[s, b + NDEPTH + j],
                                     sdx.at[j], sem_i[j])
            for j in range(NDEPTH):
                @pl.when(b + NDEPTH + j < NBATCH)
                def _(j=j):
                    pltpu.make_async_copy(sd_hbm.at[s, b + NDEPTH + j],
                                          sdx.at[j], sem_i[j]).wait()
            return 0
        lax.fori_loop(0, NBATCH // NDEPTH, bbody, 0)

    def copy_out(r_ref):
        row0 = s * OUT_RPT
        pltpu.sync_copy(acc.at[pl.ds(row0, OUT_RPT)],
                        r_ref.at[pl.ds(row0, OUT_RPT)])

    for k in range(NCHUNKS // NC):
        zero_acc()
        plsc.subcore_barrier()

        @pl.when(c == 0)
        def _():
            edge_pass(u_refs[k])

        @pl.when(c == 1)
        def _():
            edge_pass(u_refs[NCHUNKS // NC + k])

        plsc.subcore_barrier()

        @pl.when(c == 0)
        def _():
            copy_out(r_refs[k])

        @pl.when(c == 1)
        def _():
            copy_out(r_refs[NCHUNKS // NC + k])


def _spmm(u_chunks, sd_pad):
    mesh = plsc.VectorSubcoreMesh(core_axis_name="c", subcore_axis_name="s",
                                  num_cores=NC, num_subcores=NS)
    f = pl.kernel(
        _spmm_body,
        out_type=[jax.ShapeDtypeStruct((ACC_ROWS, HCHUNK), jnp.float32)]
        * NCHUNKS,
        mesh=mesh,
        compiler_params=pltpu.CompilerParams(needs_layout_passes=False),
        scratch_types=[
            pltpu.VMEM((NDEPTH, 2, EB), jnp.int32),
            pltpu.VMEM((EB, HCHUNK), jnp.float32),
            pltpu.VMEM((EB, HCHUNK), jnp.float32),
            pltpu.SemaphoreType.DMA,
            pltpu.SemaphoreType.DMA,
            pltpu.SemaphoreType.DMA,
            pltpu.SemaphoreType.DMA,
            pltpu.VMEM_SHARED((ACC_ROWS, HCHUNK), jnp.float32),
        ],
    )
    return f(*u_chunks, sd_pad)


def _tail_body(r0, r1, r2, r3, u0, u1, u2, u3, dis_ref, bg_ref, wc1_ref,
               bc1_ref, wc2_ref, bc2_ref, out_ref):
    dis = dis_ref[...]
    z = None
    for k, (r_ref, u_ref) in enumerate(zip((r0, r1, r2, r3),
                                           (u0, u1, u2, u3))):
        g = dis * (r_ref[...] + u_ref[...]) \
            + bg_ref[:, k * HCHUNK:(k + 1) * HCHUNK]
        part = lax.dot_general(g, wc1_ref[:, k * HCHUNK:(k + 1) * HCHUNK],
                               (((1,), (1,)), ((), ())),
                               preferred_element_type=jnp.float32)
        z = part if z is None else z + part
    z = jnp.maximum(z + bc1_ref[...], 0.0)
    out_ref[...] = lax.dot_general(z, wc2_ref[...], (((1,), (1,)), ((), ())),
                                   preferred_element_type=jnp.float32) \
        + bc2_ref[...]


def _tail(raw_chunks, u_chunks, dis_col, b_gcn, w_c1, b_c1, w_c2, b_c2):
    nblk = N // NB_ROWS
    blk = pl.BlockSpec((NB_ROWS, HCHUNK), lambda i: (i, 0))
    return pl.pallas_call(
        _tail_body,
        grid=(nblk,),
        in_specs=[blk] * 8 + [
            pl.BlockSpec((NB_ROWS, 1), lambda i: (i, 0)),
            pl.BlockSpec((1, H), lambda i: (0, 0)),
            pl.BlockSpec((64, H), lambda i: (0, 0)),
            pl.BlockSpec((1, 64), lambda i: (0, 0)),
            pl.BlockSpec((2, 64), lambda i: (0, 0)),
            pl.BlockSpec((1, 2), lambda i: (0, 0)),
        ],
        out_specs=pl.BlockSpec((NB_ROWS, 2), lambda i: (i, 0)),
        out_shape=jax.ShapeDtypeStruct((N, 2), jnp.float32),
    )(*raw_chunks, *u_chunks, dis_col, b_gcn, w_c1, b_c1, w_c2, b_c2)


def kernel(x, edge_index, timestamps, W_in, b_in, W_t, b_t, W_gcn, b_gcn,
           W_c1, b_c1, W_c2, b_c2):
    src = edge_index[0]
    dst = edge_index[1]

    pad1 = NW * PT - E
    dst1 = jnp.concatenate([dst, jnp.full((pad1,), N, jnp.int32)])
    ts1 = jnp.concatenate([timestamps, jnp.full((pad1,), -1.0, jnp.float32)])
    dst1 = dst1.reshape(NW, PT)
    ts1 = ts1.reshape(NW, PT)

    ntp, degp = _node_stats(dst1, ts1)
    nt_row, dis_row = _combine(ntp, degp)
    nt_col = nt_row.reshape(NPAD)[:N].reshape(N, 1)
    dis_col = dis_row.reshape(NPAD)[:N].reshape(N, 1)

    u_chunks = _gemm1(x, W_in, b_in.reshape(1, H), W_t.reshape(1, H),
                      b_t.reshape(1, H), nt_col, W_gcn, dis_col)

    pad4 = NS * NBATCH * EB - E
    src4 = jnp.concatenate(
        [src.reshape(NS, EPT),
         jnp.zeros((NS, pad4 // NS), jnp.int32)], axis=1).reshape(
             NS, NBATCH, EB)
    dst4 = jnp.concatenate(
        [dst.reshape(NS, EPT),
         jnp.full((NS, pad4 // NS), N, jnp.int32)], axis=1).reshape(
             NS, NBATCH, EB)
    sd4 = jnp.stack([src4, dst4], axis=2)

    raw_chunks = _spmm(u_chunks, sd4)

    return _tail(raw_chunks, u_chunks, dis_col, b_gcn.reshape(1, H), W_c1,
                 b_c1.reshape(1, 64), W_c2, b_c2.reshape(1, 2))

# --- scband reference (transcript-rebuilt; emitter-appended) ---
"""Pipeline reference for scband-hmsta-v3-memory-7524782702613 (READ-ONLY COPY).

The authoritative reference and input builder live on the scoring server;
editing this copy changes nothing except your own understanding.
"""

import jax, jax.numpy as jnp
import numpy as np

N, E, F_IN, H = 10000, 160000, 256, 512

def setup_inputs(seed: int = 0):
    key = jax.random.key(seed)
    ks = jax.random.split(key, 13)
    x = jax.random.normal(ks[0], (N, F_IN), dtype=jnp.float32)
    edge_index = jax.random.randint(ks[1], (2, E), 0, N, dtype=jnp.int32)
    timestamps = jax.random.uniform(ks[2], (E,), dtype=jnp.float32)
    # learned params (torch Linear convention: W is [out, in])
    W_in = jax.random.normal(ks[3], (H, F_IN), dtype=jnp.float32) * 0.05
    b_in = jnp.zeros((H,), jnp.float32)
    W_t = jax.random.normal(ks[4], (H, 1), dtype=jnp.float32) * 0.05
    b_t = jnp.zeros((H,), jnp.float32)
    W_gcn = jax.random.normal(ks[5], (H, H), dtype=jnp.float32) * 0.05
    b_gcn = jnp.zeros((H,), jnp.float32)
    W_c1 = jax.random.normal(ks[6], (64, H), dtype=jnp.float32) * 0.05
    b_c1 = jnp.zeros((64,), jnp.float32)
    W_c2 = jax.random.normal(ks[7], (2, 64), dtype=jnp.float32) * 0.05
    b_c2 = jnp.zeros((2,), jnp.float32)
    return {"x": x, "edge_index": edge_index, "timestamps": timestamps,
            "W_in": W_in, "b_in": b_in, "W_t": W_t, "b_t": b_t,
            "W_gcn": W_gcn, "b_gcn": b_gcn, "W_c1": W_c1, "b_c1": b_c1,
            "W_c2": W_c2, "b_c2": b_c2}

def reference(x, edge_index, timestamps, W_in, b_in, W_t, b_t, W_gcn, b_gcn, W_c1, b_c1, W_c2, b_c2):
    n = x.shape[0]
    # input projection
    h = x @ W_in.T + b_in
    # scatter-max of edge timestamps onto dst nodes (empty nodes stay 0, matching torch_scatter)
    dst = edge_index[1]
    node_times = jnp.zeros((n,), x.dtype).at[dst].max(timestamps)
    tmin = node_times.min()
    tmax = node_times.max()
    node_times = jnp.where(tmax > tmin, (node_times - tmin) / (tmax - tmin + 1e-08), node_times)
    time_emb = node_times[:, None] @ W_t.T + b_t
    h = h + time_emb
    h = jax.nn.relu(h)
    # memory is freshly reset to zeros on first forward: h = h + 0 (update is a side-effect, no output impact)
    # GCNConv with symmetric normalization and self-loops
    idx = jnp.arange(n, dtype=edge_index.dtype)
    src2 = jnp.concatenate([edge_index[0], idx])
    dst2 = jnp.concatenate([edge_index[1], idx])
    deg = jnp.zeros((n,), x.dtype).at[dst2].add(1.0)
    dis = jnp.where(deg > 0, jax.lax.rsqrt(deg), 0.0)
    norm = dis[src2] * dis[dst2]
    hW = h @ W_gcn.T
    agg = jnp.zeros_like(hW).at[dst2].add(hW[src2] * norm[:, None])
    g = agg + b_gcn
    # dropout is identity in eval mode
    z = jax.nn.relu(g @ W_c1.T + b_c1)
    logits = z @ W_c2.T + b_c2
    return logits

if __name__ == "__main__":
    import jax
    _d = setup_inputs()
    print(jax.jit(kernel)(*tuple(_d.values())))

</pallas_src>

<mosaic_0001>
#map = affine_map<(d0, d1) -> (0, 0)>
#map1 = affine_map<(d0, d1) -> (0)>
module attributes {stable_mosaic.version = 14 : i64} {
  func.func @_stats_body(%arg0: i32, %arg1: i32, %arg2: memref<32x5008xi32, #tpu.memory_space<hbm>>, %arg3: memref<32x5008xf32, #tpu.memory_space<hbm>>, %arg4: memref<20480xf32, #tpu.memory_space<hbm>>, %arg5: memref<20480xf32, #tpu.memory_space<hbm>>, %arg6: memref<5008xi32, #tpu.memory_space<vmem>>, %arg7: memref<5008xf32, #tpu.memory_space<vmem>>, %arg8: memref<10240xf32, #tpu.memory_space<vmem>>, %arg9: memref<10240xf32, #tpu.memory_space<vmem>>, %arg10: memref<16x640xf32, #tpu.memory_space<vmem>>, %arg11: memref<16x640xf32, #tpu.memory_space<vmem>>, %arg12: memref<640xf32, #tpu.memory_space<vmem>>, %arg13: memref<640xf32, #tpu.memory_space<vmem>>, %arg14: memref<16x10240xf32, #tpu.memory_space<vmem_shared>>, %arg15: memref<16x10240xf32, #tpu.memory_space<vmem_shared>>) attributes {dimension_semantics = [#tpu.dimension_semantics<core_parallel>, #tpu.dimension_semantics<subcore_parallel>], iteration_bounds = array<i64: 2, 16>, scalar_prefetch = 0 : i64, scratch_operands = 10 : i64, tpu.core_type = #tpu.core_type<sc_vector_subcore>, window_params = [{transform_indices = #map}, {transform_indices = #map}, {transform_indices = #map1}, {transform_indices = #map1}]} {
    %mul3A = arith.constant 16 : i32
    %mul3A_0 = arith.muli %arg0, %mul3A : i32
    %add3A = arith.addi %mul3A_0, %arg1 : i32
    "tpu.region"() ({
      %run_scoped3A = tpu.sem_alloc : memref<!tpu.dma_semaphore, #tpu.memory_space<semaphore_mem>>
      %dma_start3A = arith.constant 0 : i32
      %dma_start3A_32 = tpu.memref_slice %arg2[%add3A, %dma_start3A] : memref<32x5008xi32, #tpu.memory_space<hbm>> -> memref<1x5008xi32, #tpu.memory_space<hbm>>
      %dma_start3A_33 = tpu.memref_squeeze %dma_start3A_32 : memref<1x5008xi32, #tpu.memory_space<hbm>> -> memref<5008xi32, #tpu.memory_space<hbm>>
      %dma_start3A_34 = arith.constant 0 : i32
      %dma_start3A_35 = tpu.memref_slice %arg2[%add3A, %dma_start3A_34] : memref<32x5008xi32, #tpu.memory_space<hbm>> -> memref<1x5008xi32, #tpu.memory_space<hbm>>
      %dma_start3A_36 = tpu.memref_squeeze %dma_start3A_35 : memref<1x5008xi32, #tpu.memory_space<hbm>> -> memref<5008xi32, #tpu.memory_space<hbm>>
      tpu.enqueue_dma source(%dma_start3A_36 : memref<5008xi32, #tpu.memory_space<hbm>>) target(%arg6 : memref<5008xi32, #tpu.memory_space<vmem>>) target_semaphore(%run_scoped3A : memref<!tpu.dma_semaphore, #tpu.memory_space<semaphore_mem>>)
      %dma_wait3A = arith.constant 0 : i32
      %dma_wait3A_37 = tpu.memref_slice %arg2[%add3A, %dma_wait3A] : memref<32x5008xi32, #tpu.memory_space<hbm>> -> memref<1x5008xi32, #tpu.memory_space<hbm>>
      %dma_wait3A_38 = tpu.memref_squeeze %dma_wait3A_37 : memref<1x5008xi32, #tpu.memory_space<hbm>> -> memref<5008xi32, #tpu.memory_space<hbm>>
      %dma_wait3A_39 = arith.constant 0 : i32
      %dma_wait3A_40 = tpu.memref_slice %arg2[%add3A, %dma_wait3A_39] : memref<32x5008xi32, #tpu.memory_space<hbm>> -> memref<1x5008xi32, #tpu.memory_space<hbm>>
      %dma_wait3A_41 = tpu.memref_squeeze %dma_wait3A_40 : memref<1x5008xi32, #tpu.memory_space<hbm>> -> memref<5008xi32, #tpu.memory_space<hbm>>
      tpu.wait_dma2 semaphore(%run_scoped3A : memref<!tpu.dma_semaphore, #tpu.memory_space<semaphore_mem>>) src(%dma_wait3A_41 : memref<5008xi32, #tpu.memory_space<hbm>>) dst(%arg6 : memref<5008xi32, #tpu.memory_space<vmem>>)
      tpu.yield
    }) : () -> ()
    "tpu.region"() ({
      %run_scoped3A = tpu.sem_alloc : memref<!tpu.dma_semaphore, #tpu.memory_space<semaphore_mem>>
      %dma_start3A = arith.constant 0 : i32
      %dma_start3A_32 = tpu.memref_slice %arg3[%add3A, %dma_start3A] : memref<32x5008xf32, #tpu.memory_space<hbm>> -> memref<1x5008xf32, #tpu.memory_space<hbm>>
      %dma_start3A_33 = tpu.memref_squeeze %dma_start3A_32 : memref<1x5008xf32, #tpu.memory_space<hbm>> -> memref<5008xf32, #tpu.memory_space<hbm>>
      %dma_start3A_34 = arith.constant 0 : i32
      %dma_start3A_35 = tpu.memref_slice %arg3[%add3A, %dma_start3A_34] : memref<32x5008xf32, #tpu.memory_space<hbm>> -> memref<1x5008xf32, #tpu.memory_space<hbm>>
      %dma_start3A_36 = tpu.memref_squeeze %dma_start3A_35 : memref<1x5008xf32, #tpu.memory_space<hbm>> -> memref<5008xf32, #tpu.memory_space<hbm>>
      tpu.enqueue_dma source(%dma_start3A_36 : memref<5008xf32, #tpu.memory_space<hbm>>) target(%arg7 : memref<5008xf32, #tpu.memory_space<vmem>>) target_semaphore(%run_scoped3A : memref<!tpu.dma_semaphore, #tpu.memory_space<semaphore_mem>>)
      %dma_wait3A = arith.constant 0 : i32
      %dma_wait3A_37 = tpu.memref_slice %arg3[%add3A, %dma_wait3A] : memref<32x5008xf32, #tpu.memory_space<hbm>> -> memref<1x5008xf32, #tpu.memory_space<hbm>>
      %dma_wait3A_38 = tpu.memref_squeeze %dma_wait3A_37 : memref<1x5008xf32, #tpu.memory_space<hbm>> -> memref<5008xf32, #tpu.memory_space<hbm>>
      %dma_wait3A_39 = arith.constant 0 : i32
      %dma_wait3A_40 = tpu.memref_slice %arg3[%add3A, %dma_wait3A_39] : memref<32x5008xf32, #tpu.memory_space<hbm>> -> memref<1x5008xf32, #tpu.memory_space<hbm>>
      %dma_wait3A_41 = tpu.memref_squeeze %dma_wait3A_40 : memref<1x5008xf32, #tpu.memory_space<hbm>> -> memref<5008xf32, #tpu.memory_space<hbm>>
      tpu.wait_dma2 semaphore(%run_scoped3A : memref<!tpu.dma_semaphore, #tpu.memory_space<semaphore_mem>>) src(%dma_wait3A_41 : memref<5008xf32, #tpu.memory_space<hbm>>) dst(%arg7 : memref<5008xf32, #tpu.memory_space<vmem>>)
      tpu.yield
    }) : () -> ()
    %broadcast_in_dim3A = arith.constant 0.000000e+00 : f32
    %broadcast_in_dim3A_1 = vector.broadcast %broadcast_in_dim3A : f32 to vector<16xf32>
    %broadcast_in_dim3A_2 = arith.constant 1.000000e+00 : f32
    %broadcast_in_dim3A_3 = vector.broadcast %broadcast_in_dim3A_2 : f32 to vector<16xf32>
    %scan3A = arith.constant 0 : i32
    %scan3A_4 = arith.constant 0 : i32
    %scan3A_5 = arith.constant 640 : i32
    %scan3A_6 = arith.addi %scan3A_4, %scan3A_5 : i32
    %scan3A_7 = arith.constant 1 : i32
    %scan3A_8 = scf.for %scan3A_32 = %scan3A_4 to %scan3A_6 step %scan3A_7 iter_args(%scan3A_33 = %scan3A) -> (i32)  : i32 {
      %mul3A_34 = arith.constant 16 : i32
      %mul3A_35 = arith.muli %scan3A_32, %mul3A_34 : i32
      %swap3A = arith.index_cast %mul3A_35 : i32 to index
      %swap3A_36 = tpu.vector_load %arg8[%swap3A] {strides = array<i32>} : memref<10240xf32, #tpu.memory_space<vmem>>, vector<16xf32>,
      tpu.vector_store %arg8[%swap3A], %broadcast_in_dim3A_1 {strides = array<i32>} : memref<10240xf32, #tpu.memory_space<vmem>>, vector<16xf32>,
      %mul3A_37 = arith.constant 16 : i32
      %mul3A_38 = arith.muli %scan3A_32, %mul3A_37 : i32
      %swap3A_39 = arith.index_cast %mul3A_38 : i32 to index
      %swap3A_40 = tpu.vector_load %arg9[%swap3A_39] {strides = array<i32>} : memref<10240xf32, #tpu.memory_space<vmem>>, vector<16xf32>,
      tpu.vector_store %arg9[%swap3A_39], %broadcast_in_dim3A_1 {strides = array<i32>} : memref<10240xf32, #tpu.memory_space<vmem>>, vector<16xf32>,
      %scan3A_41 = arith.constant 0 : i32
      scf.yield %scan3A_41 : i32
    }
    %scan3A_9 = arith.constant 640 : i32
    %scan3A_10 = arith.constant 0 : i32
    %scan3A_11 = arith.constant 0 : i32
    %scan3A_12 = arith.constant 313 : i32
    %scan3A_13 = arith.addi %scan3A_11, %scan3A_12 : i32
    %scan3A_14 = arith.constant 1 : i32
    %scan3A_15 = scf.for %scan3A_32 = %scan3A_11 to %scan3A_13 step %scan3A_14 iter_args(%scan3A_33 = %scan3A_10) -> (i32)  : i32 {
      %mul3A_34 = arith.constant 16 : i32
      %mul3A_35 = arith.muli %scan3A_32, %mul3A_34 : i32
      %get3A = arith.index_cast %mul3A_35 : i32 to index
      %get3A_36 = tpu.vector_load %arg6[%get3A] {strides = array<i32>} : memref<5008xi32, #tpu.memory_space<vmem>>, vector<16xi32>,
      %mul3A_37 = arith.constant 16 : i32
      %mul3A_38 = arith.muli %scan3A_32, %mul3A_37 : i32
      %get3A_39 = arith.index_cast %mul3A_38 : i32 to index
      %get3A_40 = tpu.vector_load %arg7[%get3A_39] {strides = array<i32>} : memref<5008xf32, #tpu.memory_space<vmem>>, vector<16xf32>,
      tpu.vector_store_idx %arg9[%get3A_36], %broadcast_in_dim3A_3 {add = true} : memref<10240xf32, #tpu.memory_space<vmem>>[vector<16xi32>], vector<16xf32>,
      %broadcast_in_dim3A_41 = arith.constant true
      %broadcast_in_dim3A_42 = vector.broadcast %broadcast_in_dim3A_41 : i1 to vector<16xi1>
      %while3A = scf.while (%while3A_44 = %broadcast_in_dim3A_42) : (vector<16xi1>) -> vector<16xi1> {
        %reduce_or3A = arith.constant 1.000000e+00 : f32
        %reduce_or3A_45 = arith.constant 0.000000e+00 : f32
        %reduce_or3A_46 = vector.broadcast %reduce_or3A : f32 to vector<16xf32>
        %reduce_or3A_47 = vector.broadcast %reduce_or3A_45 : f32 to vector<16xf32>
        %reduce_or3A_48 = arith.select %while3A_44, %reduce_or3A_46, %reduce_or3A_47 : vector<16xi1>, vector<16xf32>
        %reduce_or3A_49 = arith.constant true
        %reduce_or3A_50 = vector.broadcast %reduce_or3A_49 : i1 to vector<16xi1>
        %reduce_or3A_51 = tpu.scan <max>, %reduce_or3A_48 masked %reduce_or3A_50 : vector<16xf32>, vector<16xi1> -> vector<16xf32>
        %reduce_or3A_52 = vector.extract %reduce_or3A_51[15] : f32 from vector<16xf32>
        %reduce_or3A_53 = arith.constant 0.000000e+00 : f32
        %reduce_or3A_54 = arith.cmpf ogt, %reduce_or3A_52, %reduce_or3A_53 : f32
        scf.condition(%reduce_or3A_54) %while3A_44 : vector<16xi1>
      } do {
      ^bb0(%while3A_44: vector<16xi1>):
        %gather3A = tpu.vector_load_idx %arg8[%get3A_36] masked %while3A_44 : memref<10240xf32, #tpu.memory_space<vmem>>[vector<16xi32>], vector<16xf32>, vector<16xi1>
        %gt3A = arith.cmpf ogt, %get3A_40, %gather3A : vector<16xf32>
        %and3A = arith.andi %while3A_44, %gt3A : vector<16xi1>
        tpu.vector_store_idx %arg8[%get3A_36], %get3A_40 masked %and3A : memref<10240xf32, #tpu.memory_space<vmem>>[vector<16xi32>], vector<16xf32>, vector<16xi1>
        scf.yield %and3A : vector<16xi1>
      }
      %scan3A_43 = arith.constant 0 : i32
      scf.yield %scan3A_43 : i32
    }
    %scan3A_16 = arith.constant 313 : i32
    "tpu.region"() ({
      %run_scoped3A = tpu.sem_alloc : memref<!tpu.dma_semaphore, #tpu.memory_space<semaphore_mem>>
      %dma_start3A = arith.constant 0 : i32
      %dma_start3A_32 = tpu.memref_slice %arg14[%arg1, %dma_start3A] : memref<16x10240xf32, #tpu.memory_space<vmem_shared>> -> memref<1x10240xf32, #tpu.memory_space<vmem_shared>>
      %dma_start3A_33 = tpu.memref_squeeze %dma_start3A_32 : memref<1x10240xf32, #tpu.memory_space<vmem_shared>> -> memref<10240xf32, #tpu.memory_space<vmem_shared>>
      %dma_start3A_34 = arith.constant 0 : i32
      %dma_start3A_35 = tpu.memref_slice %arg14[%arg1, %dma_start3A_34] : memref<16x10240xf32, #tpu.memory_space<vmem_shared>> -> memref<1x10240xf32, #tpu.memory_space<vmem_shared>>
      %dma_start3A_36 = tpu.memref_squeeze %dma_start3A_35 : memref<1x10240xf32, #tpu.memory_space<vmem_shared>> -> memref<10240xf32, #tpu.memory_space<vmem_shared>>
      tpu.enqueue_dma source(%arg8 : memref<10240xf32, #tpu.memory_space<vmem>>) target(%dma_start3A_36 : memref<10240xf32, #tpu.memory_space<vmem_shared>>) target_semaphore(%run_scoped3A : memref<!tpu.dma_semaphore, #tpu.memory_space<semaphore_mem>>)
      %dma_wait3A = arith.constant 0 : i32
      %dma_wait3A_37 = tpu.memref_slice %arg14[%arg1, %dma_wait3A] : memref<16x10240xf32, #tpu.memory_space<vmem_shared>> -> memref<1x10240xf32, #tpu.memory_space<vmem_shared>>
      %dma_wait3A_38 = tpu.memref_squeeze %dma_wait3A_37 : memref<1x10240xf32, #tpu.memory_space<vmem_shared>> -> memref<10240xf32, #tpu.memory_space<vmem_shared>>
      %dma_wait3A_39 = arith.constant 0 : i32
      %dma_wait3A_40 = tpu.memref_slice %arg14[%arg1, %dma_wait3A_39] : memref<16x10240xf32, #tpu.memory_space<vmem_shared>> -> memref<1x10240xf32, #tpu.memory_space<vmem_shared>>
      %dma_wait3A_41 = tpu.memref_squeeze %dma_wait3A_40 : memref<1x10240xf32, #tpu.memory_space<vmem_shared>> -> memref<10240xf32, #tpu.memory_space<vmem_shared>>
      tpu.wait_dma2 semaphore(%run_scoped3A : memref<!tpu.dma_semaphore, #tpu.memory_space<semaphore_mem>>) src(%arg8 : memref<10240xf32, #tpu.memory_space<vmem>>) dst(%dma_wait3A_41 : memref<10240xf32, #tpu.memory_space<vmem_shared>>)
      tpu.yield
    }) : () -> ()
    "tpu.region"() ({
      %run_scoped3A = tpu.sem_alloc : memref<!tpu.dma_semaphore, #tpu.memory_space<semaphore_mem>>
      %dma_start3A = arith.constant 0 : i32
      %dma_start3A_32 = tpu.memref_slice %arg15[%arg1, %dma_start3A] : memref<16x10240xf32, #tpu.memory_space<vmem_shared>> -> memref<1x10240xf32, #tpu.memory_space<vmem_shared>>
      %dma_start3A_33 = tpu.memref_squeeze %dma_start3A_32 : memref<1x10240xf32, #tpu.memory_space<vmem_shared>> -> memref<10240xf32, #tpu.memory_space<vmem_shared>>
      %dma_start3A_34 = arith.constant 0 : i32
      %dma_start3A_35 = tpu.memref_slice %arg15[%arg1, %dma_start3A_34] : memref<16x10240xf32, #tpu.memory_space<vmem_shared>> -> memref<1x10240xf32, #tpu.memory_space<vmem_shared>>
      %dma_start3A_36 = tpu.memref_squeeze %dma_start3A_35 : memref<1x10240xf32, #tpu.memory_space<vmem_shared>> -> memref<10240xf32, #tpu.memory_space<vmem_shared>>
      tpu.enqueue_dma source(%arg9 : memref<10240xf32, #tpu.memory_space<vmem>>) target(%dma_start3A_36 : memref<10240xf32, #tpu.memory_space<vmem_shared>>) target_semaphore(%run_scoped3A : memref<!tpu.dma_semaphore, #tpu.memory_space<semaphore_mem>>)
      %dma_wait3A = arith.constant 0 : i32
      %dma_wait3A_37 = tpu.memref_slice %arg15[%arg1, %dma_wait3A] : memref<16x10240xf32, #tpu.memory_space<vmem_shared>> -> memref<1x10240xf32, #tpu.memory_space<vmem_shared>>
      %dma_wait3A_38 = tpu.memref_squeeze %dma_wait3A_37 : memref<1x10240xf32, #tpu.memory_space<vmem_shared>> -> memref<10240xf32, #tpu.memory_space<vmem_shared>>
      %dma_wait3A_39 = arith.constant 0 : i32
      %dma_wait3A_40 = tpu.memref_slice %arg15[%arg1, %dma_wait3A_39] : memref<16x10240xf32, #tpu.memory_space<vmem_shared>> -> memref<1x10240xf32, #tpu.memory_space<vmem_shared>>
      %dma_wait3A_41 = tpu.memref_squeeze %dma_wait3A_40 : memref<1x10240xf32, #tpu.memory_space<vmem_shared>> -> memref<10240xf32, #tpu.memory_space<vmem_shared>>
      tpu.wait_dma2 semaphore(%run_scoped3A : memref<!tpu.dma_semaphore, #tpu.memory_space<semaphore_mem>>) src(%arg9 : memref<10240xf32, #tpu.memory_space<vmem>>) dst(%dma_wait3A_41 : memref<10240xf32, #tpu.memory_space<vmem_shared>>)
      tpu.yield
    }) : () -> ()
    %barrier3A = arith.constant 0 : index
    tpu.barrier barrier_id(%barrier3A)
    %mul3A_17 = arith.constant 640 : i32
    %mul3A_18 = arith.muli %arg1, %mul3A_17 : i32
    "tpu.region"() ({
      %run_scoped3A = tpu.sem_alloc : memref<!tpu.dma_semaphore, #tpu.memory_space<semaphore_mem>>
      %dma_start3A = arith.constant 0 : i32
      %dma_start3A_32 = tpu.memref_slice %arg14[%dma_start3A, %mul3A_18] : memref<16x10240xf32, #tpu.memory_space<vmem_shared>> -> memref<16x640xf32, #tpu.memory_space<vmem_shared>>
      %dma_start3A_33 = arith.constant 0 : i32
      %dma_start3A_34 = tpu.memref_slice %arg14[%dma_start3A_33, %mul3A_18] : memref<16x10240xf32, #tpu.memory_space<vmem_shared>> -> memref<16x640xf32, #tpu.memory_space<vmem_shared>>
      tpu.enqueue_dma source(%dma_start3A_34 : memref<16x640xf32, #tpu.memory_space<vmem_shared>>) target(%arg10 : memref<16x640xf32, #tpu.memory_space<vmem>>) target_semaphore(%run_scoped3A : memref<!tpu.dma_semaphore, #tpu.memory_space<semaphore_mem>>)
      %dma_wait3A = arith.constant 0 : i32
      %dma_wait3A_35 = tpu.memref_slice %arg14[%dma_wait3A, %mul3A_18] : memref<16x10240xf32, #tpu.memory_space<vmem_shared>> -> memref<16x640xf32, #tpu.memory_space<vmem_shared>>
      %dma_wait3A_36 = arith.constant 0 : i32
      %dma_wait3A_37 = tpu.memref_slice %arg14[%dma_wait3A_36, %mul3A_18] : memref<16x10240xf32, #tpu.memory_space<vmem_shared>> -> memref<16x640xf32, #tpu.memory_space<vmem_shared>>
      tpu.wait_dma2 semaphore(%run_scoped3A : memref<!tpu.dma_semaphore, #tpu.memory_space<semaphore_mem>>) src(%dma_wait3A_37 : memref<16x640xf32, #tpu.memory_space<vmem_shared>>) dst(%arg10 : memref<16x640xf32, #tpu.memory_space<vmem>>)
      tpu.yield
    }) : () -> ()
    "tpu.region"() ({
      %run_scoped3A = tpu.sem_alloc : memref<!tpu.dma_semaphore, #tpu.memory_space<semaphore_mem>>
      %dma_start3A = arith.constant 0 : i32
      %dma_start3A_32 = tpu.memref_slice %arg15[%dma_start3A, %mul3A_18] : memref<16x10240xf32, #tpu.memory_space<vmem_shared>> -> memref<16x640xf32, #tpu.memory_space<vmem_shared>>
      %dma_start3A_33 = arith.constant 0 : i32
      %dma_start3A_34 = tpu.memref_slice %arg15[%dma_start3A_33, %mul3A_18] : memref<16x10240xf32, #tpu.memory_space<vmem_shared>> -> memref<16x640xf32, #tpu.memory_space<vmem_shared>>
      tpu.enqueue_dma source(%dma_start3A_34 : memref<16x640xf32, #tpu.memory_space<vmem_shared>>) target(%arg11 : memref<16x640xf32, #tpu.memory_space<vmem>>) target_semaphore(%run_scoped3A : memref<!tpu.dma_semaphore, #tpu.memory_space<semaphore_mem>>)
      %dma_wait3A = arith.constant 0 : i32
      %dma_wait3A_35 = tpu.memref_slice %arg15[%dma_wait3A, %mul3A_18] : memref<16x10240xf32, #tpu.memory_space<vmem_shared>> -> memref<16x640xf32, #tpu.memory_space<vmem_shared>>
      %dma_wait3A_36 = arith.constant 0 : i32
      %dma_wait3A_37 = tpu.memref_slice %arg15[%dma_wait3A_36, %mul3A_18] : memref<16x10240xf32, #tpu.memory_space<vmem_shared>> -> memref<16x640xf32, #tpu.memory_space<vmem_shared>>
      tpu.wait_dma2 semaphore(%run_scoped3A : memref<!tpu.dma_semaphore, #tpu.memory_space<semaphore_mem>>) src(%dma_wait3A_37 : memref<16x640xf32, #tpu.memory_space<vmem_shared>>) dst(%arg11 : memref<16x640xf32, #tpu.memory_space<vmem>>)
      tpu.yield
    }) : () -> ()
    %scan3A_19 = arith.constant 0 : i32
    %scan3A_20 = arith.constant 0 : i32
    %scan3A_21 = arith.constant 40 : i32
    %scan3A_22 = arith.addi %scan3A_20, %scan3A_21 : i32
    %scan3A_23 = arith.constant 1 : i32
    %scan3A_24 = scf.for %scan3A_32 = %scan3A_20 to %scan3A_22 step %scan3A_23 iter_args(%scan3A_33 = %scan3A_19) -> (i32)  : i32 {
      %mul3A_34 = arith.constant 16 : i32
      %mul3A_35 = arith.muli %scan3A_32, %mul3A_34 : i32
      %get3A = arith.constant 0 : i32
      %get3A_36 = arith.index_cast %get3A : i32 to index
      %get3A_37 = arith.index_cast %mul3A_35 : i32 to index
      %get3A_38 = tpu.vector_load %arg10[%get3A_36, %get3A_37] {strides = array<i32>} : memref<16x640xf32, #tpu.memory_space<vmem>>, vector<16xf32>,
      %mul3A_39 = arith.constant 16 : i32
      %mul3A_40 = arith.muli %scan3A_32, %mul3A_39 : i32
      %get3A_41 = arith.constant 0 : i32
      %get3A_42 = arith.index_cast %get3A_41 : i32 to index
      %get3A_43 = arith.index_cast %mul3A_40 : i32 to index
      %get3A_44 = tpu.vector_load %arg11[%get3A_42, %get3A_43] {strides = array<i32>} : memref<16x640xf32, #tpu.memory_space<vmem>>, vector<16xf32>,
      %mul3A_45 = arith.constant 16 : i32
      %mul3A_46 = arith.muli %scan3A_32, %mul3A_45 : i32
      %get3A_47 = arith.constant 1 : i32
      %get3A_48 = arith.index_cast %get3A_47 : i32 to index
      %get3A_49 = arith.index_cast %mul3A_46 : i32 to index
      %get3A_50 = tpu.vector_load %arg10[%get3A_48, %get3A_49] {strides = array<i32>} : memref<16x640xf32, #tpu.memory_space<vmem>>, vector<16xf32>,
      %max3A = arith.maximumf %get3A_38, %get3A_50 : vector<16xf32>
      %mul3A_51 = arith.constant 16 : i32
      %mul3A_52 = arith.muli %scan3A_32, %mul3A_51 : i32
      %get3A_53 = arith.constant 1 : i32
      %get3A_54 = arith.index_cast %get3A_53 : i32 to index
      %get3A_55 = arith.index_cast %mul3A_52 : i32 to index
      %get3A_56 = tpu.vector_load %arg11[%get3A_54, %get3A_55] {strides = array<i32>} : memref<16x640xf32, #tpu.memory_space<vmem>>, vector<16xf32>,
      %add3A_57 = arith.addf %get3A_44, %get3A_56 : vector<16xf32>
      %mul3A_58 = arith.constant 16 : i32
      %mul3A_59 = arith.muli %scan3A_32, %mul3A_58 : i32
      %get3A_60 = arith.constant 2 : i32
      %get3A_61 = arith.index_cast %get3A_60 : i32 to index
      %get3A_62 = arith.index_cast %mul3A_59 : i32 to index
      %get3A_63 = tpu.vector_load %arg10[%get3A_61, %get3A_62] {strides = array<i32>} : memref<16x640xf32, #tpu.memory_space<vmem>>, vector<16xf32>,
      %max3A_64 = arith.maximumf %max3A, %get3A_63 : vector<16xf32>
      %mul3A_65 = arith.constant 16 : i32
      %mul3A_66 = arith.muli %scan3A_32, %mul3A_65 : i32
      %get3A_67 = arith.constant 2 : i32
      %get3A_68 = arith.index_cast %get3A_67 : i32 to index
      %get3A_69 = arith.index_cast %mul3A_66 : i32 to index
      %get3A_70 = tpu.vector_load %arg11[%get3A_68, %get3A_69] {strides = array<i32>} : memref<16x640xf32, #tpu.memory_space<vmem>>, vector<16xf32>,
      %add3A_71 = arith.addf %add3A_57, %get3A_70 : vector<16xf32>
      %mul3A_72 = arith.constant 16 : i32
      %mul3A_73 = arith.muli %scan3A_32, %mul3A_72 : i32
      %get3A_74 = arith.constant 3 : i32
      %get3A_75 = arith.index_cast %get3A_74 : i32 to index
      %get3A_76 = arith.index_cast %mul3A_73 : i32 to index
      %get3A_77 = tpu.vector_load %arg10[%get3A_75, %get3A_76] {strides = array<i32>} : memref<16x640xf32, #tpu.memory_space<vmem>>, vector<16xf32>,
      %max3A_78 = arith.maximumf %max3A_64, %get3A_77 : vector<16xf32>
      %mul3A_79 = arith.constant 16 : i32
      %mul3A_80 = arith.muli %scan3A_32, %mul3A_79 : i32
      %get3A_81 = arith.constant 3 : i32
      %get3A_82 = arith.index_cast %get3A_81 : i32 to index
      %get3A_83 = arith.index_cast %mul3A_80 : i32 to index
      %get3A_84 = tpu.vector_load %arg11[%get3A_82, %get3A_83] {strides = array<i32>} : memref<16x640xf32, #tpu.memory_space<vmem>>, vector<16xf32>,
      %add3A_85 = arith.addf %add3A_71, %get3A_84 : vector<16xf32>
      %mul3A_86 = arith.constant 16 : i32
      %mul3A_87 = arith.muli %scan3A_32, %mul3A_86 : i32
      %get3A_88 = arith.constant 4 : i32
      %get3A_89 = arith.index_cast %get3A_88 : i32 to index
      %get3A_90 = arith.index_cast %mul3A_87 : i32 to index
      %get3A_91 = tpu.vector_load %arg10[%get3A_89, %get3A_90] {strides = array<i32>} : memref<16x640xf32, #tpu.memory_space<vmem>>, vector<16xf32>,
      %max3A_92 = arith.maximumf %max3A_78, %get3A_91 : vector<16xf32>
      %mul3A_93 = arith.constant 16 : i32
      %mul3A_94 = arith.muli %scan3A_32, %mul3A_93 : i32
      %get3A_95 = arith.constant 4 : i32
      %get3A_96 = arith.index_cast %get3A_95 : i32 to index
      %get3A_97 = arith.index_cast %mul3A_94 : i32 to index
      %get3A_98 = tpu.vector_load %arg11[%get3A_96, %get3A_97] {strides = array<i32>} : memref<16x640xf32, #tpu.memory_space<vmem>>, vector<16xf32>,
      %add3A_99 = arith.addf %add3A_85, %get3A_98 : vector<16xf32>
      %mul3A_100 = arith.constant 16 : i32
      %mul3A_101 = arith.muli %scan3A_32, %mul3A_100 : i32
      %get3A_102 = arith.constant 5 : i32
      %get3A_103 = arith.index_cast %get3A_102 : i32 to index
      %get3A_104 = arith.index_cast %mul3A_101 : i32 to index
      %get3A_105 = tpu.vector_load %arg10[%get3A_103, %get3A_104] {strides = array<i32>} : memref<16x640xf32, #tpu.memory_space<vmem>>, vector<16xf32>,
      %max3A_106 = arith.maximumf %max3A_92, %get3A_105 : vector<16xf32>
      %mul3A_107 = arith.constant 16 : i32
      %mul3A_108 = arith.muli %scan3A_32, %mul3A_107 : i32
      %get3A_109 = arith.constant 5 : i32
      %get3A_110 = arith.index_cast %get3A_109 : i32 to index
      %get3A_111 = arith.index_cast %mul3A_108 : i32 to index
      %get3A_112 = tpu.vector_load %arg11[%get3A_110, %get3A_111] {strides = array<i32>} : memref<16x640xf32, #tpu.memory_space<vmem>>, vector<16xf32>,
      %add3A_113 = arith.addf %add3A_99, %get3A_112 : vector<16xf32>
      %mul3A_114 = arith.constant 16 : i32
      %mul3A_115 = arith.muli %scan3A_32, %mul3A_114 : i32
      %get3A_116 = arith.constant 6 : i32
      %get3A_117 = arith.index_cast %get3A_116 : i32 to index
      %get3A_118 = arith.index_cast %mul3A_115 : i32 to index
      %get3A_119 = tpu.vector_load %arg10[%get3A_117, %get3A_118] {strides = array<i32>} : memref<16x640xf32, #tpu.memory_space<vmem>>, vector<16xf32>,
      %max3A_120 = arith.maximumf %max3A_106, %get3A_119 : vector<16xf32>
      %mul3A_121 = arith.constant 16 : i32
      %mul3A_122 = arith.muli %scan3A_32, %mul3A_121 : i32
      %get3A_123 = arith.constant 6 : i32
      %get3A_124 = arith.index_cast %get3A_123 : i32 to index
      %get3A_125 = arith.index_cast %mul3A_122 : i32 to index
      %get3A_126 = tpu.vector_load %arg11[%get3A_124, %get3A_125] {strides = array<i32>} : memref<16x640xf32, #tpu.memory_space<vmem>>, vector<16xf32>,
      %add3A_127 = arith.addf %add3A_113, %get3A_126 : vector<16xf32>
      %mul3A_128 = arith.constant 16 : i32
      %mul3A_129 = arith.muli %scan3A_32, %mul3A_128 : i32
      %get3A_130 = arith.constant 7 : i32
      %get3A_131 = arith.index_cast %get3A_130 : i32 to index
      %get3A_132 = arith.index_cast %mul3A_129 : i32 to index
      %get3A_133 = tpu.vector_load %arg10[%get3A_131, %get3A_132] {strides = array<i32>} : memref<16x640xf32, #tpu.memory_space<vmem>>, vector<16xf32>,
      %max3A_134 = arith.maximumf %max3A_120, %get3A_133 : vector<16xf32>
      %mul3A_135 = arith.constant 16 : i32
      %mul3A_136 = arith.muli %scan3A_32, %mul3A_135 : i32
      %get3A_137 = arith.constant 7 : i32
      %get3A_138 = arith.index_cast %get3A_137 : i32 to index
      %get3A_139 = arith.index_cast %mul3A_136 : i32 to index
      %get3A_140 = tpu.vector_load %arg11[%get3A_138, %get3A_139] {strides = array<i32>} : memref<16x640xf32, #tpu.memory_space<vmem>>, vector<16xf32>,
      %add3A_141 = arith.addf %add3A_127, %get3A_140 : vector<16xf32>
      %mul3A_142 = arith.constant 16 : i32
      %mul3A_143 = arith.muli %scan3A_32, %mul3A_142 : i32
      %get3A_144 = arith.constant 8 : i32
      %get3A_145 = arith.index_cast %get3A_144 : i32 to index
      %get3A_146 = arith.index_cast %mul3A_143 : i32 to index
      %get3A_147 = tpu.vector_load %arg10[%get3A_145, %get3A_146] {strides = array<i32>} : memref<16x640xf32, #tpu.memory_space<vmem>>, vector<16xf32>,
      %max3A_148 = arith.maximumf %max3A_134, %get3A_147 : vector<16xf32>
      %mul3A_149 = arith.constant 16 : i32
      %mul3A_150 = arith.muli %scan3A_32, %mul3A_149 : i32
      %get3A_151 = arith.constant 8 : i32
      %get3A_152 = arith.index_cast %get3A_151 : i32 to index
      %get3A_153 = arith.index_cast %mul3A_150 : i32 to index
      %get3A_154 = tpu.vector_load %arg11[%get3A_152, %get3A_153] {strides = array<i32>} : memref<16x640xf32, #tpu.memory_space<vmem>>, vector<16xf32>,
      %add3A_155 = arith.addf %add3A_141, %get3A_154 : vector<16xf32>
      %mul3A_156 = arith.constant 16 : i32
      %mul3A_157 = arith.muli %scan3A_32, %mul3A_156 : i32
      %get3A_158 = arith.constant 9 : i32
      %get3A_159 = arith.index_cast %get3A_158 : i32 to index
      %get3A_160 = arith.index_cast %mul3A_157 : i32 to index
      %get3A_161 = tpu.vector_load %arg10[%get3A_159, %get3A_160] {strides = array<i32>} : memref<16x640xf32, #tpu.memory_space<vmem>>, vector<16xf32>,
      %max3A_162 = arith.maximumf %max3A_148, %get3A_161 : vector<16xf32>
      %mul3A_163 = arith.constant 16 : i32
      %mul3A_164 = arith.muli %scan3A_32, %mul3A_163 : i32
      %get3A_165 = arith.constant 9 : i32
      %get3A_166 = arith.index_cast %get3A_165 : i32 to index
      %get3A_167 = arith.index_cast %mul3A_164 : i32 to index
      %get3A_168 = tpu.vector_load %arg11[%get3A_166, %get3A_167] {strides = array<i32>} : memref<16x640xf32, #tpu.memory_space<vmem>>, vector<16xf32>,
      %add3A_169 = arith.addf %add3A_155, %get3A_168 : vector<16xf32>
      %mul3A_170 = arith.constant 16 : i32
      %mul3A_171 = arith.muli %scan3A_32, %mul3A_170 : i32
      %get3A_172 = arith.constant 10 : i32
      %get3A_173 = arith.index_cast %get3A_172 : i32 to index
      %get3A_174 = arith.index_cast %mul3A_171 : i32 to index
      %get3A_175 = tpu.vector_load %arg10[%get3A_173, %get3A_174] {strides = array<i32>} : memref<16x640xf32, #tpu.memory_space<vmem>>, vector<16xf32>,
      %max3A_176 = arith.maximumf %max3A_162, %get3A_175 : vector<16xf32>
      %mul3A_177 = arith.constant 16 : i32
      %mul3A_178 = arith.muli %scan3A_32, %mul3A_177 : i32
      %get3A_179 = arith.constant 10 : i32
      %get3A_180 = arith.index_cast %get3A_179 : i32 to index
      %get3A_181 = arith.index_cast %mul3A_178 : i32 to index
      %get3A_182 = tpu.vector_load %arg11[%get3A_180, %get3A_181] {strides = array<i32>} : memref<16x640xf32, #tpu.memory_space<vmem>>, vector<16xf32>,
      %add3A_183 = arith.addf %add3A_169, %get3A_182 : vector<16xf32>
      %mul3A_184 = arith.constant 16 : i32
      %mul3A_185 = arith.muli %scan3A_32, %mul3A_184 : i32
      %get3A_186 = arith.constant 11 : i32
      %get3A_187 = arith.index_cast %get3A_186 : i32 to index
      %get3A_188 = arith.index_cast %mul3A_185 : i32 to index
      %get3A_189 = tpu.vector_load %arg10[%get3A_187, %get3A_188] {strides = array<i32>} : memref<16x640xf32, #tpu.memory_space<vmem>>, vector<16xf32>,
      %max3A_190 = arith.maximumf %max3A_176, %get3A_189 : vector<16xf32>
      %mul3A_191 = arith.constant 16 : i32
      %mul3A_192 = arith.muli %scan3A_32, %mul3A_191 : i32
      %get3A_193 = arith.constant 11 : i32
      %get3A_194 = arith.index_cast %get3A_193 : i32 to index
      %get3A_195 = arith.index_cast %mul3A_192 : i32 to index
      %get3A_196 = tpu.vector_load %arg11[%get3A_194, %get3A_195] {strides = array<i32>} : memref<16x640xf32, #tpu.memory_space<vmem>>, vector<16xf32>,
      %add3A_197 = arith.addf %add3A_183, %get3A_196 : vector<16xf32>
      %mul3A_198 = arith.constant 16 : i32
      %mul3A_199 = arith.muli %scan3A_32, %mul3A_198 : i32
      %get3A_200 = arith.constant 12 : i32
      %get3A_201 = arith.index_cast %get3A_200 : i32 to index
      %get3A_202 = arith.index_cast %mul3A_199 : i32 to index
      %get3A_203 = tpu.vector_load %arg10[%get3A_201, %get3A_202] {strides = array<i32>} : memref<16x640xf32, #tpu.memory_space<vmem>>, vector<16xf32>,
      %max3A_204 = arith.maximumf %max3A_190, %get3A_203 : vector<16xf32>
      %mul3A_205 = arith.constant 16 : i32
      %mul3A_206 = arith.muli %scan3A_32, %mul3A_205 : i32
      %get3A_207 = arith.constant 12 : i32
      %get3A_208 = arith.index_cast %get3A_207 : i32 to index
      %get3A_209 = arith.index_cast %mul3A_206 : i32 to index
      %get3A_210 = tpu.vector_load %arg11[%get3A_208, %get3A_209] {strides = array<i32>} : memref<16x640xf32, #tpu.memory_space<vmem>>, vector<16xf32>,
      %add3A_211 = arith.addf %add3A_197, %get3A_210 : vector<16xf32>
      %mul3A_212 = arith.constant 16 : i32
      %mul3A_213 = arith.muli %scan3A_32, %mul3A_212 : i32
      %get3A_214 = arith.constant 13 : i32
      %get3A_215 = arith.index_cast %get3A_214 : i32 to index
      %get3A_216 = arith.index_cast %mul3A_213 : i32 to index
      %get3A_217 = tpu.vector_load %arg10[%get3A_215, %get3A_216] {strides = array<i32>} : memref<16x640xf32, #tpu.memory_space<vmem>>, vector<16xf32>,
      %max3A_218 = arith.maximumf %max3A_204, %get3A_217 : vector<16xf32>
      %mul3A_219 = arith.constant 16 : i32
      %mul3A_220 = arith.muli %scan3A_32, %mul3A_219 : i32
      %get3A_221 = arith.constant 13 : i32
      %get3A_222 = arith.index_cast %get3A_221 : i32 to index
      %get3A_223 = arith.index_cast %mul3A_220 : i32 to index
      %get3A_224 = tpu.vector_load %arg11[%get3A_222, %get3A_223] {strides = array<i32>} : memref<16x640xf32, #tpu.memory_space<vmem>>, vector<16xf32>,
      %add3A_225 = arith.addf %add3A_211, %get3A_224 : vector<16xf32>
      %mul3A_226 = arith.constant 16 : i32
      %mul3A_227 = arith.muli %scan3A_32, %mul3A_226 : i32
      %get3A_228 = arith.constant 14 : i32
      %get3A_229 = arith.index_cast %get3A_228 : i32 to index
      %get3A_230 = arith.index_cast %mul3A_227 : i32 to index
      %get3A_231 = tpu.vector_load %arg10[%get3A_229, %get3A_230] {strides = array<i32>} : memref<16x640xf32, #tpu.memory_space<vmem>>, vector<16xf32>,
      %max3A_232 = arith.maximumf %max3A_218, %get3A_231 : vector<16xf32>
      %mul3A_233 = arith.constant 16 : i32
      %mul3A_234 = arith.muli %scan3A_32, %mul3A_233 : i32
      %get3A_235 = arith.constant 14 : i32
      %get3A_236 = arith.index_cast %get3A_235 : i32 to index
      %get3A_237 = arith.index_cast %mul3A_234 : i32 to index
      %get3A_238 = tpu.vector_load %arg11[%get3A_236, %get3A_237] {strides = array<i32>} : memref<16x640xf32, #tpu.memory_space<vmem>>, vector<16xf32>,
      %add3A_239 = arith.addf %add3A_225, %get3A_238 : vector<16xf32>
      %mul3A_240 = arith.constant 16 : i32
      %mul3A_241 = arith.muli %scan3A_32, %mul3A_240 : i32
      %get3A_242 = arith.constant 15 : i32
      %get3A_243 = arith.index_cast %get3A_242 : i32 to index
      %get3A_244 = arith.index_cast %mul3A_241 : i32 to index
      %get3A_245 = tpu.vector_load %arg10[%get3A_243, %get3A_244] {strides = array<i32>} : memref<16x640xf32, #tpu.memory_space<vmem>>, vector<16xf32>,
      %max3A_246 = arith.maximumf %max3A_232, %get3A_245 : vector<16xf32>
      %mul3A_247 = arith.constant 16 : i32
      %mul3A_248 = arith.muli %scan3A_32, %mul3A_247 : i32
      %get3A_249 = arith.constant 15 : i32
      %get3A_250 = arith.index_cast %get3A_249 : i32 to index
      %get3A_251 = arith.index_cast %mul3A_248 : i32 to index
      %get3A_252 = tpu.vector_load %arg11[%get3A_250, %get3A_251] {strides = array<i32>} : memref<16x640xf32, #tpu.memory_space<vmem>>, vector<16xf32>,
      %add3A_253 = arith.addf %add3A_239, %get3A_252 : vector<16xf32>
      %mul3A_254 = arith.constant 16 : i32
      %mul3A_255 = arith.muli %scan3A_32, %mul3A_254 : i32
      %swap3A = arith.index_cast %mul3A_255 : i32 to index
      %swap3A_256 = tpu.vector_load %arg12[%swap3A] {strides = array<i32>} : memref<640xf32, #tpu.memory_space<vmem>>, vector<16xf32>,
      tpu.vector_store %arg12[%swap3A], %max3A_246 {strides = array<i32>} : memref<640xf32, #tpu.memory_space<vmem>>, vector<16xf32>,
      %mul3A_257 = arith.constant 16 : i32
      %mul3A_258 = arith.muli %scan3A_32, %mul3A_257 : i32
      %swap3A_259 = arith.index_cast %mul3A_258 : i32 to index
      %swap3A_260 = tpu.vector_load %arg13[%swap3A_259] {strides = array<i32>} : memref<640xf32, #tpu.memory_space<vmem>>, vector<16xf32>,
      tpu.vector_store %arg13[%swap3A_259], %add3A_253 {strides = array<i32>} : memref<640xf32, #tpu.memory_space<vmem>>, vector<16xf32>,
      %scan3A_261 = arith.constant 0 : i32
      scf.yield %scan3A_261 : i32
    }
    %scan3A_25 = arith.constant 40 : i32
    %mul3A_26 = arith.constant 10240 : i32
    %mul3A_27 = arith.muli %arg0, %mul3A_26 : i32
    %add3A_28 = arith.addi %mul3A_27, %mul3A_18 : i32
    "tpu.region"() ({
      %run_scoped3A = tpu.sem_alloc : memref<!tpu.dma_semaphore, #tpu.memory_space<semaphore_mem>>
      %dma_start3A = tpu.memref_slice %arg4[%add3A_28] : memref<20480xf32, #tpu.memory_space<hbm>> -> memref<640xf32, #tpu.memory_space<hbm>>
      %dma_start3A_32 = tpu.memref_slice %arg4[%add3A_28] : memref<20480xf32, #tpu.memory_space<hbm>> -> memref<640xf32, #tpu.memory_space<hbm>>
      tpu.enqueue_dma source(%arg12 : memref<640xf32, #tpu.memory_space<vmem>>) target(%dma_start3A_32 : memref<640xf32, #tpu.memory_space<hbm>>) target_semaphore(%run_scoped3A : memref<!tpu.dma_semaphore, #tpu.memory_space<semaphore_mem>>)
      %dma_wait3A = tpu.memref_slice %arg4[%add3A_28] : memref<20480xf32, #tpu.memory_space<hbm>> -> memref<640xf32, #tpu.memory_space<hbm>>
      %dma_wait3A_33 = tpu.memref_slice %arg4[%add3A_28] : memref<20480xf32, #tpu.memory_space<hbm>> -> memref<640xf32, #tpu.memory_space<hbm>>
      tpu.wait_dma2 semaphore(%run_scoped3A : memref<!tpu.dma_semaphore, #tpu.memory_space<semaphore_mem>>) src(%arg12 : memref<640xf32, #tpu.memory_space<vmem>>) dst(%dma_wait3A_33 : memref<640xf32, #tpu.memory_space<hbm>>)
      tpu.yield
    }) : () -> ()
    %mul3A_29 = arith.constant 10240 : i32
    %mul3A_30 = arith.muli %arg0, %mul3A_29 : i32
    %add3A_31 = arith.addi %mul3A_30, %mul3A_18 : i32
    "tpu.region"() ({
      %run_scoped3A = tpu.sem_alloc : memref<!tpu.dma_semaphore, #tpu.memory_space<semaphore_mem>>
      %dma_start3A = tpu.memref_slice %arg5[%add3A_31] : memref<20480xf32, #tpu.memory_space<hbm>> -> memref<640xf32, #tpu.memory_space<hbm>>
      %dma_start3A_32 = tpu.memref_slice %arg5[%add3A_31] : memref<20480xf32, #tpu.memory_space<hbm>> -> memref<640xf32, #tpu.memory_space<hbm>>
      tpu.enqueue_dma source(%arg13 : memref<640xf32, #tpu.memory_space<vmem>>) target(%dma_start3A_32 : memref<640xf32, #tpu.memory_space<hbm>>) target_semaphore(%run_scoped3A : memref<!tpu.dma_semaphore, #tpu.memory_space<semaphore_mem>>)
      %dma_wait3A = tpu.memref_slice %arg5[%add3A_31] : memref<20480xf32, #tpu.memory_space<hbm>> -> memref<640xf32, #tpu.memory_space<hbm>>
      %dma_wait3A_33 = tpu.memref_slice %arg5[%add3A_31] : memref<20480xf32, #tpu.memory_space<hbm>> -> memref<640xf32, #tpu.memory_space<hbm>>
      tpu.wait_dma2 semaphore(%run_scoped3A : memref<!tpu.dma_semaphore, #tpu.memory_space<semaphore_mem>>) src(%arg13 : memref<640xf32, #tpu.memory_space<vmem>>) dst(%dma_wait3A_33 : memref<640xf32, #tpu.memory_space<hbm>>)
      tpu.yield
    }) : () -> ()
    return
  }
}

#map = affine_map<(d0, d1) -> (0, 0)>
#map1 = affine_map<(d0, d1) -> (0, 0, 0, 0)>
module attributes {stable_mosaic.version = 14 : i64} {
  func.func @_spmm_body(%arg0: i32, %arg1: i32, %arg2: memref<10000x128xf32, #tpu.memory_space<hbm>>, %arg3: memref<10000x128xf32, #tpu.memory_space<hbm>>, %arg4: memref<10000x128xf32, #tpu.memory_space<hbm>>, %arg5: memref<10000x128xf32, #tpu.memory_space<hbm>>, %arg6: memref<16x80x2x128xi32, #tpu.memory_space<hbm>>, %arg7: memref<10112x128xf32, #tpu.memory_space<hbm>>, %arg8: memref<10112x128xf32, #tpu.memory_space<hbm>>, %arg9: memref<10112x128xf32, #tpu.memory_space<hbm>>, %arg10: memref<10112x128xf32, #tpu.memory_space<hbm>>, %arg11: memref<2x2x128xi32, #tpu.memory_space<vmem>>, %arg12: memref<128x128xf32, #tpu.memory_space<vmem>>, %arg13: memref<128x128xf32, #tpu.memory_space<vmem>>, %arg14: memref<!tpu.dma_semaphore, #tpu.memory_space<semaphore_mem>>, %arg15: memref<!tpu.dma_semaphore, #tpu.memory_space<semaphore_mem>>, %arg16: memref<!tpu.dma_semaphore, #tpu.memory_space<semaphore_mem>>, %arg17: memref<!tpu.dma_semaphore, #tpu.memory_space<semaphore_mem>>, %arg18: memref<10112x128xf32, #tpu.memory_space<vmem_shared>>) attributes {dimension_semantics = [#tpu.dimension_semantics<core_parallel>, #tpu.dimension_semantics<subcore_parallel>], iteration_bounds = array<i64: 2, 16>, scalar_prefetch = 0 : i64, scratch_operands = 8 : i64, tpu.core_type = #tpu.core_type<sc_vector_subcore>, window_params = [{transform_indices = #map}, {transform_indices = #map}, {transform_indices = #map}, {transform_indices = #map}, {transform_indices = #map1}, {transform_indices = #map}, {transform_indices = #map}, {transform_indices = #map}, {transform_indices = #map}]} {
    %broadcast_in_dim3A = arith.constant 0.000000e+00 : f32
    %broadcast_in_dim3A_0 = vector.broadcast %broadcast_in_dim3A : f32 to vector<16xf32>
    %scan3A = arith.constant 0 : i32
    %scan3A_1 = arith.constant 0 : i32
    %scan3A_2 = arith.constant 1024 : i32
    %scan3A_3 = arith.addi %scan3A_1, %scan3A_2 : i32
    %scan3A_4 = arith.constant 1 : i32
    %scan3A_5 = scf.for %scan3A_74 = %scan3A_1 to %scan3A_3 step %scan3A_4 iter_args(%scan3A_75 = %scan3A) -> (i32)  : i32 {
      %jit3A = arith.constant 8 : i32
      %div3A = arith.divsi %scan3A_74, %jit3A : i32
      %sign3A = arith.constant 0 : i32
      %sign3A_76 = arith.cmpi sgt, %scan3A_74, %sign3A : i32
      %sign3A_77 = arith.extui %sign3A_76 : i1 to i32
      %sign3A_78 = arith.constant 0 : i32
      %sign3A_79 = arith.cmpi slt, %scan3A_74, %sign3A_78 : i32
      %sign3A_80 = arith.extui %sign3A_79 : i1 to i32
      %sign3A_81 = arith.subi %sign3A_77, %sign3A_80 : i32
      %sign3A_82 = arith.constant 0 : i32
      %sign3A_83 = arith.cmpi sgt, %jit3A, %sign3A_82 : i32
      %sign3A_84 = arith.extui %sign3A_83 : i1 to i32
      %sign3A_85 = arith.constant 0 : i32
      %sign3A_86 = arith.cmpi slt, %jit3A, %sign3A_85 : i32
      %sign3A_87 = arith.extui %sign3A_86 : i1 to i32
      %sign3A_88 = arith.subi %sign3A_84, %sign3A_87 : i32
      %ne3A = arith.cmpi ne, %sign3A_81, %sign3A_88 : i32
      %rem3A = arith.remsi %scan3A_74, %jit3A : i32
      %ne3A_89 = arith.constant 0 : i32
      %ne3A_90 = arith.cmpi ne, %rem3A, %ne3A_89 : i32
      %and3A = arith.andi %ne3A, %ne3A_90 : i1
      %sub3A = arith.constant 1 : i32
      %sub3A_91 = arith.subi %div3A, %sub3A : i32
      %select_n3A = arith.select %and3A, %sub3A_91, %div3A : i32
      %jit3A_92 = arith.constant 8 : i32
      %eq3A_93 = arith.constant 0 : i32
      %eq3A_94 = arith.cmpi eq, %jit3A_92, %eq3A_93 : i32
      %jit3A_95 = arith.constant 1 : i32
      %select_n3A_96 = arith.select %eq3A_94, %jit3A_95, %jit3A_92 : i32
      %rem3A_97 = arith.remsi %scan3A_74, %select_n3A_96 : i32
      %ne3A_98 = arith.constant 0 : i32
      %ne3A_99 = arith.cmpi ne, %rem3A_97, %ne3A_98 : i32
      %lt3A = arith.constant 0 : i32
      %lt3A_100 = arith.cmpi slt, %rem3A_97, %lt3A : i32
      %lt3A_101 = arith.constant 0 : i32
      %lt3A_102 = arith.cmpi slt, %select_n3A_96, %lt3A_101 : i32
      %ne3A_103 = arith.xori %lt3A_100, %lt3A_102 : i1
      %and3A_104 = arith.andi %ne3A_103, %ne3A_99 : i1
      %add3A_105 = arith.addi %rem3A_97, %select_n3A_96 : i32
      %select_n3A_106 = arith.select %and3A_104, %add3A_105, %rem3A_97 : i32
      %mul3A_107 = arith.constant 16 : i32
      %mul3A_108 = arith.muli %select_n3A_106, %mul3A_107 : i32
      %swap3A = arith.index_cast %select_n3A : i32 to index
      %swap3A_109 = arith.index_cast %mul3A_108 : i32 to index
      %swap3A_110 = tpu.vector_load %arg12[%swap3A, %swap3A_109] {strides = array<i32>} : memref<128x128xf32, #tpu.memory_space<vmem>>, vector<16xf32>,
      tpu.vector_store %arg12[%swap3A, %swap3A_109], %broadcast_in_dim3A_0 {strides = array<i32>} : memref<128x128xf32, #tpu.memory_space<vmem>>, vector<16xf32>,
      %scan3A_111 = arith.constant 0 : i32
      scf.yield %scan3A_111 : i32
    }
    %scan3A_6 = arith.constant 1024 : i32
    %mul3A = arith.constant 632 : i32
    %mul3A_7 = arith.muli %arg1, %mul3A : i32
    %scan3A_8 = arith.constant 0 : i32
    %scan3A_9 = arith.constant 0 : i32
    %scan3A_10 = arith.constant 4 : i32
    %scan3A_11 = arith.addi %scan3A_9, %scan3A_10 : i32
    %scan3A_12 = arith.constant 1 : i32
    %scan3A_13 = scf.for %scan3A_74 = %scan3A_9 to %scan3A_11 step %scan3A_12 iter_args(%scan3A_75 = %scan3A_8) -> (i32)  : i32 {
      %mul3A_76 = arith.constant 128 : i32
      %mul3A_77 = arith.muli %scan3A_74, %mul3A_76 : i32
      %add3A_78 = arith.addi %mul3A_7, %mul3A_77 : i32
      "tpu.region"() ({
        %run_scoped3A = tpu.sem_alloc : memref<!tpu.dma_semaphore, #tpu.memory_space<semaphore_mem>>
        %dma_start3A = arith.constant 0 : i32
        %dma_start3A_80 = tpu.memref_slice %arg18[%add3A_78, %dma_start3A] : memref<10112x128xf32, #tpu.memory_space<vmem_shared>> -> memref<128x128xf32, #tpu.memory_space<vmem_shared>>
        %dma_start3A_81 = arith.constant 0 : i32
        %dma_start3A_82 = tpu.memref_slice %arg18[%add3A_78, %dma_start3A_81] : memref<10112x128xf32, #tpu.memory_space<vmem_shared>> -> memref<128x128xf32, #tpu.memory_space<vmem_shared>>
        tpu.enqueue_dma source(%arg12 : memref<128x128xf32, #tpu.memory_space<vmem>>) target(%dma_start3A_82 : memref<128x128xf32, #tpu.memory_space<vmem_shared>>) target_semaphore(%run_scoped3A : memref<!tpu.dma_semaphore, #tpu.memory_space<semaphore_mem>>)
        %dma_wait3A = arith.constant 0 : i32
        %dma_wait3A_83 = tpu.memref_slice %arg18[%add3A_78, %dma_wait3A] : memref<10112x128xf32, #tpu.memory_space<vmem_shared>> -> memref<128x128xf32, #tpu.memory_space<vmem_shared>>
        %dma_wait3A_84 = arith.constant 0 : i32
        %dma_wait3A_85 = tpu.memref_slice %arg18[%add3A_78, %dma_wait3A_84] : memref<10112x128xf32, #tpu.memory_space<vmem_shared>> -> memref<128x128xf32, #tpu.memory_space<vmem_shared>>
        tpu.wait_dma2 semaphore(%run_scoped3A : memref<!tpu.dma_semaphore, #tpu.memory_space<semaphore_mem>>) src(%arg12 : memref<128x128xf32, #tpu.memory_space<vmem>>) dst(%dma_wait3A_85 : memref<128x128xf32, #tpu.memory_space<vmem_shared>>)
        tpu.yield
      }) : () -> ()
      %scan3A_79 = arith.constant 0 : i32
      scf.yield %scan3A_79 : i32
    }
    %scan3A_14 = arith.constant 4 : i32
    %add3A = arith.constant 512 : i32
    %add3A_15 = arith.addi %mul3A_7, %add3A : i32
    "tpu.region"() ({
      %run_scoped3A = tpu.sem_alloc : memref<!tpu.dma_semaphore, #tpu.memory_space<semaphore_mem>>
      %dma_start3A = arith.constant 0 : i32
      %dma_start3A_74 = arith.constant 0 : i32
      %dma_start3A_75 = tpu.memref_slice %arg12[%dma_start3A, %dma_start3A_74] : memref<128x128xf32, #tpu.memory_space<vmem>> -> memref<120x128xf32, #tpu.memory_space<vmem>>
      %dma_start3A_76 = arith.constant 0 : i32
      %dma_start3A_77 = tpu.memref_slice %arg18[%add3A_15, %dma_start3A_76] : memref<10112x128xf32, #tpu.memory_space<vmem_shared>> -> memref<120x128xf32, #tpu.memory_space<vmem_shared>>
      %dma_start3A_78 = arith.constant 0 : i32
      %dma_start3A_79 = tpu.memref_slice %arg18[%add3A_15, %dma_start3A_78] : memref<10112x128xf32, #tpu.memory_space<vmem_shared>> -> memref<120x128xf32, #tpu.memory_space<vmem_shared>>
      %dma_start3A_80 = arith.constant 0 : i32
      %dma_start3A_81 = arith.constant 0 : i32
      %dma_start3A_82 = tpu.memref_slice %arg12[%dma_start3A_80, %dma_start3A_81] : memref<128x128xf32, #tpu.memory_space<vmem>> -> memref<120x128xf32, #tpu.memory_space<vmem>>
      tpu.enqueue_dma source(%dma_start3A_82 : memref<120x128xf32, #tpu.memory_space<vmem>>) target(%dma_start3A_79 : memref<120x128xf32, #tpu.memory_space<vmem_shared>>) target_semaphore(%run_scoped3A : memref<!tpu.dma_semaphore, #tpu.memory_space<semaphore_mem>>)
      %dma_wait3A = arith.constant 0 : i32
      %dma_wait3A_83 = arith.constant 0 : i32
      %dma_wait3A_84 = tpu.memref_slice %arg12[%dma_wait3A, %dma_wait3A_83] : memref<128x128xf32, #tpu.memory_space<vmem>> -> memref<120x128xf32, #tpu.memory_space<vmem>>
      %dma_wait3A_85 = arith.constant 0 : i32
      %dma_wait3A_86 = tpu.memref_slice %arg18[%add3A_15, %dma_wait3A_85] : memref<10112x128xf32, #tpu.memory_space<vmem_shared>> -> memref<120x128xf32, #tpu.memory_space<vmem_shared>>
      %dma_wait3A_87 = arith.constant 0 : i32
      %dma_wait3A_88 = tpu.memref_slice %arg18[%add3A_15, %dma_wait3A_87] : memref<10112x128xf32, #tpu.memory_space<vmem_shared>> -> memref<120x128xf32, #tpu.memory_space<vmem_shared>>
      %dma_wait3A_89 = arith.constant 0 : i32
      %dma_wait3A_90 = arith.constant 0 : i32
      %dma_wait3A_91 = tpu.memref_slice %arg12[%dma_wait3A_89, %dma_wait3A_90] : memref<128x128xf32, #tpu.memory_space<vmem>> -> memref<120x128xf32, #tpu.memory_space<vmem>>
      tpu.wait_dma2 semaphore(%run_scoped3A : memref<!tpu.dma_semaphore, #tpu.memory_space<semaphore_mem>>) src(%dma_wait3A_91 : memref<120x128xf32, #tpu.memory_space<vmem>>) dst(%dma_wait3A_88 : memref<120x128xf32, #tpu.memory_space<vmem_shared>>)
      tpu.yield
    }) : () -> ()
    %barrier3A = arith.constant 0 : index
    tpu.barrier barrier_id(%barrier3A)
    %eq3A = arith.constant 0 : i32
    %eq3A_16 = arith.cmpi eq, %arg0, %eq3A : i32
    %convert_element_type3A = arith.extui %eq3A_16 : i1 to i32
    %cond3A = arith.constant 0 : i32
    %cond3A_17 = arith.cmpi ne, %convert_element_type3A, %cond3A : i32
    scf.if %cond3A_17 {
      %run_scoped3A = arith.constant 0 : i32
      %run_scoped3A_74 = arith.constant 0 : i32
      "tpu.region"() ({
        %run_scoped3A_84 = tpu.sem_alloc : memref<!tpu.dma_semaphore, #tpu.memory_space<semaphore_mem>>
        %dma_start3A = arith.constant 0 : i32
        %dma_start3A_85 = arith.constant 0 : i32
        %dma_start3A_86 = tpu.memref_slice %arg11[%run_scoped3A_74, %dma_start3A, %dma_start3A_85] : memref<2x2x128xi32, #tpu.memory_space<vmem>> -> memref<1x2x128xi32, #tpu.memory_space<vmem>>
        %dma_start3A_87 = tpu.memref_squeeze %dma_start3A_86 : memref<1x2x128xi32, #tpu.memory_space<vmem>> -> memref<2x128xi32, #tpu.memory_space<vmem>>
        %dma_start3A_88 = arith.constant 0 : i32
        %dma_start3A_89 = arith.constant 0 : i32
        %dma_start3A_90 = tpu.memref_slice %arg6[%arg1, %run_scoped3A, %dma_start3A_88, %dma_start3A_89] : memref<16x80x2x128xi32, #tpu.memory_space<hbm>> -> memref<1x1x2x128xi32, #tpu.memory_space<hbm>>
        %dma_start3A_91 = tpu.memref_squeeze %dma_start3A_90 : memref<1x1x2x128xi32, #tpu.memory_space<hbm>> -> memref<2x128xi32, #tpu.memory_space<hbm>>
        %dma_start3A_92 = arith.constant 0 : i32
        %dma_start3A_93 = arith.constant 0 : i32
        %dma_start3A_94 = tpu.memref_slice %arg11[%run_scoped3A_74, %dma_start3A_92, %dma_start3A_93] : memref<2x2x128xi32, #tpu.memory_space<vmem>> -> memref<1x2x128xi32, #tpu.memory_space<vmem>>
        %dma_start3A_95 = tpu.memref_squeeze %dma_start3A_94 : memref<1x2x128xi32, #tpu.memory_space<vmem>> -> memref<2x128xi32, #tpu.memory_space<vmem>>
        %dma_start3A_96 = arith.constant 0 : i32
        %dma_start3A_97 = arith.constant 0 : i32
        %dma_start3A_98 = tpu.memref_slice %arg6[%arg1, %run_scoped3A, %dma_start3A_96, %dma_start3A_97] : memref<16x80x2x128xi32, #tpu.memory_space<hbm>> -> memref<1x1x2x128xi32, #tpu.memory_space<hbm>>
        %dma_start3A_99 = tpu.memref_squeeze %dma_start3A_98 : memref<1x1x2x128xi32, #tpu.memory_space<hbm>> -> memref<2x128xi32, #tpu.memory_space<hbm>>
        tpu.enqueue_dma source(%dma_start3A_99 : memref<2x128xi32, #tpu.memory_space<hbm>>) target(%dma_start3A_95 : memref<2x128xi32, #tpu.memory_space<vmem>>) target_semaphore(%run_scoped3A_84 : memref<!tpu.dma_semaphore, #tpu.memory_space<semaphore_mem>>)
        %dma_wait3A = arith.constant 0 : i32
        %dma_wait3A_100 = arith.constant 0 : i32
        %dma_wait3A_101 = tpu.memref_slice %arg11[%run_scoped3A_74, %dma_wait3A, %dma_wait3A_100] : memref<2x2x128xi32, #tpu.memory_space<vmem>> -> memref<1x2x128xi32, #tpu.memory_space<vmem>>
        %dma_wait3A_102 = tpu.memref_squeeze %dma_wait3A_101 : memref<1x2x128xi32, #tpu.memory_space<vmem>> -> memref<2x128xi32, #tpu.memory_space<vmem>>
        %dma_wait3A_103 = arith.constant 0 : i32
        %dma_wait3A_104 = arith.constant 0 : i32
        %dma_wait3A_105 = tpu.memref_slice %arg6[%arg1, %run_scoped3A, %dma_wait3A_103, %dma_wait3A_104] : memref<16x80x2x128xi32, #tpu.memory_space<hbm>> -> memref<1x1x2x128xi32, #tpu.memory_space<hbm>>
        %dma_wait3A_106 = tpu.memref_squeeze %dma_wait3A_105 : memref<1x1x2x128xi32, #tpu.memory_space<hbm>> -> memref<2x128xi32, #tpu.memory_space<hbm>>
        %dma_wait3A_107 = arith.constant 0 : i32
        %dma_wait3A_108 = arith.constant 0 : i32
        %dma_wait3A_109 = tpu.memref_slice %arg11[%run_scoped3A_74, %dma_wait3A_107, %dma_wait3A_108] : memref<2x2x128xi32, #tpu.memory_space<vmem>> -> memref<1x2x128xi32, #tpu.memory_space<vmem>>
        %dma_wait3A_110 = tpu.memref_squeeze %dma_wait3A_109 : memref<1x2x128xi32, #tpu.memory_space<vmem>> -> memref<2x128xi32, #tpu.memory_space<vmem>>
        %dma_wait3A_111 = arith.constant 0 : i32
        %dma_wait3A_112 = arith.constant 0 : i32
        %dma_wait3A_113 = tpu.memref_slice %arg6[%arg1, %run_scoped3A, %dma_wait3A_111, %dma_wait3A_112] : memref<16x80x2x128xi32, #tpu.memory_space<hbm>> -> memref<1x1x2x128xi32, #tpu.memory_space<hbm>>
        %dma_wait3A_114 = tpu.memref_squeeze %dma_wait3A_113 : memref<1x1x2x128xi32, #tpu.memory_space<hbm>> -> memref<2x128xi32, #tpu.memory_space<hbm>>
        tpu.wait_dma2 semaphore(%run_scoped3A_84 : memref<!tpu.dma_semaphore, #tpu.memory_space<semaphore_mem>>) src(%dma_wait3A_114 : memref<2x128xi32, #tpu.memory_space<hbm>>) dst(%dma_wait3A_110 : memref<2x128xi32, #tpu.memory_space<vmem>>)
        tpu.yield
      }) : () -> ()
      %run_scoped3A_75 = arith.constant 1 : i32
      %run_scoped3A_76 = arith.constant 1 : i32
      "tpu.region"() ({
        %run_scoped3A_84 = tpu.sem_alloc : memref<!tpu.dma_semaphore, #tpu.memory_space<semaphore_mem>>
        %dma_start3A = arith.constant 0 : i32
        %dma_start3A_85 = arith.constant 0 : i32
        %dma_start3A_86 = tpu.memref_slice %arg11[%run_scoped3A_76, %dma_start3A, %dma_start3A_85] : memref<2x2x128xi32, #tpu.memory_space<vmem>> -> memref<1x2x128xi32, #tpu.memory_space<vmem>>
        %dma_start3A_87 = tpu.memref_squeeze %dma_start3A_86 : memref<1x2x128xi32, #tpu.memory_space<vmem>> -> memref<2x128xi32, #tpu.memory_space<vmem>>
        %dma_start3A_88 = arith.constant 0 : i32
        %dma_start3A_89 = arith.constant 0 : i32
        %dma_start3A_90 = tpu.memref_slice %arg6[%arg1, %run_scoped3A_75, %dma_start3A_88, %dma_start3A_89] : memref<16x80x2x128xi32, #tpu.memory_space<hbm>> -> memref<1x1x2x128xi32, #tpu.memory_space<hbm>>
        %dma_start3A_91 = tpu.memref_squeeze %dma_start3A_90 : memref<1x1x2x128xi32, #tpu.memory_space<hbm>> -> memref<2x128xi32, #tpu.memory_space<hbm>>
        %dma_start3A_92 = arith.constant 0 : i32
        %dma_start3A_93 = arith.constant 0 : i32
        %dma_start3A_94 = tpu.memref_slice %arg11[%run_scoped3A_76, %dma_start3A_92, %dma_start3A_93] : memref<2x2x128xi32, #tpu.memory_space<vmem>> -> memref<1x2x128xi32, #tpu.memory_space<vmem>>
        %dma_start3A_95 = tpu.memref_squeeze %dma_start3A_94 : memref<1x2x128xi32, #tpu.memory_space<vmem>> -> memref<2x128xi32, #tpu.memory_space<vmem>>
        %dma_start3A_96 = arith.constant 0 : i32
        %dma_start3A_97 = arith.constant 0 : i32
        %dma_start3A_98 = tpu.memref_slice %arg6[%arg1, %run_scoped3A_75, %dma_start3A_96, %dma_start3A_97] : memref<16x80x2x128xi32, #tpu.memory_space<hbm>> -> memref<1x1x2x128xi32, #tpu.memory_space<hbm>>
        %dma_start3A_99 = tpu.memref_squeeze %dma_start3A_98 : memref<1x1x2x128xi32, #tpu.memory_space<hbm>> -> memref<2x128xi32, #tpu.memory_space<hbm>>
        tpu.enqueue_dma source(%dma_start3A_99 : memref<2x128xi32, #tpu.memory_space<hbm>>) target(%dma_start3A_95 : memref<2x128xi32, #tpu.memory_space<vmem>>) target_semaphore(%run_scoped3A_84 : memref<!tpu.dma_semaphore, #tpu.memory_space<semaphore_mem>>)
        %dma_wait3A = arith.constant 0 : i32
        %dma_wait3A_100 = arith.constant 0 : i32
        %dma_wait3A_101 = tpu.memref_slice %arg11[%run_scoped3A_76, %dma_wait3A, %dma_wait3A_100] : memref<2x2x128xi32, #tpu.memory_space<vmem>> -> memref<1x2x128xi32, #tpu.memory_space<vmem>>
        %dma_wait3A_102 = tpu.memref_squeeze %dma_wait3A_101 : memref<1x2x128xi32, #tpu.memory_space<vmem>> -> memref<2x128xi32, #tpu.memory_space<vmem>>
        %dma_wait3A_103 = arith.constant 0 : i32
        %dma_wait3A_104 = arith.constant 0 : i32
        %dma_wait3A_105 = tpu.memref_slice %arg6[%arg1, %run_scoped3A_75, %dma_wait3A_103, %dma_wait3A_104] : memref<16x80x2x128xi32, #tpu.memory_space<hbm>> -> memref<1x1x2x128xi32, #tpu.memory_space<hbm>>
        %dma_wait3A_106 = tpu.memref_squeeze %dma_wait3A_105 : memref<1x1x2x128xi32, #tpu.memory_space<hbm>> -> memref<2x128xi32, #tpu.memory_space<hbm>>
        %dma_wait3A_107 = arith.constant 0 : i32
        %dma_wait3A_108 = arith.constant 0 : i32
        %dma_wait3A_109 = tpu.memref_slice %arg11[%run_scoped3A_76, %dma_wait3A_107, %dma_wait3A_108] : memref<2x2x128xi32, #tpu.memory_space<vmem>> -> memref<1x2x128xi32, #tpu.memory_space<vmem>>
        %dma_wait3A_110 = tpu.memref_squeeze %dma_wait3A_109 : memref<1x2x128xi32, #tpu.memory_space<vmem>> -> memref<2x128xi32, #tpu.memory_space<vmem>>
        %dma_wait3A_111 = arith.constant 0 : i32
        %dma_wait3A_112 = arith.constant 0 : i32
        %dma_wait3A_113 = tpu.memref_slice %arg6[%arg1, %run_scoped3A_75, %dma_wait3A_111, %dma_wait3A_112] : memref<16x80x2x128xi32, #tpu.memory_space<hbm>> -> memref<1x1x2x128xi32, #tpu.memory_space<hbm>>
        %dma_wait3A_114 = tpu.memref_squeeze %dma_wait3A_113 : memref<1x1x2x128xi32, #tpu.memory_space<hbm>> -> memref<2x128xi32, #tpu.memory_space<hbm>>
        tpu.wait_dma2 semaphore(%run_scoped3A_84 : memref<!tpu.dma_semaphore, #tpu.memory_space<semaphore_mem>>) src(%dma_wait3A_114 : memref<2x128xi32, #tpu.memory_space<hbm>>) dst(%dma_wait3A_110 : memref<2x128xi32, #tpu.memory_space<vmem>>)
        tpu.yield
      }) : () -> ()
      %scan3A_77 = arith.constant 0 : i32
      %scan3A_78 = arith.constant 0 : i32
      %scan3A_79 = arith.constant 40 : i32
      %scan3A_80 = arith.addi %scan3A_78, %scan3A_79 : i32
      %scan3A_81 = arith.constant 1 : i32
      %scan3A_82 = scf.for %scan3A_84 = %scan3A_78 to %scan3A_80 step %scan3A_81 iter_args(%scan3A_85 = %scan3A_77) -> (i32)  : i32 {
        %mul3A_86 = arith.constant 2 : i32
        %mul3A_87 = arith.muli %mul3A_86, %scan3A_84 : i32
        %run_scoped3A_88 = arith.constant 0 : i32
        %run_scoped3A_89 = arith.constant 1 : i32
        "tpu.region"() ({
          %run_scoped3A_128 = tpu.sem_alloc : memref<!tpu.dma_semaphore, #tpu.memory_space<semaphore_mem>>
          %dma_start3A = arith.constant 0 : i32
          %dma_start3A_129 = tpu.memref_slice %arg11[%run_scoped3A_88, %run_scoped3A_89, %dma_start3A] : memref<2x2x128xi32, #tpu.memory_space<vmem>> -> memref<1x1x128xi32, #tpu.memory_space<vmem>>
          %dma_start3A_130 = tpu.memref_squeeze %dma_start3A_129 : memref<1x1x128xi32, #tpu.memory_space<vmem>> -> memref<128xi32, #tpu.memory_space<vmem>>
          %dma_start3A_131 = arith.constant 0 : i32
          %dma_start3A_132 = arith.constant 0 : i32
          %dma_start3A_133 = tpu.memref_slice %arg18[%dma_start3A_131, %dma_start3A_132] : memref<10112x128xf32, #tpu.memory_space<vmem_shared>> -> memref<10112x128xf32, #tpu.memory_space<vmem_shared>>
          tpu.enqueue_indirect_dma source(%arg12 : memref<128x128xf32, #tpu.memory_space<vmem>>) target(%dma_start3A_133 : memref<10112x128xf32, #tpu.memory_space<vmem_shared>>) offsets(%dma_start3A_130 : memref<128xi32, #tpu.memory_space<vmem>>) semaphore(%run_scoped3A_128 : memref<!tpu.dma_semaphore, #tpu.memory_space<semaphore_mem>>) {add = true}
          %dma_wait3A = arith.constant 0 : i32
          %dma_wait3A_134 = tpu.memref_slice %arg11[%run_scoped3A_88, %run_scoped3A_89, %dma_wait3A] : memref<2x2x128xi32, #tpu.memory_space<vmem>> -> memref<1x1x128xi32, #tpu.memory_space<vmem>>
          %dma_wait3A_135 = tpu.memref_squeeze %dma_wait3A_134 : memref<1x1x128xi32, #tpu.memory_space<vmem>> -> memref<128xi32, #tpu.memory_space<vmem>>
          %dma_wait3A_136 = arith.constant 0 : i32
          %dma_wait3A_137 = arith.constant 0 : i32
          %dma_wait3A_138 = tpu.memref_slice %arg18[%dma_wait3A_136, %dma_wait3A_137] : memref<10112x128xf32, #tpu.memory_space<vmem_shared>> -> memref<10112x128xf32, #tpu.memory_space<vmem_shared>>
          tpu.wait_indirect_dma semaphore(%run_scoped3A_128 : memref<!tpu.dma_semaphore, #tpu.memory_space<semaphore_mem>>) src(%arg12 : memref<128x128xf32, #tpu.memory_space<vmem>>) dst(%dma_wait3A_138 : memref<10112x128xf32, #tpu.memory_space<vmem_shared>>)
          tpu.yield
        }) : () -> ()
        %add3A_90 = arith.constant 2 : i32
        %add3A_91 = arith.addi %mul3A_87, %add3A_90 : i32
        %add3A_92 = arith.constant 0 : i32
        %add3A_93 = arith.addi %add3A_91, %add3A_92 : i32
        %lt3A = arith.constant 80 : i32
        %lt3A_94 = arith.cmpi slt, %add3A_93, %lt3A : i32
        %convert_element_type3A_95 = arith.extui %lt3A_94 : i1 to i32
        %cond3A_96 = arith.constant 0 : i32
        %cond3A_97 = arith.cmpi ne, %convert_element_type3A_95, %cond3A_96 : i32
        scf.if %cond3A_97 {
          %add3A_128 = arith.constant 2 : i32
          %add3A_129 = arith.addi %mul3A_87, %add3A_128 : i32
          %add3A_130 = arith.constant 0 : i32
          %add3A_131 = arith.addi %add3A_129, %add3A_130 : i32
          %dma_start3A = arith.constant 0 : i32
          %dma_start3A_132 = arith.constant 0 : i32
          %dma_start3A_133 = arith.constant 0 : i32
          %dma_start3A_134 = tpu.memref_slice %arg11[%dma_start3A, %dma_start3A_132, %dma_start3A_133] : memref<2x2x128xi32, #tpu.memory_space<vmem>> -> memref<1x2x128xi32, #tpu.memory_space<vmem>>
          %dma_start3A_135 = tpu.memref_squeeze %dma_start3A_134 : memref<1x2x128xi32, #tpu.memory_space<vmem>> -> memref<2x128xi32, #tpu.memory_space<vmem>>
          %dma_start3A_136 = arith.constant 0 : i32
          %dma_start3A_137 = arith.constant 0 : i32
          %dma_start3A_138 = tpu.memref_slice %arg6[%arg1, %add3A_131, %dma_start3A_136, %dma_start3A_137] : memref<16x80x2x128xi32, #tpu.memory_space<hbm>> -> memref<1x1x2x128xi32, #tpu.memory_space<hbm>>
          %dma_start3A_139 = tpu.memref_squeeze %dma_start3A_138 : memref<1x1x2x128xi32, #tpu.memory_space<hbm>> -> memref<2x128xi32, #tpu.memory_space<hbm>>
          %dma_start3A_140 = arith.constant 0 : i32
          %dma_start3A_141 = arith.constant 0 : i32
          %dma_start3A_142 = tpu.memref_slice %arg11[%dma_start3A, %dma_start3A_140, %dma_start3A_141] : memref<2x2x128xi32, #tpu.memory_space<vmem>> -> memref<1x2x128xi32, #tpu.memory_space<vmem>>
          %dma_start3A_143 = tpu.memref_squeeze %dma_start3A_142 : memref<1x2x128xi32, #tpu.memory_space<vmem>> -> memref<2x128xi32, #tpu.memory_space<vmem>>
          %dma_start3A_144 = arith.constant 0 : i32
          %dma_start3A_145 = arith.constant 0 : i32
          %dma_start3A_146 = tpu.memref_slice %arg6[%arg1, %add3A_131, %dma_start3A_144, %dma_start3A_145] : memref<16x80x2x128xi32, #tpu.memory_space<hbm>> -> memref<1x1x2x128xi32, #tpu.memory_space<hbm>>
          %dma_start3A_147 = tpu.memref_squeeze %dma_start3A_146 : memref<1x1x2x128xi32, #tpu.memory_space<hbm>> -> memref<2x128xi32, #tpu.memory_space<hbm>>
          tpu.enqueue_dma source(%dma_start3A_147 : memref<2x128xi32, #tpu.memory_space<hbm>>) target(%dma_start3A_143 : memref<2x128xi32, #tpu.memory_space<vmem>>) target_semaphore(%arg14 : memref<!tpu.dma_semaphore, #tpu.memory_space<semaphore_mem>>)
        } else {
        }
        %run_scoped3A_98 = arith.constant 1 : i32
        %run_scoped3A_99 = arith.constant 1 : i32
        "tpu.region"() ({
          %run_scoped3A_128 = tpu.sem_alloc : memref<!tpu.dma_semaphore, #tpu.memory_space<semaphore_mem>>
          %dma_start3A = arith.constant 0 : i32
          %dma_start3A_129 = tpu.memref_slice %arg11[%run_scoped3A_98, %run_scoped3A_99, %dma_start3A] : memref<2x2x128xi32, #tpu.memory_space<vmem>> -> memref<1x1x128xi32, #tpu.memory_space<vmem>>
          %dma_start3A_130 = tpu.memref_squeeze %dma_start3A_129 : memref<1x1x128xi32, #tpu.memory_space<vmem>> -> memref<128xi32, #tpu.memory_space<vmem>>
          %dma_start3A_131 = arith.constant 0 : i32
          %dma_start3A_132 = arith.constant 0 : i32
          %dma_start3A_133 = tpu.memref_slice %arg18[%dma_start3A_131, %dma_start3A_132] : memref<10112x128xf32, #tpu.memory_space<vmem_shared>> -> memref<10112x128xf32, #tpu.memory_space<vmem_shared>>
          tpu.enqueue_indirect_dma source(%arg13 : memref<128x128xf32, #tpu.memory_space<vmem>>) target(%dma_start3A_133 : memref<10112x128xf32, #tpu.memory_space<vmem_shared>>) offsets(%dma_start3A_130 : memref<128xi32, #tpu.memory_space<vmem>>) semaphore(%run_scoped3A_128 : memref<!tpu.dma_semaphore, #tpu.memory_space<semaphore_mem>>) {add = true}
          %dma_wait3A = arith.constant 0 : i32
          %dma_wait3A_134 = tpu.memref_slice %arg11[%run_scoped3A_98, %run_scoped3A_99, %dma_wait3A] : memref<2x2x128xi32, #tpu.memory_space<vmem>> -> memref<1x1x128xi32, #tpu.memory_space<vmem>>
          %dma_wait3A_135 = tpu.memref_squeeze %dma_wait3A_134 : memref<1x1x128xi32, #tpu.memory_space<vmem>> -> memref<128xi32, #tpu.memory_space<vmem>>
          %dma_wait3A_136 = arith.constant 0 : i32
          %dma_wait3A_137 = arith.constant 0 : i32
          %dma_wait3A_138 = tpu.memref_slice %arg18[%dma_wait3A_136, %dma_wait3A_137] : memref<10112x128xf32, #tpu.memory_space<vmem_shared>> -> memref<10112x128xf32, #tpu.memory_space<vmem_shared>>
          tpu.wait_indirect_dma semaphore(%run_scoped3A_128 : memref<!tpu.dma_semaphore, #tpu.memory_space<semaphore_mem>>) src(%arg13 : memref<128x128xf32, #tpu.memory_space<vmem>>) dst(%dma_wait3A_138 : memref<10112x128xf32, #tpu.memory_space<vmem_shared>>)
          tpu.yield
        }) : () -> ()
        %add3A_100 = arith.constant 2 : i32
        %add3A_101 = arith.addi %mul3A_87, %add3A_100 : i32
        %add3A_102 = arith.constant 1 : i32
        %add3A_103 = arith.addi %add3A_101, %add3A_102 : i32
        %lt3A_104 = arith.constant 80 : i32
        %lt3A_105 = arith.cmpi slt, %add3A_103, %lt3A_104 : i32
        %convert_element_type3A_106 = arith.extui %lt3A_105 : i1 to i32
        %cond3A_107 = arith.constant 0 : i32
        %cond3A_108 = arith.cmpi ne, %convert_element_type3A_106, %cond3A_107 : i32
        scf.if %cond3A_108 {
          %add3A_128 = arith.constant 2 : i32
          %add3A_129 = arith.addi %mul3A_87, %add3A_128 : i32
          %add3A_130 = arith.constant 1 : i32
          %add3A_131 = arith.addi %add3A_129, %add3A_130 : i32
          %dma_start3A = arith.constant 1 : i32
          %dma_start3A_132 = arith.constant 0 : i32
          %dma_start3A_133 = arith.constant 0 : i32
          %dma_start3A_134 = tpu.memref_slice %arg11[%dma_start3A, %dma_start3A_132, %dma_start3A_133] : memref<2x2x128xi32, #tpu.memory_space<vmem>> -> memref<1x2x128xi32, #tpu.memory_space<vmem>>
          %dma_start3A_135 = tpu.memref_squeeze %dma_start3A_134 : memref<1x2x128xi32, #tpu.memory_space<vmem>> -> memref<2x128xi32, #tpu.memory_space<vmem>>
          %dma_start3A_136 = arith.constant 0 : i32
          %dma_start3A_137 = arith.constant 0 : i32
          %dma_start3A_138 = tpu.memref_slice %arg6[%arg1, %add3A_131, %dma_start3A_136, %dma_start3A_137] : memref<16x80x2x128xi32, #tpu.memory_space<hbm>> -> memref<1x1x2x128xi32, #tpu.memory_space<hbm>>
          %dma_start3A_139 = tpu.memref_squeeze %dma_start3A_138 : memref<1x1x2x128xi32, #tpu.memory_space<hbm>> -> memref<2x128xi32, #tpu.memory_space<hbm>>
          %dma_start3A_140 = arith.constant 0 : i32
          %dma_start3A_141 = arith.constant 0 : i32
          %dma_start3A_142 = tpu.memref_slice %arg11[%dma_start3A, %dma_start3A_140, %dma_start3A_141] : memref<2x2x128xi32, #tpu.memory_space<vmem>> -> memref<1x2x128xi32, #tpu.memory_space<vmem>>
          %dma_start3A_143 = tpu.memref_squeeze %dma_start3A_142 : memref<1x2x128xi32, #tpu.memory_space<vmem>> -> memref<2x128xi32, #tpu.memory_space<vmem>>
          %dma_start3A_144 = arith.constant 0 : i32
          %dma_start3A_145 = arith.constant 0 : i32
          %dma_start3A_146 = tpu.memref_slice %arg6[%arg1, %add3A_131, %dma_start3A_144, %dma_start3A_145] : memref<16x80x2x128xi32, #tpu.memory_space<hbm>> -> memref<1x1x2x128xi32, #tpu.memory_space<hbm>>
          %dma_start3A_147 = tpu.memref_squeeze %dma_start3A_146 : memref<1x1x2x128xi32, #tpu.memory_space<hbm>> -> memref<2x128xi32, #tpu.memory_space<hbm>>
          tpu.enqueue_dma source(%dma_start3A_147 : memref<2x128xi32, #tpu.memory_space<hbm>>) target(%dma_start3A_143 : memref<2x128xi32, #tpu.memory_space<vmem>>) target_semaphore(%arg15 : memref<!tpu.dma_semaphore, #tpu.memory_space<semaphore_mem>>)
        } else {
        }
        %add3A_109 = arith.constant 2 : i32
        %add3A_110 = arith.addi %mul3A_87, %add3A_109 : i32
        %add3A_111 = arith.constant 0 : i32
        %add3A_112 = arith.addi %add3A_110, %add3A_111 : i32
        %lt3A_113 = arith.constant 80 : i32
        %lt3A_114 = arith.cmpi slt, %add3A_112, %lt3A_113 : i32
        %convert_element_type3A_115 = arith.extui %lt3A_114 : i1 to i32
        %cond3A_116 = arith.constant 0 : i32
        %cond3A_117 = arith.cmpi ne, %convert_element_type3A_115, %cond3A_116 : i32
        scf.if %cond3A_117 {
          %add3A_128 = arith.constant 2 : i32
          %add3A_129 = arith.addi %mul3A_87, %add3A_128 : i32
          %add3A_130 = arith.constant 0 : i32
          %add3A_131 = arith.addi %add3A_129, %add3A_130 : i32
          %dma_wait3A = arith.constant 0 : i32
          %dma_wait3A_132 = arith.constant 0 : i32
          %dma_wait3A_133 = arith.constant 0 : i32
          %dma_wait3A_134 = tpu.memref_slice %arg11[%dma_wait3A, %dma_wait3A_132, %dma_wait3A_133] : memref<2x2x128xi32, #tpu.memory_space<vmem>> -> memref<1x2x128xi32, #tpu.memory_space<vmem>>
          %dma_wait3A_135 = tpu.memref_squeeze %dma_wait3A_134 : memref<1x2x128xi32, #tpu.memory_space<vmem>> -> memref<2x128xi32, #tpu.memory_space<vmem>>
          %dma_wait3A_136 = arith.constant 0 : i32
          %dma_wait3A_137 = arith.constant 0 : i32
          %dma_wait3A_138 = tpu.memref_slice %arg6[%arg1, %add3A_131, %dma_wait3A_136, %dma_wait3A_137] : memref<16x80x2x128xi32, #tpu.memory_space<hbm>> -> memref<1x1x2x128xi32, #tpu.memory_space<hbm>>
          %dma_wait3A_139 = tpu.memref_squeeze %dma_wait3A_138 : memref<1x1x2x128xi32, #tpu.memory_space<hbm>> -> memref<2x128xi32, #tpu.memory_space<hbm>>
          %dma_wait3A_140 = arith.constant 0 : i32
          %dma_wait3A_141 = arith.constant 0 : i32
          %dma_wait3A_142 = tpu.memref_slice %arg11[%dma_wait3A, %dma_wait3A_140, %dma_wait3A_141] : memref<2x2x128xi32, #tpu.memory_space<vmem>> -> memref<1x2x128xi32, #tpu.memory_space<vmem>>
          %dma_wait3A_143 = tpu.memref_squeeze %dma_wait3A_142 : memref<1x2x128xi32, #tpu.memory_space<vmem>> -> memref<2x128xi32, #tpu.memory_space<vmem>>
          %dma_wait3A_144 = arith.constant 0 : i32
          %dma_wait3A_145 = arith.constant 0 : i32
          %dma_wait3A_146 = tpu.memref_slice %arg6[%arg1, %add3A_131, %dma_wait3A_144, %dma_wait3A_145] : memref<16x80x2x128xi32, #tpu.memory_space<hbm>> -> memref<1x1x2x128xi32, #tpu.memory_space<hbm>>
          %dma_wait3A_147 = tpu.memref_squeeze %dma_wait3A_146 : memref<1x1x2x128xi32, #tpu.memory_space<hbm>> -> memref<2x128xi32, #tpu.memory_space<hbm>>
          tpu.wait_dma2 semaphore(%arg14 : memref<!tpu.dma_semaphore, #tpu.memory_space<semaphore_mem>>) src(%dma_wait3A_147 : memref<2x128xi32, #tpu.memory_space<hbm>>) dst(%dma_wait3A_143 : memref<2x128xi32, #tpu.memory_space<vmem>>)
        } else {
        }
        %add3A_118 = arith.constant 2 : i32
        %add3A_119 = arith.addi %mul3A_87, %add3A_118 : i32
        %add3A_120 = arith.constant 1 : i32
        %add3A_121 = arith.addi %add3A_119, %add3A_120 : i32
        %lt3A_122 = arith.constant 80 : i32
        %lt3A_123 = arith.cmpi slt, %add3A_121, %lt3A_122 : i32
        %convert_element_type3A_124 = arith.extui %lt3A_123 : i1 to i32
        %cond3A_125 = arith.constant 0 : i32
        %cond3A_126 = arith.cmpi ne, %convert_element_type3A_124, %cond3A_125 : i32
        scf.if %cond3A_126 {
          %add3A_128 = arith.constant 2 : i32
          %add3A_129 = arith.addi %mul3A_87, %add3A_128 : i32
          %add3A_130 = arith.constant 1 : i32
          %add3A_131 = arith.addi %add3A_129, %add3A_130 : i32
          %dma_wait3A = arith.constant 1 : i32
          %dma_wait3A_132 = arith.constant 0 : i32
          %dma_wait3A_133 = arith.constant 0 : i32
          %dma_wait3A_134 = tpu.memref_slice %arg11[%dma_wait3A, %dma_wait3A_132, %dma_wait3A_133] : memref<2x2x128xi32, #tpu.memory_space<vmem>> -> memref<1x2x128xi32, #tpu.memory_space<vmem>>
          %dma_wait3A_135 = tpu.memref_squeeze %dma_wait3A_134 : memref<1x2x128xi32, #tpu.memory_space<vmem>> -> memref<2x128xi32, #tpu.memory_space<vmem>>
          %dma_wait3A_136 = arith.constant 0 : i32
          %dma_wait3A_137 = arith.constant 0 : i32
          %dma_wait3A_138 = tpu.memref_slice %arg6[%arg1, %add3A_131, %dma_wait3A_136, %dma_wait3A_137] : memref<16x80x2x128xi32, #tpu.memory_space<hbm>> -> memref<1x1x2x128xi32, #tpu.memory_space<hbm>>
          %dma_wait3A_139 = tpu.memref_squeeze %dma_wait3A_138 : memref<1x1x2x128xi32, #tpu.memory_space<hbm>> -> memref<2x128xi32, #tpu.memory_space<hbm>>
          %dma_wait3A_140 = arith.constant 0 : i32
          %dma_wait3A_141 = arith.constant 0 : i32
          %dma_wait3A_142 = tpu.memref_slice %arg11[%dma_wait3A, %dma_wait3A_140, %dma_wait3A_141] : memref<2x2x128xi32, #tpu.memory_space<vmem>> -> memref<1x2x128xi32, #tpu.memory_space<vmem>>
          %dma_wait3A_143 = tpu.memref_squeeze %dma_wait3A_142 : memref<1x2x128xi32, #tpu.memory_space<vmem>> -> memref<2x128xi32, #tpu.memory_space<vmem>>
          %dma_wait3A_144 = arith.constant 0 : i32
          %dma_wait3A_145 = arith.constant 0 : i32
          %dma_wait3A_146 = tpu.memref_slice %arg6[%arg1, %add3A_131, %dma_wait3A_144, %dma_wait3A_145] : memref<16x80x2x128xi32, #tpu.memory_space<hbm>> -> memref<1x1x2x128xi32, #tpu.memory_space<hbm>>
          %dma_wait3A_147 = tpu.memref_squeeze %dma_wait3A_146 : memref<1x1x2x128xi32, #tpu.memory_space<hbm>> -> memref<2x128xi32, #tpu.memory_space<hbm>>
          tpu.wait_dma2 semaphore(%arg15 : memref<!tpu.dma_semaphore, #tpu.memory_space<semaphore_mem>>) src(%dma_wait3A_147 : memref<2x128xi32, #tpu.memory_space<hbm>>) dst(%dma_wait3A_143 : memref<2x128xi32, #tpu.memory_space<vmem>>)
        } else {
        }
        %scan3A_127 = arith.constant 0 : i32
        scf.yield %scan3A_127 : i32
      }
      %scan3A_83 = arith.constant 40 : i32
    } else {
    }
    %eq3A_18 = arith.constant 1 : i32
    %eq3A_19 = arith.cmpi eq, %arg0, %eq3A_18 : i32
    %convert_element_type3A_20 = arith.extui %eq3A_19 : i1 to i32
    %cond3A_21 = arith.constant 0 : i32
    %cond3A_22 = arith.cmpi ne, %convert_element_type3A_20, %cond3A_21 : i32
    scf.if %cond3A_22 {
      %run_scoped3A = arith.constant 0 : i32
      %run_scoped3A_74 = arith.constant 0 : i32
      "tpu.region"() ({
        %run_scoped3A_84 = tpu.sem_alloc : memref<!tpu.dma_semaphore, #tpu.memory_space<semaphore_mem>>
        %dma_start3A = arith.constant 0 : i32
        %dma_start3A_85 = arith.constant 0 : i32
        %dma_start3A_86 = tpu.memref_slice %arg11[%run_scoped3A_74, %dma_start3A, %dma_start3A_85] : memref<2x2x128xi32, #tpu.memory_space<vmem>> -> memref<1x2x128xi32, #tpu.memory_space<vmem>>
        %dma_start3A_87 = tpu.memref_squeeze %dma_start3A_86 : memref<1x2x128xi32, #tpu.memory_space<vmem>> -> memref<2x128xi32, #tpu.memory_space<vmem>>
        %dma_start3A_88 = arith.constant 0 : i32
        %dma_start3A_89 = arith.constant 0 : i32
        %dma_start3A_90 = tpu.memref_slice %arg6[%arg1, %run_scoped3A, %dma_start3A_88, %dma_start3A_89] : memref<16x80x2x128xi32, #tpu.memory_space<hbm>> -> memref<1x1x2x128xi32, #tpu.memory_space<hbm>>
        %dma_start3A_91 = tpu.memref_squeeze %dma_start3A_90 : memref<1x1x2x128xi32, #tpu.memory_space<hbm>> -> memref<2x128xi32, #tpu.memory_space<hbm>>
        %dma_start3A_92 = arith.constant 0 : i32
        %dma_start3A_93 = arith.constant 0 : i32
        %dma_start3A_94 = tpu.memref_slice %arg11[%run_scoped3A_74, %dma_start3A_92, %dma_start3A_93] : memref<2x2x128xi32, #tpu.memory_space<vmem>> -> memref<1x2x128xi32, #tpu.memory_space<vmem>>
        %dma_start3A_95 = tpu.memref_squeeze %dma_start3A_94 : memref<1x2x128xi32, #tpu.memory_space<vmem>> -> memref<2x128xi32, #tpu.memory_space<vmem>>
        %dma_start3A_96 = arith.constant 0 : i32
        %dma_start3A_97 = arith.constant 0 : i32
        %dma_start3A_98 = tpu.memref_slice %arg6[%arg1, %run_scoped3A, %dma_start3A_96, %dma_start3A_97] : memref<16x80x2x128xi32, #tpu.memory_space<hbm>> -> memref<1x1x2x128xi32, #tpu.memory_space<hbm>>
        %dma_start3A_99 = tpu.memref_squeeze %dma_start3A_98 : memref<1x1x2x128xi32, #tpu.memory_space<hbm>> -> memref<2x128xi32, #tpu.memory_space<hbm>>
        tpu.enqueue_dma source(%dma_start3A_99 : memref<2x128xi32, #tpu.memory_space<hbm>>) target(%dma_start3A_95 : memref<2x128xi32, #tpu.memory_space<vmem>>) target_semaphore(%run_scoped3A_84 : memref<!tpu.dma_semaphore, #tpu.memory_space<semaphore_mem>>)
        %dma_wait3A = arith.constant 0 : i32
        %dma_wait3A_100 = arith.constant 0 : i32
        %dma_wait3A_101 = tpu.memref_slice %arg11[%run_scoped3A_74, %dma_wait3A, %dma_wait3A_100] : memref<2x2x128xi32, #tpu.memory_space<vmem>> -> memref<1x2x128xi32, #tpu.memory_space<vmem>>
        %dma_wait3A_102 = tpu.memref_squeeze %dma_wait3A_101 : memref<1x2x128xi32, #tpu.memory_space<vmem>> -> memref<2x128xi32, #tpu.memory_space<vmem>>
        %dma_wait3A_103 = arith.constant 0 : i32
        %dma_wait3A_104 = arith.constant 0 : i32
        %dma_wait3A_105 = tpu.memref_slice %arg6[%arg1, %run_scoped3A, %dma_wait3A_103, %dma_wait3A_104] : memref<16x80x2x128xi32, #tpu.memory_space<hbm>> -> memref<1x1x2x128xi32, #tpu.memory_space<hbm>>
        %dma_wait3A_106 = tpu.memref_squeeze %dma_wait3A_105 : memref<1x1x2x128xi32, #tpu.memory_space<hbm>> -> memref<2x128xi32, #tpu.memory_space<hbm>>
        %dma_wait3A_107 = arith.constant 0 : i32
        %dma_wait3A_108 = arith.constant 0 : i32
        %dma_wait3A_109 = tpu.memref_slice %arg11[%run_scoped3A_74, %dma_wait3A_107, %dma_wait3A_108] : memref<2x2x128xi32, #tpu.memory_space<vmem>> -> memref<1x2x128xi32, #tpu.memory_space<vmem>>
        %dma_wait3A_110 = tpu.memref_squeeze %dma_wait3A_109 : memref<1x2x128xi32, #tpu.memory_space<vmem>> -> memref<2x128xi32, #tpu.memory_space<vmem>>
        %dma_wait3A_111 = arith.constant 0 : i32
        %dma_wait3A_112 = arith.constant 0 : i32
        %dma_wait3A_113 = tpu.memref_slice %arg6[%arg1, %run_scoped3A, %dma_wait3A_111, %dma_wait3A_112] : memref<16x80x2x128xi32, #tpu.memory_space<hbm>> -> memref<1x1x2x128xi32, #tpu.memory_space<hbm>>
        %dma_wait3A_114 = tpu.memref_squeeze %dma_wait3A_113 : memref<1x1x2x128xi32, #tpu.memory_space<hbm>> -> memref<2x128xi32, #tpu.memory_space<hbm>>
        tpu.wait_dma2 semaphore(%run_scoped3A_84 : memref<!tpu.dma_semaphore, #tpu.memory_space<semaphore_mem>>) src(%dma_wait3A_114 : memref<2x128xi32, #tpu.memory_space<hbm>>) dst(%dma_wait3A_110 : memref<2x128xi32, #tpu.memory_space<vmem>>)
        tpu.yield
      }) : () -> ()
      %run_scoped3A_75 = arith.constant 1 : i32
      %run_scoped3A_76 = arith.constant 1 : i32
      "tpu.region"() ({
        %run_scoped3A_84 = tpu.sem_alloc : memref<!tpu.dma_semaphore, #tpu.memory_space<semaphore_mem>>
        %dma_start3A = arith.constant 0 : i32
        %dma_start3A_85 = arith.constant 0 : i32
        %dma_start3A_86 = tpu.memref_slice %arg11[%run_scoped3A_76, %dma_start3A, %dma_start3A_85] : memref<2x2x128xi32, #tpu.memory_space<vmem>> -> memref<1x2x128xi32, #tpu.memory_space<vmem>>
        %dma_start3A_87 = tpu.memref_squeeze %dma_start3A_86 : memref<1x2x128xi32, #tpu.memory_space<vmem>> -> memref<2x128xi32, #tpu.memory_space<vmem>>
        %dma_start3A_88 = arith.constant 0 : i32
        %dma_start3A_89 = arith.constant 0 : i32
        %dma_start3A_90 = tpu.memref_slice %arg6[%arg1, %run_scoped3A_75, %dma_start3A_88, %dma_start3A_89] : memref<16x80x2x128xi32, #tpu.memory_space<hbm>> -> memref<1x1x2x128xi32, #tpu.memory_space<hbm>>
        %dma_start3A_91 = tpu.memref_squeeze %dma_start3A_90 : memref<1x1x2x128xi32, #tpu.memory_space<hbm>> -> memref<2x128xi32, #tpu.memory_space<hbm>>
        %dma_start3A_92 = arith.constant 0 : i32
        %dma_start3A_93 = arith.constant 0 : i32
        %dma_start3A_94 = tpu.memref_slice %arg11[%run_scoped3A_76, %dma_start3A_92, %dma_start3A_93] : memref<2x2x128xi32, #tpu.memory_space<vmem>> -> memref<1x2x128xi32, #tpu.memory_space<vmem>>
        %dma_start3A_95 = tpu.memref_squeeze %dma_start3A_94 : memref<1x2x128xi32, #tpu.memory_space<vmem>> -> memref<2x128xi32, #tpu.memory_space<vmem>>
        %dma_start3A_96 = arith.constant 0 : i32
        %dma_start3A_97 = arith.constant 0 : i32
        %dma_start3A_98 = tpu.memref_slice %arg6[%arg1, %run_scoped3A_75, %dma_start3A_96, %dma_start3A_97] : memref<16x80x2x128xi32, #tpu.memory_space<hbm>> -> memref<1x1x2x128xi32, #tpu.memory_space<hbm>>
        %dma_start3A_99 = tpu.memref_squeeze %dma_start3A_98 : memref<1x1x2x128xi32, #tpu.memory_space<hbm>> -> memref<2x128xi32, #tpu.memory_space<hbm>>
        tpu.enqueue_dma source(%dma_start3A_99 : memref<2x128xi32, #tpu.memory_space<hbm>>) target(%dma_start3A_95 : memref<2x128xi32, #tpu.memory_space<vmem>>) target_semaphore(%run_scoped3A_84 : memref<!tpu.dma_semaphore, #tpu.memory_space<semaphore_mem>>)
        %dma_wait3A = arith.constant 0 : i32
        %dma_wait3A_100 = arith.constant 0 : i32
        %dma_wait3A_101 = tpu.memref_slice %arg11[%run_scoped3A_76, %dma_wait3A, %dma_wait3A_100] : memref<2x2x128xi32, #tpu.memory_space<vmem>> -> memref<1x2x128xi32, #tpu.memory_space<vmem>>
        %dma_wait3A_102 = tpu.memref_squeeze %dma_wait3A_101 : memref<1x2x128xi32, #tpu.memory_space<vmem>> -> memref<2x128xi32, #tpu.memory_space<vmem>>
        %dma_wait3A_103 = arith.constant 0 : i32
        %dma_wait3A_104 = arith.constant 0 : i32
        %dma_wait3A_105 = tpu.memref_slice %arg6[%arg1, %run_scoped3A_75, %dma_wait3A_103, %dma_wait3A_104] : memref<16x80x2x128xi32, #tpu.memory_space<hbm>> -> memref<1x1x2x128xi32, #tpu.memory_space<hbm>>
        %dma_wait3A_106 = tpu.memref_squeeze %dma_wait3A_105 : memref<1x1x2x128xi32, #tpu.memory_space<hbm>> -> memref<2x128xi32, #tpu.memory_space<hbm>>
        %dma_wait3A_107 = arith.constant 0 : i32
        %dma_wait3A_108 = arith.constant 0 : i32
        %dma_wait3A_109 = tpu.memref_slice %arg11[%run_scoped3A_76, %dma_wait3A_107, %dma_wait3A_108] : memref<2x2x128xi32, #tpu.memory_space<vmem>> -> memref<1x2x128xi32, #tpu.memory_space<vmem>>
        %dma_wait3A_110 = tpu.memref_squeeze %dma_wait3A_109 : memref<1x2x128xi32, #tpu.memory_space<vmem>> -> memref<2x128xi32, #tpu.memory_space<vmem>>
        %dma_wait3A_111 = arith.constant 0 : i32
        %dma_wait3A_112 = arith.constant 0 : i32
        %dma_wait3A_113 = tpu.memref_slice %arg6[%arg1, %run_scoped3A_75, %dma_wait3A_111, %dma_wait3A_112] : memref<16x80x2x128xi32, #tpu.memory_space<hbm>> -> memref<1x1x2x128xi32, #tpu.memory_space<hbm>>
        %dma_wait3A_114 = tpu.memref_squeeze %dma_wait3A_113 : memref<1x1x2x128xi32, #tpu.memory_space<hbm>> -> memref<2x128xi32, #tpu.memory_space<hbm>>
        tpu.wait_dma2 semaphore(%run_scoped3A_84 : memref<!tpu.dma_semaphore, #tpu.memory_space<semaphore_mem>>) src(%dma_wait3A_114 : memref<2x128xi32, #tpu.memory_space<hbm>>) dst(%dma_wait3A_110 : memref<2x128xi32, #tpu.memory_space<vmem>>)
        tpu.yield
      }) : () -> ()
      %scan3A_77 = arith.constant 0 : i32
      %scan3A_78 = arith.constant 0 : i32
      %scan3A_79 = arith.constant 40 : i32
      %scan3A_80 = arith.addi %scan3A_78, %scan3A_79 : i32
      %scan3A_81 = arith.constant 1 : i32
      %scan3A_82 = scf.for %scan3A_84 = %scan3A_78 to %scan3A_80 step %scan3A_81 iter_args(%scan3A_85 = %scan3A_77) -> (i32)  : i32 {
        %mul3A_86 = arith.constant 2 : i32
        %mul3A_87 = arith.muli %mul3A_86, %scan3A_84 : i32
        %run_scoped3A_88 = arith.constant 0 : i32
        %run_scoped3A_89 = arith.constant 1 : i32
        "tpu.region"() ({
          %run_scoped3A_128 = tpu.sem_alloc : memref<!tpu.dma_semaphore, #tpu.memory_space<semaphore_mem>>
          %dma_start3A = arith.constant 0 : i32
          %dma_start3A_129 = tpu.memref_slice %arg11[%run_scoped3A_88, %run_scoped3A_89, %dma_start3A] : memref<2x2x128xi32, #tpu.memory_space<vmem>> -> memref<1x1x128xi32, #tpu.memory_space<vmem>>
          %dma_start3A_130 = tpu.memref_squeeze %dma_start3A_129 : memref<1x1x128xi32, #tpu.memory_space<vmem>> -> memref<128xi32, #tpu.memory_space<vmem>>
          %dma_start3A_131 = arith.constant 0 : i32
          %dma_start3A_132 = arith.constant 0 : i32
          %dma_start3A_133 = tpu.memref_slice %arg18[%dma_start3A_131, %dma_start3A_132] : memref<10112x128xf32, #tpu.memory_space<vmem_shared>> -> memref<10112x128xf32, #tpu.memory_space<vmem_shared>>
          tpu.enqueue_indirect_dma source(%arg12 : memref<128x128xf32, #tpu.memory_space<vmem>>) target(%dma_start3A_133 : memref<10112x128xf32, #tpu.memory_space<vmem_shared>>) offsets(%dma_start3A_130 : memref<128xi32, #tpu.memory_space<vmem>>) semaphore(%run_scoped3A_128 : memref<!tpu.dma_semaphore, #tpu.memory_space<semaphore_mem>>) {add = true}
          %dma_wait3A = arith.constant 0 : i32
          %dma_wait3A_134 = tpu.memref_slice %arg11[%run_scoped3A_88, %run_scoped3A_89, %dma_wait3A] : memref<2x2x128xi32, #tpu.memory_space<vmem>> -> memref<1x1x128xi32, #tpu.memory_space<vmem>>
          %dma_wait3A_135 = tpu.memref_squeeze %dma_wait3A_134 : memref<1x1x128xi32, #tpu.memory_space<vmem>> -> memref<128xi32, #tpu.memory_space<vmem>>
          %dma_wait3A_136 = arith.constant 0 : i32
          %dma_wait3A_137 = arith.constant 0 : i32
          %dma_wait3A_138 = tpu.memref_slice %arg18[%dma_wait3A_136, %dma_wait3A_137] : memref<10112x128xf32, #tpu.memory_space<vmem_shared>> -> memref<10112x128xf32, #tpu.memory_space<vmem_shared>>
          tpu.wait_indirect_dma semaphore(%run_scoped3A_128 : memref<!tpu.dma_semaphore, #tpu.memory_space<semaphore_mem>>) src(%arg12 : memref<128x128xf32, #tpu.memory_space<vmem>>) dst(%dma_wait3A_138 : memref<10112x128xf32, #tpu.memory_space<vmem_shared>>)
          tpu.yield
        }) : () -> ()
        %add3A_90 = arith.constant 2 : i32
        %add3A_91 = arith.addi %mul3A_87, %add3A_90 : i32
        %add3A_92 = arith.constant 0 : i32
        %add3A_93 = arith.addi %add3A_91, %add3A_92 : i32
        %lt3A = arith.constant 80 : i32
        %lt3A_94 = arith.cmpi slt, %add3A_93, %lt3A : i32
        %convert_element_type3A_95 = arith.extui %lt3A_94 : i1 to i32
        %cond3A_96 = arith.constant 0 : i32
        %cond3A_97 = arith.cmpi ne, %convert_element_type3A_95, %cond3A_96 : i32
        scf.if %cond3A_97 {
          %add3A_128 = arith.constant 2 : i32
          %add3A_129 = arith.addi %mul3A_87, %add3A_128 : i32
          %add3A_130 = arith.constant 0 : i32
          %add3A_131 = arith.addi %add3A_129, %add3A_130 : i32
          %dma_start3A = arith.constant 0 : i32
          %dma_start3A_132 = arith.constant 0 : i32
          %dma_start3A_133 = arith.constant 0 : i32
          %dma_start3A_134 = tpu.memref_slice %arg11[%dma_start3A, %dma_start3A_132, %dma_start3A_133] : memref<2x2x128xi32, #tpu.memory_space<vmem>> -> memref<1x2x128xi32, #tpu.memory_space<vmem>>
          %dma_start3A_135 = tpu.memref_squeeze %dma_start3A_134 : memref<1x2x128xi32, #tpu.memory_space<vmem>> -> memref<2x128xi32, #tpu.memory_space<vmem>>
          %dma_start3A_136 = arith.constant 0 : i32
          %dma_start3A_137 = arith.constant 0 : i32
          %dma_start3A_138 = tpu.memref_slice %arg6[%arg1, %add3A_131, %dma_start3A_136, %dma_start3A_137] : memref<16x80x2x128xi32, #tpu.memory_space<hbm>> -> memref<1x1x2x128xi32, #tpu.memory_space<hbm>>
          %dma_start3A_139 = tpu.memref_squeeze %dma_start3A_138 : memref<1x1x2x128xi32, #tpu.memory_space<hbm>> -> memref<2x128xi32, #tpu.memory_space<hbm>>
          %dma_start3A_140 = arith.constant 0 : i32
          %dma_start3A_141 = arith.constant 0 : i32
          %dma_start3A_142 = tpu.memref_slice %arg11[%dma_start3A, %dma_start3A_140, %dma_start3A_141] : memref<2x2x128xi32, #tpu.memory_space<vmem>> -> memref<1x2x128xi32, #tpu.memory_space<vmem>>
          %dma_start3A_143 = tpu.memref_squeeze %dma_start3A_142 : memref<1x2x128xi32, #tpu.memory_space<vmem>> -> memref<2x128xi32, #tpu.memory_space<vmem>>
          %dma_start3A_144 = arith.constant 0 : i32
          %dma_start3A_145 = arith.constant 0 : i32
          %dma_start3A_146 = tpu.memref_slice %arg6[%arg1, %add3A_131, %dma_start3A_144, %dma_start3A_145] : memref<16x80x2x128xi32, #tpu.memory_space<hbm>> -> memref<1x1x2x128xi32, #tpu.memory_space<hbm>>
          %dma_start3A_147 = tpu.memref_squeeze %dma_start3A_146 : memref<1x1x2x128xi32, #tpu.memory_space<hbm>> -> memref<2x128xi32, #tpu.memory_space<hbm>>
          tpu.enqueue_dma source(%dma_start3A_147 : memref<2x128xi32, #tpu.memory_space<hbm>>) target(%dma_start3A_143 : memref<2x128xi32, #tpu.memory_space<vmem>>) target_semaphore(%arg14 : memref<!tpu.dma_semaphore, #tpu.memory_space<semaphore_mem>>)
        } else {
        }
        %run_scoped3A_98 = arith.constant 1 : i32
        %run_scoped3A_99 = arith.constant 1 : i32
        "tpu.region"() ({
          %run_scoped3A_128 = tpu.sem_alloc : memref<!tpu.dma_semaphore, #tpu.memory_space<semaphore_mem>>
          %dma_start3A = arith.constant 0 : i32
          %dma_start3A_129 = tpu.memref_slice %arg11[%run_scoped3A_98, %run_scoped3A_99, %dma_start3A] : memref<2x2x128xi32, #tpu.memory_space<vmem>> -> memref<1x1x128xi32, #tpu.memory_space<vmem>>
          %dma_start3A_130 = tpu.memref_squeeze %dma_start3A_129 : memref<1x1x128xi32, #tpu.memory_space<vmem>> -> memref<128xi32, #tpu.memory_space<vmem>>
          %dma_start3A_131 = arith.constant 0 : i32
          %dma_start3A_132 = arith.constant 0 : i32
          %dma_start3A_133 = tpu.memref_slice %arg18[%dma_start3A_131, %dma_start3A_132] : memref<10112x128xf32, #tpu.memory_space<vmem_shared>> -> memref<10112x128xf32, #tpu.memory_space<vmem_shared>>
          tpu.enqueue_indirect_dma source(%arg13 : memref<128x128xf32, #tpu.memory_space<vmem>>) target(%dma_start3A_133 : memref<10112x128xf32, #tpu.memory_space<vmem_shared>>) offsets(%dma_start3A_130 : memref<128xi32, #tpu.memory_space<vmem>>) semaphore(%run_scoped3A_128 : memref<!tpu.dma_semaphore, #tpu.memory_space<semaphore_mem>>) {add = true}
          %dma_wait3A = arith.constant 0 : i32
          %dma_wait3A_134 = tpu.memref_slice %arg11[%run_scoped3A_98, %run_scoped3A_99, %dma_wait3A] : memref<2x2x128xi32, #tpu.memory_space<vmem>> -> memref<1x1x128xi32, #tpu.memory_space<vmem>>
          %dma_wait3A_135 = tpu.memref_squeeze %dma_wait3A_134 : memref<1x1x128xi32, #tpu.memory_space<vmem>> -> memref<128xi32, #tpu.memory_space<vmem>>
          %dma_wait3A_136 = arith.constant 0 : i32
          %dma_wait3A_137 = arith.constant 0 : i32
          %dma_wait3A_138 = tpu.memref_slice %arg18[%dma_wait3A_136, %dma_wait3A_137] : memref<10112x128xf32, #tpu.memory_space<vmem_shared>> -> memref<10112x128xf32, #tpu.memory_space<vmem_shared>>
          tpu.wait_indirect_dma semaphore(%run_scoped3A_128 : memref<!tpu.dma_semaphore, #tpu.memory_space<semaphore_mem>>) src(%arg13 : memref<128x128xf32, #tpu.memory_space<vmem>>) dst(%dma_wait3A_138 : memref<10112x128xf32, #tpu.memory_space<vmem_shared>>)
          tpu.yield
        }) : () -> ()
        %add3A_100 = arith.constant 2 : i32
        %add3A_101 = arith.addi %mul3A_87, %add3A_100 : i32
        %add3A_102 = arith.constant 1 : i32
        %add3A_103 = arith.addi %add3A_101, %add3A_102 : i32
        %lt3A_104 = arith.constant 80 : i32
        %lt3A_105 = arith.cmpi slt, %add3A_103, %lt3A_104 : i32
        %convert_element_type3A_106 = arith.extui %lt3A_105 : i1 to i32
        %cond3A_107 = arith.constant 0 : i32
        %cond3A_108 = arith.cmpi ne, %convert_element_type3A_106, %cond3A_107 : i32
        scf.if %cond3A_108 {
          %add3A_128 = arith.constant 2 : i32
          %add3A_129 = arith.addi %mul3A_87, %add3A_128 : i32
          %add3A_130 = arith.constant 1 : i32
          %add3A_131 = arith.addi %add3A_129, %add3A_130 : i32
          %dma_start3A = arith.constant 1 : i32
          %dma_start3A_132 = arith.constant 0 : i32
          %dma_start3A_133 = arith.constant 0 : i32
          %dma_start3A_134 = tpu.memref_slice %arg11[%dma_start3A, %dma_start3A_132, %dma_start3A_133] : memref<2x2x128xi32, #tpu.memory_space<vmem>> -> memref<1x2x128xi32, #tpu.memory_space<vmem>>
          %dma_start3A_135 = tpu.memref_squeeze %dma_start3A_134 : memref<1x2x128xi32, #tpu.memory_space<vmem>> -> memref<2x128xi32, #tpu.memory_space<vmem>>
          %dma_start3A_136 = arith.constant 0 : i32
          %dma_start3A_137 = arith.constant 0 : i32
          %dma_start3A_138 = tpu.memref_slice %arg6[%arg1, %add3A_131, %dma_start3A_136, %dma_start3A_137] : memref<16x80x2x128xi32, #tpu.memory_space<hbm>> -> memref<1x1x2x128xi32, #tpu.memory_space<hbm>>
          %dma_start3A_139 = tpu.memref_squeeze %dma_start3A_138 : memref<1x1x2x128xi32, #tpu.memory_space<hbm>> -> memref<2x128xi32, #tpu.memory_space<hbm>>
          %dma_start3A_140 = arith.constant 0 : i32
          %dma_start3A_141 = arith.constant 0 : i32
          %dma_start3A_142 = tpu.memref_slice %arg11[%dma_start3A, %dma_start3A_140, %dma_start3A_141] : memref<2x2x128xi32, #tpu.memory_space<vmem>> -> memref<1x2x128xi32, #tpu.memory_space<vmem>>
          %dma_start3A_143 = tpu.memref_squeeze %dma_start3A_142 : memref<1x2x128xi32, #tpu.memory_space<vmem>> -> memref<2x128xi32, #tpu.memory_space<vmem>>
          %dma_start3A_144 = arith.constant 0 : i32
          %dma_start3A_145 = arith.constant 0 : i32
          %dma_start3A_146 = tpu.memref_slice %arg6[%arg1, %add3A_131, %dma_start3A_144, %dma_start3A_145] : memref<16x80x2x128xi32, #tpu.memory_space<hbm>> -> memref<1x1x2x128xi32, #tpu.memory_space<hbm>>
          %dma_start3A_147 = tpu.memref_squeeze %dma_start3A_146 : memref<1x1x2x128xi32, #tpu.memory_space<hbm>> -> memref<2x128xi32, #tpu.memory_space<hbm>>
          tpu.enqueue_dma source(%dma_start3A_147 : memref<2x128xi32, #tpu.memory_space<hbm>>) target(%dma_start3A_143 : memref<2x128xi32, #tpu.memory_space<vmem>>) target_semaphore(%arg15 : memref<!tpu.dma_semaphore, #tpu.memory_space<semaphore_mem>>)
        } else {
        }
        %add3A_109 = arith.constant 2 : i32
        %add3A_110 = arith.addi %mul3A_87, %add3A_109 : i32
        %add3A_111 = arith.constant 0 : i32
        %add3A_112 = arith.addi %add3A_110, %add3A_111 : i32
        %lt3A_113 = arith.constant 80 : i32
        %lt3A_114 = arith.cmpi slt, %add3A_112, %lt3A_113 : i32
        %convert_element_type3A_115 = arith.extui %lt3A_114 : i1 to i32
        %cond3A_116 = arith.constant 0 : i32
        %cond3A_117 = arith.cmpi ne, %convert_element_type3A_115, %cond3A_116 : i32
        scf.if %cond3A_117 {
          %add3A_128 = arith.constant 2 : i32
          %add3A_129 = arith.addi %mul3A_87, %add3A_128 : i32
          %add3A_130 = arith.constant 0 : i32
          %add3A_131 = arith.addi %add3A_129, %add3A_130 : i32
          %dma_wait3A = arith.constant 0 : i32
          %dma_wait3A_132 = arith.constant 0 : i32
          %dma_wait3A_133 = arith.constant 0 : i32
          %dma_wait3A_134 = tpu.memref_slice %arg11[%dma_wait3A, %dma_wait3A_132, %dma_wait3A_133] : memref<2x2x128xi32, #tpu.memory_space<vmem>> -> memref<1x2x128xi32, #tpu.memory_space<vmem>>
          %dma_wait3A_135 = tpu.memref_squeeze %dma_wait3A_134 : memref<1x2x128xi32, #tpu.memory_space<vmem>> -> memref<2x128xi32, #tpu.memory_space<vmem>>
          %dma_wait3A_136 = arith.constant 0 : i32
          %dma_wait3A_137 = arith.constant 0 : i32
          %dma_wait3A_138 = tpu.memref_slice %arg6[%arg1, %add3A_131, %dma_wait3A_136, %dma_wait3A_137] : memref<16x80x2x128xi32, #tpu.memory_space<hbm>> -> memref<1x1x2x128xi32, #tpu.memory_space<hbm>>
          %dma_wait3A_139 = tpu.memref_squeeze %dma_wait3A_138 : memref<1x1x2x128xi32, #tpu.memory_space<hbm>> -> memref<2x128xi32, #tpu.memory_space<hbm>>
          %dma_wait3A_140 = arith.constant 0 : i32
          %dma_wait3A_141 = arith.constant 0 : i32
          %dma_wait3A_142 = tpu.memref_slice %arg11[%dma_wait3A, %dma_wait3A_140, %dma_wait3A_141] : memref<2x2x128xi32, #tpu.memory_space<vmem>> -> memref<1x2x128xi32, #tpu.memory_space<vmem>>
          %dma_wait3A_143 = tpu.memref_squeeze %dma_wait3A_142 : memref<1x2x128xi32, #tpu.memory_space<vmem>> -> memref<2x128xi32, #tpu.memory_space<vmem>>
          %dma_wait3A_144 = arith.constant 0 : i32
          %dma_wait3A_145 = arith.constant 0 : i32
          %dma_wait3A_146 = tpu.memref_slice %arg6[%arg1, %add3A_131, %dma_wait3A_144, %dma_wait3A_145] : memref<16x80x2x128xi32, #tpu.memory_space<hbm>> -> memref<1x1x2x128xi32, #tpu.memory_space<hbm>>
          %dma_wait3A_147 = tpu.memref_squeeze %dma_wait3A_146 : memref<1x1x2x128xi32, #tpu.memory_space<hbm>> -> memref<2x128xi32, #tpu.memory_space<hbm>>
          tpu.wait_dma2 semaphore(%arg14 : memref<!tpu.dma_semaphore, #tpu.memory_space<semaphore_mem>>) src(%dma_wait3A_147 : memref<2x128xi32, #tpu.memory_space<hbm>>) dst(%dma_wait3A_143 : memref<2x128xi32, #tpu.memory_space<vmem>>)
        } else {
        }
        %add3A_118 = arith.constant 2 : i32
        %add3A_119 = arith.addi %mul3A_87, %add3A_118 : i32
        %add3A_120 = arith.constant 1 : i32
        %add3A_121 = arith.addi %add3A_119, %add3A_120 : i32
        %lt3A_122 = arith.constant 80 : i32
        %lt3A_123 = arith.cmpi slt, %add3A_121, %lt3A_122 : i32
        %convert_element_type3A_124 = arith.extui %lt3A_123 : i1 to i32
        %cond3A_125 = arith.constant 0 : i32
        %cond3A_126 = arith.cmpi ne, %convert_element_type3A_124, %cond3A_125 : i32
        scf.if %cond3A_126 {
          %add3A_128 = arith.constant 2 : i32
          %add3A_129 = arith.addi %mul3A_87, %add3A_128 : i32
          %add3A_130 = arith.constant 1 : i32
          %add3A_131 = arith.addi %add3A_129, %add3A_130 : i32
          %dma_wait3A = arith.constant 1 : i32
          %dma_wait3A_132 = arith.constant 0 : i32
          %dma_wait3A_133 = arith.constant 0 : i32
          %dma_wait3A_134 = tpu.memref_slice %arg11[%dma_wait3A, %dma_wait3A_132, %dma_wait3A_133] : memref<2x2x128xi32, #tpu.memory_space<vmem>> -> memref<1x2x128xi32, #tpu.memory_space<vmem>>
          %dma_wait3A_135 = tpu.memref_squeeze %dma_wait3A_134 : memref<1x2x128xi32, #tpu.memory_space<vmem>> -> memref<2x128xi32, #tpu.memory_space<vmem>>
          %dma_wait3A_136 = arith.constant 0 : i32
          %dma_wait3A_137 = arith.constant 0 : i32
          %dma_wait3A_138 = tpu.memref_slice %arg6[%arg1, %add3A_131, %dma_wait3A_136, %dma_wait3A_137] : memref<16x80x2x128xi32, #tpu.memory_space<hbm>> -> memref<1x1x2x128xi32, #tpu.memory_space<hbm>>
          %dma_wait3A_139 = tpu.memref_squeeze %dma_wait3A_138 : memref<1x1x2x128xi32, #tpu.memory_space<hbm>> -> memref<2x128xi32, #tpu.memory_space<hbm>>
          %dma_wait3A_140 = arith.constant 0 : i32
          %dma_wait3A_141 = arith.constant 0 : i32
          %dma_wait3A_142 = tpu.memref_slice %arg11[%dma_wait3A, %dma_wait3A_140, %dma_wait3A_141] : memref<2x2x128xi32, #tpu.memory_space<vmem>> -> memref<1x2x128xi32, #tpu.memory_space<vmem>>
          %dma_wait3A_143 = tpu.memref_squeeze %dma_wait3A_142 : memref<1x2x128xi32, #tpu.memory_space<vmem>> -> memref<2x128xi32, #tpu.memory_space<vmem>>
          %dma_wait3A_144 = arith.constant 0 : i32
          %dma_wait3A_145 = arith.constant 0 : i32
          %dma_wait3A_146 = tpu.memref_slice %arg6[%arg1, %add3A_131, %dma_wait3A_144, %dma_wait3A_145] : memref<16x80x2x128xi32, #tpu.memory_space<hbm>> -> memref<1x1x2x128xi32, #tpu.memory_space<hbm>>
          %dma_wait3A_147 = tpu.memref_squeeze %dma_wait3A_146 : memref<1x1x2x128xi32, #tpu.memory_space<hbm>> -> memref<2x128xi32, #tpu.memory_space<hbm>>
          tpu.wait_dma2 semaphore(%arg15 : memref<!tpu.dma_semaphore, #tpu.memory_space<semaphore_mem>>) src(%dma_wait3A_147 : memref<2x128xi32, #tpu.memory_space<hbm>>) dst(%dma_wait3A_143 : memref<2x128xi32, #tpu.memory_space<vmem>>)
        } else {
        }
        %scan3A_127 = arith.constant 0 : i32
        scf.yield %scan3A_127 : i32
      }
      %scan3A_83 = arith.constant 40 : i32
    } else {
    }
    %barrier3A_23 = arith.constant 0 : index
    tpu.barrier barrier_id(%barrier3A_23)
    %eq3A_24 = arith.constant 0 : i32
    %eq3A_25 = arith.cmpi eq, %arg0, %eq3A_24 : i32
    %convert_element_type3A_26 = arith.extui %eq3A_25 : i1 to i32
    %cond3A_27 = arith.constant 0 : i32
    %cond3A_28 = arith.cmpi ne, %convert_element_type3A_26, %cond3A_27 : i32
    scf.if %cond3A_28 {
      %mul3A_74 = arith.constant 632 : i32
      %mul3A_75 = arith.muli %arg1, %mul3A_74 : i32
      "tpu.region"() ({
        %run_scoped3A = tpu.sem_alloc : memref<!tpu.dma_semaphore, #tpu.memory_space<semaphore_mem>>
        %dma_start3A = arith.constant 0 : i32
        %dma_start3A_76 = tpu.memref_slice %arg7[%mul3A_75, %dma_start3A] : memref<10112x128xf32, #tpu.memory_space<hbm>> -> memref<632x128xf32, #tpu.memory_space<hbm>>
        %dma_start3A_77 = arith.constant 0 : i32
        %dma_start3A_78 = tpu.memref_slice %arg18[%mul3A_75, %dma_start3A_77] : memref<10112x128xf32, #tpu.memory_space<vmem_shared>> -> memref<632x128xf32, #tpu.memory_space<vmem_shared>>
        tpu.enqueue_dma source(%dma_start3A_78 : memref<632x128xf32, #tpu.memory_space<vmem_shared>>) target(%dma_start3A_76 : memref<632x128xf32, #tpu.memory_space<hbm>>) target_semaphore(%run_scoped3A : memref<!tpu.dma_semaphore, #tpu.memory_space<semaphore_mem>>)
        %dma_wait3A = arith.constant 0 : i32
        %dma_wait3A_79 = tpu.memref_slice %arg7[%mul3A_75, %dma_wait3A] : memref<10112x128xf32, #tpu.memory_space<hbm>> -> memref<632x128xf32, #tpu.memory_space<hbm>>
        %dma_wait3A_80 = arith.constant 0 : i32
        %dma_wait3A_81 = tpu.memref_slice %arg18[%mul3A_75, %dma_wait3A_80] : memref<10112x128xf32, #tpu.memory_space<vmem_shared>> -> memref<632x128xf32, #tpu.memory_space<vmem_shared>>
        tpu.wait_dma2 semaphore(%run_scoped3A : memref<!tpu.dma_semaphore, #tpu.memory_space<semaphore_mem>>) src(%dma_wait3A_81 : memref<632x128xf32, #tpu.memory_space<vmem_shared>>) dst(%dma_wait3A_79 : memref<632x128xf32, #tpu.memory_space<hbm>>)
        tpu.yield
      }) : () -> ()
    } else {
    }
    %eq3A_29 = arith.constant 1 : i32
    %eq3A_30 = arith.cmpi eq, %arg0, %eq3A_29 : i32
    %convert_element_type3A_31 = arith.extui %eq3A_30 : i1 to i32
    %cond3A_32 = arith.constant 0 : i32
    %cond3A_33 = arith.cmpi ne, %convert_element_type3A_31, %cond3A_32 : i32
    scf.if %cond3A_33 {
      %mul3A_74 = arith.constant 632 : i32
      %mul3A_75 = arith.muli %arg1, %mul3A_74 : i32
      "tpu.region"() ({
        %run_scoped3A = tpu.sem_alloc : memref<!tpu.dma_semaphore, #tpu.memory_space<semaphore_mem>>
        %dma_start3A = arith.constant 0 : i32
        %dma_start3A_76 = tpu.memref_slice %arg9[%mul3A_75, %dma_start3A] : memref<10112x128xf32, #tpu.memory_space<hbm>> -> memref<632x128xf32, #tpu.memory_space<hbm>>
        %dma_start3A_77 = arith.constant 0 : i32
        %dma_start3A_78 = tpu.memref_slice %arg18[%mul3A_75, %dma_start3A_77] : memref<10112x128xf32, #tpu.memory_space<vmem_shared>> -> memref<632x128xf32, #tpu.memory_space<vmem_shared>>
        tpu.enqueue_dma source(%dma_start3A_78 : memref<632x128xf32, #tpu.memory_space<vmem_shared>>) target(%dma_start3A_76 : memref<632x128xf32, #tpu.memory_space<hbm>>) target_semaphore(%run_scoped3A : memref<!tpu.dma_semaphore, #tpu.memory_space<semaphore_mem>>)
        %dma_wait3A = arith.constant 0 : i32
        %dma_wait3A_79 = tpu.memref_slice %arg9[%mul3A_75, %dma_wait3A] : memref<10112x128xf32, #tpu.memory_space<hbm>> -> memref<632x128xf32, #tpu.memory_space<hbm>>
        %dma_wait3A_80 = arith.constant 0 : i32
        %dma_wait3A_81 = tpu.memref_slice %arg18[%mul3A_75, %dma_wait3A_80] : memref<10112x128xf32, #tpu.memory_space<vmem_shared>> -> memref<632x128xf32, #tpu.memory_space<vmem_shared>>
        tpu.wait_dma2 semaphore(%run_scoped3A : memref<!tpu.dma_semaphore, #tpu.memory_space<semaphore_mem>>) src(%dma_wait3A_81 : memref<632x128xf32, #tpu.memory_space<vmem_shared>>) dst(%dma_wait3A_79 : memref<632x128xf32, #tpu.memory_space<hbm>>)
        tpu.yield
      }) : () -> ()
    } else {
    }
    %scan3A_34 = arith.constant 0 : i32
    %scan3A_35 = arith.constant 0 : i32
    %scan3A_36 = arith.constant 1024 : i32
    %scan3A_37 = arith.addi %scan3A_35, %scan3A_36 : i32
    %scan3A_38 = arith.constant 1 : i32
    %scan3A_39 = scf.for %scan3A_74 = %scan3A_35 to %scan3A_37 step %scan3A_38 iter_args(%scan3A_75 = %scan3A_34) -> (i32)  : i32 {
      %jit3A = arith.constant 8 : i32
      %div3A = arith.divsi %scan3A_74, %jit3A : i32
      %sign3A = arith.constant 0 : i32
      %sign3A_76 = arith.cmpi sgt, %scan3A_74, %sign3A : i32
      %sign3A_77 = arith.extui %sign3A_76 : i1 to i32
      %sign3A_78 = arith.constant 0 : i32
      %sign3A_79 = arith.cmpi slt, %scan3A_74, %sign3A_78 : i32
      %sign3A_80 = arith.extui %sign3A_79 : i1 to i32
      %sign3A_81 = arith.subi %sign3A_77, %sign3A_80 : i32
      %sign3A_82 = arith.constant 0 : i32
      %sign3A_83 = arith.cmpi sgt, %jit3A, %sign3A_82 : i32
      %sign3A_84 = arith.extui %sign3A_83 : i1 to i32
      %sign3A_85 = arith.constant 0 : i32
      %sign3A_86 = arith.cmpi slt, %jit3A, %sign3A_85 : i32
      %sign3A_87 = arith.extui %sign3A_86 : i1 to i32
      %sign3A_88 = arith.subi %sign3A_84, %sign3A_87 : i32
      %ne3A = arith.cmpi ne, %sign3A_81, %sign3A_88 : i32
      %rem3A = arith.remsi %scan3A_74, %jit3A : i32
      %ne3A_89 = arith.constant 0 : i32
      %ne3A_90 = arith.cmpi ne, %rem3A, %ne3A_89 : i32
      %and3A = arith.andi %ne3A, %ne3A_90 : i1
      %sub3A = arith.constant 1 : i32
      %sub3A_91 = arith.subi %div3A, %sub3A : i32
      %select_n3A = arith.select %and3A, %sub3A_91, %div3A : i32
      %jit3A_92 = arith.constant 8 : i32
      %eq3A_93 = arith.constant 0 : i32
      %eq3A_94 = arith.cmpi eq, %jit3A_92, %eq3A_93 : i32
      %jit3A_95 = arith.constant 1 : i32
      %select_n3A_96 = arith.select %eq3A_94, %jit3A_95, %jit3A_92 : i32
      %rem3A_97 = arith.remsi %scan3A_74, %select_n3A_96 : i32
      %ne3A_98 = arith.constant 0 : i32
      %ne3A_99 = arith.cmpi ne, %rem3A_97, %ne3A_98 : i32
      %lt3A = arith.constant 0 : i32
      %lt3A_100 = arith.cmpi slt, %rem3A_97, %lt3A : i32
      %lt3A_101 = arith.constant 0 : i32
      %lt3A_102 = arith.cmpi slt, %select_n3A_96, %lt3A_101 : i32
      %ne3A_103 = arith.xori %lt3A_100, %lt3A_102 : i1
      %and3A_104 = arith.andi %ne3A_103, %ne3A_99 : i1
      %add3A_105 = arith.addi %rem3A_97, %select_n3A_96 : i32
      %select_n3A_106 = arith.select %and3A_104, %add3A_105, %rem3A_97 : i32
      %mul3A_107 = arith.constant 16 : i32
      %mul3A_108 = arith.muli %select_n3A_106, %mul3A_107 : i32
      %swap3A = arith.index_cast %select_n3A : i32 to index
      %swap3A_109 = arith.index_cast %mul3A_108 : i32 to index
      %swap3A_110 = tpu.vector_load %arg12[%swap3A, %swap3A_109] {strides = array<i32>} : memref<128x128xf32, #tpu.memory_space<vmem>>, vector<16xf32>,
      tpu.vector_store %arg12[%swap3A, %swap3A_109], %broadcast_in_dim3A_0 {strides = array<i32>} : memref<128x128xf32, #tpu.memory_space<vmem>>, vector<16xf32>,
      %scan3A_111 = arith.constant 0 : i32
      scf.yield %scan3A_111 : i32
    }
    %scan3A_40 = arith.constant 1024 : i32
    %mul3A_41 = arith.constant 632 : i32
    %mul3A_42 = arith.muli %arg1, %mul3A_41 : i32
    %scan3A_43 = arith.constant 0 : i32
    %scan3A_44 = arith.constant 0 : i32
    %scan3A_45 = arith.constant 4 : i32
    %scan3A_46 = arith.addi %scan3A_44, %scan3A_45 : i32
    %scan3A_47 = arith.constant 1 : i32
    %scan3A_48 = scf.for %scan3A_74 = %scan3A_44 to %scan3A_46 step %scan3A_47 iter_args(%scan3A_75 = %scan3A_43) -> (i32)  : i32 {
      %mul3A_76 = arith.constant 128 : i32
      %mul3A_77 = arith.muli %scan3A_74, %mul3A_76 : i32
      %add3A_78 = arith.addi %mul3A_42, %mul3A_77 : i32
      "tpu.region"() ({
        %run_scoped3A = tpu.sem_alloc : memref<!tpu.dma_semaphore, #tpu.memory_space<semaphore_mem>>
        %dma_start3A = arith.constant 0 : i32
        %dma_start3A_80 = tpu.memref_slice %arg18[%add3A_78, %dma_start3A] : memref<10112x128xf32, #tpu.memory_space<vmem_shared>> -> memref<128x128xf32, #tpu.memory_space<vmem_shared>>
        %dma_start3A_81 = arith.constant 0 : i32
        %dma_start3A_82 = tpu.memref_slice %arg18[%add3A_78, %dma_start3A_81] : memref<10112x128xf32, #tpu.memory_space<vmem_shared>> -> memref<128x128xf32, #tpu.memory_space<vmem_shared>>
        tpu.enqueue_dma source(%arg12 : memref<128x128xf32, #tpu.memory_space<vmem>>) target(%dma_start3A_82 : memref<128x128xf32, #tpu.memory_space<vmem_shared>>) target_semaphore(%run_scoped3A : memref<!tpu.dma_semaphore, #tpu.memory_space<semaphore_mem>>)
        %dma_wait3A = arith.constant 0 : i32
        %dma_wait3A_83 = tpu.memref_slice %arg18[%add3A_78, %dma_wait3A] : memref<10112x128xf32, #tpu.memory_space<vmem_shared>> -> memref<128x128xf32, #tpu.memory_space<vmem_shared>>
        %dma_wait3A_84 = arith.constant 0 : i32
        %dma_wait3A_85 = tpu.memref_slice %arg18[%add3A_78, %dma_wait3A_84] : memref<10112x128xf32, #tpu.memory_space<vmem_shared>> -> memref<128x128xf32, #tpu.memory_space<vmem_shared>>
        tpu.wait_dma2 semaphore(%run_scoped3A : memref<!tpu.dma_semaphore, #tpu.memory_space<semaphore_mem>>) src(%arg12 : memref<128x128xf32, #tpu.memory_space<vmem>>) dst(%dma_wait3A_85 : memref<128x128xf32, #tpu.memory_space<vmem_shared>>)
        tpu.yield
      }) : () -> ()
      %scan3A_79 = arith.constant 0 : i32
      scf.yield %scan3A_79 : i32
    }
    %scan3A_49 = arith.constant 4 : i32
    %add3A_50 = arith.constant 512 : i32
    %add3A_51 = arith.addi %mul3A_42, %add3A_50 : i32
    "tpu.region"() ({
      %run_scoped3A = tpu.sem_alloc : memref<!tpu.dma_semaphore, #tpu.memory_space<semaphore_mem>>
      %dma_start3A = arith.constant 0 : i32
      %dma_start3A_74 = arith.constant 0 : i32
      %dma_start3A_75 = tpu.memref_slice %arg12[%dma_start3A, %dma_start3A_74] : memref<128x128xf32, #tpu.memory_space<vmem>> -> memref<120x128xf32, #tpu.memory_space<vmem>>
      %dma_start3A_76 = arith.constant 0 : i32
      %dma_start3A_77 = tpu.memref_slice %arg18[%add3A_51, %dma_start3A_76] : memref<10112x128xf32, #tpu.memory_space<vmem_shared>> -> memref<120x128xf32, #tpu.memory_space<vmem_shared>>
      %dma_start3A_78 = arith.constant 0 : i32
      %dma_start3A_79 = tpu.memref_slice %arg18[%add3A_51, %dma_start3A_78] : memref<10112x128xf32, #tpu.memory_space<vmem_shared>> -> memref<120x128xf32, #tpu.memory_space<vmem_shared>>
      %dma_start3A_80 = arith.constant 0 : i32
      %dma_start3A_81 = arith.constant 0 : i32
      %dma_start3A_82 = tpu.memref_slice %arg12[%dma_start3A_80, %dma_start3A_81] : memref<128x128xf32, #tpu.memory_space<vmem>> -> memref<120x128xf32, #tpu.memory_space<vmem>>
      tpu.enqueue_dma source(%dma_start3A_82 : memref<120x128xf32, #tpu.memory_space<vmem>>) target(%dma_start3A_79 : memref<120x128xf32, #tpu.memory_space<vmem_shared>>) target_semaphore(%run_scoped3A : memref<!tpu.dma_semaphore, #tpu.memory_space<semaphore_mem>>)
      %dma_wait3A = arith.constant 0 : i32
      %dma_wait3A_83 = arith.constant 0 : i32
      %dma_wait3A_84 = tpu.memref_slice %arg12[%dma_wait3A, %dma_wait3A_83] : memref<128x128xf32, #tpu.memory_space<vmem>> -> memref<120x128xf32, #tpu.memory_space<vmem>>
      %dma_wait3A_85 = arith.constant 0 : i32
      %dma_wait3A_86 = tpu.memref_slice %arg18[%add3A_51, %dma_wait3A_85] : memref<10112x128xf32, #tpu.memory_space<vmem_shared>> -> memref<120x128xf32, #tpu.memory_space<vmem_shared>>
      %dma_wait3A_87 = arith.constant 0 : i32
      %dma_wait3A_88 = tpu.memref_slice %arg18[%add3A_51, %dma_wait3A_87] : memref<10112x128xf32, #tpu.memory_space<vmem_shared>> -> memref<120x128xf32, #tpu.memory_space<vmem_shared>>
      %dma_wait3A_89 = arith.constant 0 : i32
      %dma_wait3A_90 = arith.constant 0 : i32
      %dma_wait3A_91 = tpu.memref_slice %arg12[%dma_wait3A_89, %dma_wait3A_90] : memref<128x128xf32, #tpu.memory_space<vmem>> -> memref<120x128xf32, #tpu.memory_space<vmem>>
      tpu.wait_dma2 semaphore(%run_scoped3A : memref<!tpu.dma_semaphore, #tpu.memory_space<semaphore_mem>>) src(%dma_wait3A_91 : memref<120x128xf32, #tpu.memory_space<vmem>>) dst(%dma_wait3A_88 : memref<120x128xf32, #tpu.memory_space<vmem_shared>>)
      tpu.yield
    }) : () -> ()
    %barrier3A_52 = arith.constant 0 : index
    tpu.barrier barrier_id(%barrier3A_52)
    %eq3A_53 = arith.constant 0 : i32
    %eq3A_54 = arith.cmpi eq, %arg0, %eq3A_53 : i32
    %convert_element_type3A_55 = arith.extui %eq3A_54 : i1 to i32
    %cond3A_56 = arith.constant 0 : i32
    %cond3A_57 = arith.cmpi ne, %convert_element_type3A_55, %cond3A_56 : i32
    scf.if %cond3A_57 {
      %run_scoped3A = arith.constant 0 : i32
      %run_scoped3A_74 = arith.constant 0 : i32
      "tpu.region"() ({
        %run_scoped3A_84 = tpu.sem_alloc : memref<!tpu.dma_semaphore, #tpu.memory_space<semaphore_mem>>
        %dma_start3A = arith.constant 0 : i32
        %dma_start3A_85 = arith.constant 0 : i32
        %dma_start3A_86 = tpu.memref_slice %arg11[%run_scoped3A_74, %dma_start3A, %dma_start3A_85] : memref<2x2x128xi32, #tpu.memory_space<vmem>> -> memref<1x2x128xi32, #tpu.memory_space<vmem>>
        %dma_start3A_87 = tpu.memref_squeeze %dma_start3A_86 : memref<1x2x128xi32, #tpu.memory_space<vmem>> -> memref<2x128xi32, #tpu.memory_space<vmem>>
        %dma_start3A_88 = arith.constant 0 : i32
        %dma_start3A_89 = arith.constant 0 : i32
        %dma_start3A_90 = tpu.memref_slice %arg6[%arg1, %run_scoped3A, %dma_start3A_88, %dma_start3A_89] : memref<16x80x2x128xi32, #tpu.memory_space<hbm>> -> memref<1x1x2x128xi32, #tpu.memory_space<hbm>>
        %dma_start3A_91 = tpu.memref_squeeze %dma_start3A_90 : memref<1x1x2x128xi32, #tpu.memory_space<hbm>> -> memref<2x128xi32, #tpu.memory_space<hbm>>
        %dma_start3A_92 = arith.constant 0 : i32
        %dma_start3A_93 = arith.constant 0 : i32
        %dma_start3A_94 = tpu.memref_slice %arg11[%run_scoped3A_74, %dma_start3A_92, %dma_start3A_93] : memref<2x2x128xi32, #tpu.memory_space<vmem>> -> memref<1x2x128xi32, #tpu.memory_space<vmem>>
        %dma_start3A_95 = tpu.memref_squeeze %dma_start3A_94 : memref<1x2x128xi32, #tpu.memory_space<vmem>> -> memref<2x128xi32, #tpu.memory_space<vmem>>
        %dma_start3A_96 = arith.constant 0 : i32
        %dma_start3A_97 = arith.constant 0 : i32
        %dma_start3A_98 = tpu.memref_slice %arg6[%arg1, %run_scoped3A, %dma_start3A_96, %dma_start3A_97] : memref<16x80x2x128xi32, #tpu.memory_space<hbm>> -> memref<1x1x2x128xi32, #tpu.memory_space<hbm>>
        %dma_start3A_99 = tpu.memref_squeeze %dma_start3A_98 : memref<1x1x2x128xi32, #tpu.memory_space<hbm>> -> memref<2x128xi32, #tpu.memory_space<hbm>>
        tpu.enqueue_dma source(%dma_start3A_99 : memref<2x128xi32, #tpu.memory_space<hbm>>) target(%dma_start3A_95 : memref<2x128xi32, #tpu.memory_space<vmem>>) target_semaphore(%run_scoped3A_84 : memref<!tpu.dma_semaphore, #tpu.memory_space<semaphore_mem>>)
        %dma_wait3A = arith.constant 0 : i32
        %dma_wait3A_100 = arith.constant 0 : i32
        %dma_wait3A_101 = tpu.memref_slice %arg11[%run_scoped3A_74, %dma_wait3A, %dma_wait3A_100] : memref<2x2x128xi32, #tpu.memory_space<vmem>> -> memref<1x2x128xi32, #tpu.memory_space<vmem>>
        %dma_wait3A_102 = tpu.memref_squeeze %dma_wait3A_101 : memref<1x2x128xi32, #tpu.memory_space<vmem>> -> memref<2x128xi32, #tpu.memory_space<vmem>>
        %dma_wait3A_103 = arith.constant 0 : i32
        %dma_wait3A_104 = arith.constant 0 : i32
        %dma_wait3A_105 = tpu.memref_slice %arg6[%arg1, %run_scoped3A, %dma_wait3A_103, %dma_wait3A_104] : memref<16x80x2x128xi32, #tpu.memory_space<hbm>> -> memref<1x1x2x128xi32, #tpu.memory_space<hbm>>
        %dma_wait3A_106 = tpu.memref_squeeze %dma_wait3A_105 : memref<1x1x2x128xi32, #tpu.memory_space<hbm>> -> memref<2x128xi32, #tpu.memory_space<hbm>>
        %dma_wait3A_107 = arith.constant 0 : i32
        %dma_wait3A_108 = arith.constant 0 : i32
        %dma_wait3A_109 = tpu.memref_slice %arg11[%run_scoped3A_74, %dma_wait3A_107, %dma_wait3A_108] : memref<2x2x128xi32, #tpu.memory_space<vmem>> -> memref<1x2x128xi32, #tpu.memory_space<vmem>>
        %dma_wait3A_110 = tpu.memref_squeeze %dma_wait3A_109 : memref<1x2x128xi32, #tpu.memory_space<vmem>> -> memref<2x128xi32, #tpu.memory_space<vmem>>
        %dma_wait3A_111 = arith.constant 0 : i32
        %dma_wait3A_112 = arith.constant 0 : i32
        %dma_wait3A_113 = tpu.memref_slice %arg6[%arg1, %run_scoped3A, %dma_wait3A_111, %dma_wait3A_112] : memref<16x80x2x128xi32, #tpu.memory_space<hbm>> -> memref<1x1x2x128xi32, #tpu.memory_space<hbm>>
        %dma_wait3A_114 = tpu.memref_squeeze %dma_wait3A_113 : memref<1x1x2x128xi32, #tpu.memory_space<hbm>> -> memref<2x128xi32, #tpu.memory_space<hbm>>
        tpu.wait_dma2 semaphore(%run_scoped3A_84 : memref<!tpu.dma_semaphore, #tpu.memory_space<semaphore_mem>>) src(%dma_wait3A_114 : memref<2x128xi32, #tpu.memory_space<hbm>>) dst(%dma_wait3A_110 : memref<2x128xi32, #tpu.memory_space<vmem>>)
        tpu.yield
      }) : () -> ()
      %run_scoped3A_75 = arith.constant 1 : i32
      %run_scoped3A_76 = arith.constant 1 : i32
      "tpu.region"() ({
        %run_scoped3A_84 = tpu.sem_alloc : memref<!tpu.dma_semaphore, #tpu.memory_space<semaphore_mem>>
        %dma_start3A = arith.constant 0 : i32
        %dma_start3A_85 = arith.constant 0 : i32
        %dma_start3A_86 = tpu.memref_slice %arg11[%run_scoped3A_76, %dma_start3A, %dma_start3A_85] : memref<2x2x128xi32, #tpu.memory_space<vmem>> -> memref<1x2x128xi32, #tpu.memory_space<vmem>>
        %dma_start3A_87 = tpu.memref_squeeze %dma_start3A_86 : memref<1x2x128xi32, #tpu.memory_space<vmem>> -> memref<2x128xi32, #tpu.memory_space<vmem>>
        %dma_start3A_88 = arith.constant 0 : i32
        %dma_start3A_89 = arith.constant 0 : i32
        %dma_start3A_90 = tpu.memref_slice %arg6[%arg1, %run_scoped3A_75, %dma_start3A_88, %dma_start3A_89] : memref<16x80x2x128xi32, #tpu.memory_space<hbm>> -> memref<1x1x2x128xi32, #tpu.memory_space<hbm>>
        %dma_start3A_91 = tpu.memref_squeeze %dma_start3A_90 : memref<1x1x2x128xi32, #tpu.memory_space<hbm>> -> memref<2x128xi32, #tpu.memory_space<hbm>>
        %dma_start3A_92 = arith.constant 0 : i32
        %dma_start3A_93 = arith.constant 0 : i32
        %dma_start3A_94 = tpu.memref_slice %arg11[%run_scoped3A_76, %dma_start3A_92, %dma_start3A_93] : memref<2x2x128xi32, #tpu.memory_space<vmem>> -> memref<1x2x128xi32, #tpu.memory_space<vmem>>
        %dma_start3A_95 = tpu.memref_squeeze %dma_start3A_94 : memref<1x2x128xi32, #tpu.memory_space<vmem>> -> memref<2x128xi32, #tpu.memory_space<vmem>>
        %dma_start3A_96 = arith.constant 0 : i32
        %dma_start3A_97 = arith.constant 0 : i32
        %dma_start3A_98 = tpu.memref_slice %arg6[%arg1, %run_scoped3A_75, %dma_start3A_96, %dma_start3A_97] : memref<16x80x2x128xi32, #tpu.memory_space<hbm>> -> memref<1x1x2x128xi32, #tpu.memory_space<hbm>>
        %dma_start3A_99 = tpu.memref_squeeze %dma_start3A_98 : memref<1x1x2x128xi32, #tpu.memory_space<hbm>> -> memref<2x128xi32, #tpu.memory_space<hbm>>
        tpu.enqueue_dma source(%dma_start3A_99 : memref<2x128xi32, #tpu.memory_space<hbm>>) target(%dma_start3A_95 : memref<2x128xi32, #tpu.memory_space<vmem>>) target_semaphore(%run_scoped3A_84 : memref<!tpu.dma_semaphore, #tpu.memory_space<semaphore_mem>>)
        %dma_wait3A = arith.constant 0 : i32
        %dma_wait3A_100 = arith.constant 0 : i32
        %dma_wait3A_101 = tpu.memref_slice %arg11[%run_scoped3A_76, %dma_wait3A, %dma_wait3A_100] : memref<2x2x128xi32, #tpu.memory_space<vmem>> -> memref<1x2x128xi32, #tpu.memory_space<vmem>>
        %dma_wait3A_102 = tpu.memref_squeeze %dma_wait3A_101 : memref<1x2x128xi32, #tpu.memory_space<vmem>> -> memref<2x128xi32, #tpu.memory_space<vmem>>
        %dma_wait3A_103 = arith.constant 0 : i32
        %dma_wait3A_104 = arith.constant 0 : i32
        %dma_wait3A_105 = tpu.memref_slice %arg6[%arg1, %run_scoped3A_75, %dma_wait3A_103, %dma_wait3A_104] : memref<16x80x2x128xi32, #tpu.memory_space<hbm>> -> memref<1x1x2x128xi32, #tpu.memory_space<hbm>>
        %dma_wait3A_106 = tpu.memref_squeeze %dma_wait3A_105 : memref<1x1x2x128xi32, #tpu.memory_space<hbm>> -> memref<2x128xi32, #tpu.memory_space<hbm>>
        %dma_wait3A_107 = arith.constant 0 : i32
        %dma_wait3A_108 = arith.constant 0 : i32
        %dma_wait3A_109 = tpu.memref_slice %arg11[%run_scoped3A_76, %dma_wait3A_107, %dma_wait3A_108] : memref<2x2x128xi32, #tpu.memory_space<vmem>> -> memref<1x2x128xi32, #tpu.memory_space<vmem>>
        %dma_wait3A_110 = tpu.memref_squeeze %dma_wait3A_109 : memref<1x2x128xi32, #tpu.memory_space<vmem>> -> memref<2x128xi32, #tpu.memory_space<vmem>>
        %dma_wait3A_111 = arith.constant 0 : i32
        %dma_wait3A_112 = arith.constant 0 : i32
        %dma_wait3A_113 = tpu.memref_slice %arg6[%arg1, %run_scoped3A_75, %dma_wait3A_111, %dma_wait3A_112] : memref<16x80x2x128xi32, #tpu.memory_space<hbm>> -> memref<1x1x2x128xi32, #tpu.memory_space<hbm>>
        %dma_wait3A_114 = tpu.memref_squeeze %dma_wait3A_113 : memref<1x1x2x128xi32, #tpu.memory_space<hbm>> -> memref<2x128xi32, #tpu.memory_space<hbm>>
        tpu.wait_dma2 semaphore(%run_scoped3A_84 : memref<!tpu.dma_semaphore, #tpu.memory_space<semaphore_mem>>) src(%dma_wait3A_114 : memref<2x128xi32, #tpu.memory_space<hbm>>) dst(%dma_wait3A_110 : memref<2x128xi32, #tpu.memory_space<vmem>>)
        tpu.yield
      }) : () -> ()
      %scan3A_77 = arith.constant 0 : i32
      %scan3A_78 = arith.constant 0 : i32
      %scan3A_79 = arith.constant 40 : i32
      %scan3A_80 = arith.addi %scan3A_78, %scan3A_79 : i32
      %scan3A_81 = arith.constant 1 : i32
      %scan3A_82 = scf.for %scan3A_84 = %scan3A_78 to %scan3A_80 step %scan3A_81 iter_args(%scan3A_85 = %scan3A_77) -> (i32)  : i32 {
        %mul3A_86 = arith.constant 2 : i32
        %mul3A_87 = arith.muli %mul3A_86, %scan3A_84 : i32
        %run_scoped3A_88 = arith.constant 0 : i32
        %run_scoped3A_89 = arith.constant 1 : i32
        "tpu.region"() ({
          %run_scoped3A_128 = tpu.sem_alloc : memref<!tpu.dma_semaphore, #tpu.memory_space<semaphore_mem>>
          %dma_start3A = arith.constant 0 : i32
          %dma_start3A_129 = tpu.memref_slice %arg11[%run_scoped3A_88, %run_scoped3A_89, %dma_start3A] : memref<2x2x128xi32, #tpu.memory_space<vmem>> -> memref<1x1x128xi32, #tpu.memory_space<vmem>>
          %dma_start3A_130 = tpu.memref_squeeze %dma_start3A_129 : memref<1x1x128xi32, #tpu.memory_space<vmem>> -> memref<128xi32, #tpu.memory_space<vmem>>
          %dma_start3A_131 = arith.constant 0 : i32
          %dma_start3A_132 = arith.constant 0 : i32
          %dma_start3A_133 = tpu.memref_slice %arg18[%dma_start3A_131, %dma_start3A_132] : memref<10112x128xf32, #tpu.memory_space<vmem_shared>> -> memref<10112x128xf32, #tpu.memory_space<vmem_shared>>
          tpu.enqueue_indirect_dma source(%arg12 : memref<128x128xf32, #tpu.memory_space<vmem>>) target(%dma_start3A_133 : memref<10112x128xf32, #tpu.memory_space<vmem_shared>>) offsets(%dma_start3A_130 : memref<128xi32, #tpu.memory_space<vmem>>) semaphore(%run_scoped3A_128 : memref<!tpu.dma_semaphore, #tpu.memory_space<semaphore_mem>>) {add = true}
          %dma_wait3A = arith.constant 0 : i32
          %dma_wait3A_134 = tpu.memref_slice %arg11[%run_scoped3A_88, %run_scoped3A_89, %dma_wait3A] : memref<2x2x128xi32, #tpu.memory_space<vmem>> -> memref<1x1x128xi32, #tpu.memory_space<vmem>>
          %dma_wait3A_135 = tpu.memref_squeeze %dma_wait3A_134 : memref<1x1x128xi32, #tpu.memory_space<vmem>> -> memref<128xi32, #tpu.memory_space<vmem>>
          %dma_wait3A_136 = arith.constant 0 : i32
          %dma_wait3A_137 = arith.constant 0 : i32
          %dma_wait3A_138 = tpu.memref_slice %arg18[%dma_wait3A_136, %dma_wait3A_137] : memref<10112x128xf32, #tpu.memory_space<vmem_shared>> -> memref<10112x128xf32, #tpu.memory_space<vmem_shared>>
          tpu.wait_indirect_dma semaphore(%run_scoped3A_128 : memref<!tpu.dma_semaphore, #tpu.memory_space<semaphore_mem>>) src(%arg12 : memref<128x128xf32, #tpu.memory_space<vmem>>) dst(%dma_wait3A_138 : memref<10112x128xf32, #tpu.memory_space<vmem_shared>>)
          tpu.yield
        }) : () -> ()
        %add3A_90 = arith.constant 2 : i32
        %add3A_91 = arith.addi %mul3A_87, %add3A_90 : i32
        %add3A_92 = arith.constant 0 : i32
        %add3A_93 = arith.addi %add3A_91, %add3A_92 : i32
        %lt3A = arith.constant 80 : i32
        %lt3A_94 = arith.cmpi slt, %add3A_93, %lt3A : i32
        %convert_element_type3A_95 = arith.extui %lt3A_94 : i1 to i32
        %cond3A_96 = arith.constant 0 : i32
        %cond3A_97 = arith.cmpi ne, %convert_element_type3A_95, %cond3A_96 : i32
        scf.if %cond3A_97 {
          %add3A_128 = arith.constant 2 : i32
          %add3A_129 = arith.addi %mul3A_87, %add3A_128 : i32
          %add3A_130 = arith.constant 0 : i32
          %add3A_131 = arith.addi %add3A_129, %add3A_130 : i32
          %dma_start3A = arith.constant 0 : i32
          %dma_start3A_132 = arith.constant 0 : i32
          %dma_start3A_133 = arith.constant 0 : i32
          %dma_start3A_134 = tpu.memref_slice %arg11[%dma_start3A, %dma_start3A_132, %dma_start3A_133] : memref<2x2x128xi32, #tpu.memory_space<vmem>> -> memref<1x2x128xi32, #tpu.memory_space<vmem>>
          %dma_start3A_135 = tpu.memref_squeeze %dma_start3A_134 : memref<1x2x128xi32, #tpu.memory_space<vmem>> -> memref<2x128xi32, #tpu.memory_space<vmem>>
          %dma_start3A_136 = arith.constant 0 : i32
          %dma_start3A_137 = arith.constant 0 : i32
          %dma_start3A_138 = tpu.memref_slice %arg6[%arg1, %add3A_131, %dma_start3A_136, %dma_start3A_137] : memref<16x80x2x128xi32, #tpu.memory_space<hbm>> -> memref<1x1x2x128xi32, #tpu.memory_space<hbm>>
          %dma_start3A_139 = tpu.memref_squeeze %dma_start3A_138 : memref<1x1x2x128xi32, #tpu.memory_space<hbm>> -> memref<2x128xi32, #tpu.memory_space<hbm>>
          %dma_start3A_140 = arith.constant 0 : i32
          %dma_start3A_141 = arith.constant 0 : i32
          %dma_start3A_142 = tpu.memref_slice %arg11[%dma_start3A, %dma_start3A_140, %dma_start3A_141] : memref<2x2x128xi32, #tpu.memory_space<vmem>> -> memref<1x2x128xi32, #tpu.memory_space<vmem>>
          %dma_start3A_143 = tpu.memref_squeeze %dma_start3A_142 : memref<1x2x128xi32, #tpu.memory_space<vmem>> -> memref<2x128xi32, #tpu.memory_space<vmem>>
          %dma_start3A_144 = arith.constant 0 : i32
          %dma_start3A_145 = arith.constant 0 : i32
          %dma_start3A_146 = tpu.memref_slice %arg6[%arg1, %add3A_131, %dma_start3A_144, %dma_start3A_145] : memref<16x80x2x128xi32, #tpu.memory_space<hbm>> -> memref<1x1x2x128xi32, #tpu.memory_space<hbm>>
          %dma_start3A_147 = tpu.memref_squeeze %dma_start3A_146 : memref<1x1x2x128xi32, #tpu.memory_space<hbm>> -> memref<2x128xi32, #tpu.memory_space<hbm>>
          tpu.enqueue_dma source(%dma_start3A_147 : memref<2x128xi32, #tpu.memory_space<hbm>>) target(%dma_start3A_143 : memref<2x128xi32, #tpu.memory_space<vmem>>) target_semaphore(%arg14 : memref<!tpu.dma_semaphore, #tpu.memory_space<semaphore_mem>>)
        } else {
        }
        %run_scoped3A_98 = arith.constant 1 : i32
        %run_scoped3A_99 = arith.constant 1 : i32
        "tpu.region"() ({
          %run_scoped3A_128 = tpu.sem_alloc : memref<!tpu.dma_semaphore, #tpu.memory_space<semaphore_mem>>
          %dma_start3A = arith.constant 0 : i32
          %dma_start3A_129 = tpu.memref_slice %arg11[%run_scoped3A_98, %run_scoped3A_99, %dma_start3A] : memref<2x2x128xi32, #tpu.memory_space<vmem>> -> memref<1x1x128xi32, #tpu.memory_space<vmem>>
          %dma_start3A_130 = tpu.memref_squeeze %dma_start3A_129 : memref<1x1x128xi32, #tpu.memory_space<vmem>> -> memref<128xi32, #tpu.memory_space<vmem>>
          %dma_start3A_131 = arith.constant 0 : i32
          %dma_start3A_132 = arith.constant 0 : i32
          %dma_start3A_133 = tpu.memref_slice %arg18[%dma_start3A_131, %dma_start3A_132] : memref<10112x128xf32, #tpu.memory_space<vmem_shared>> -> memref<10112x128xf32, #tpu.memory_space<vmem_shared>>
          tpu.enqueue_indirect_dma source(%arg13 : memref<128x128xf32, #tpu.memory_space<vmem>>) target(%dma_start3A_133 : memref<10112x128xf32, #tpu.memory_space<vmem_shared>>) offsets(%dma_start3A_130 : memref<128xi32, #tpu.memory_space<vmem>>) semaphore(%run_scoped3A_128 : memref<!tpu.dma_semaphore, #tpu.memory_space<semaphore_mem>>) {add = true}
          %dma_wait3A = arith.constant 0 : i32
          %dma_wait3A_134 = tpu.memref_slice %arg11[%run_scoped3A_98, %run_scoped3A_99, %dma_wait3A] : memref<2x2x128xi32, #tpu.memory_space<vmem>> -> memref<1x1x128xi32, #tpu.memory_space<vmem>>
          %dma_wait3A_135 = tpu.memref_squeeze %dma_wait3A_134 : memref<1x1x128xi32, #tpu.memory_space<vmem>> -> memref<128xi32, #tpu.memory_space<vmem>>
          %dma_wait3A_136 = arith.constant 0 : i32
          %dma_wait3A_137 = arith.constant 0 : i32
          %dma_wait3A_138 = tpu.memref_slice %arg18[%dma_wait3A_136, %dma_wait3A_137] : memref<10112x128xf32, #tpu.memory_space<vmem_shared>> -> memref<10112x128xf32, #tpu.memory_space<vmem_shared>>
          tpu.wait_indirect_dma semaphore(%run_scoped3A_128 : memref<!tpu.dma_semaphore, #tpu.memory_space<semaphore_mem>>) src(%arg13 : memref<128x128xf32, #tpu.memory_space<vmem>>) dst(%dma_wait3A_138 : memref<10112x128xf32, #tpu.memory_space<vmem_shared>>)
          tpu.yield
        }) : () -> ()
        %add3A_100 = arith.constant 2 : i32
        %add3A_101 = arith.addi %mul3A_87, %add3A_100 : i32
        %add3A_102 = arith.constant 1 : i32
        %add3A_103 = arith.addi %add3A_101, %add3A_102 : i32
        %lt3A_104 = arith.constant 80 : i32
        %lt3A_105 = arith.cmpi slt, %add3A_103, %lt3A_104 : i32
        %convert_element_type3A_106 = arith.extui %lt3A_105 : i1 to i32
        %cond3A_107 = arith.constant 0 : i32
        %cond3A_108 = arith.cmpi ne, %convert_element_type3A_106, %cond3A_107 : i32
        scf.if %cond3A_108 {
          %add3A_128 = arith.constant 2 : i32
          %add3A_129 = arith.addi %mul3A_87, %add3A_128 : i32
          %add3A_130 = arith.constant 1 : i32
          %add3A_131 = arith.addi %add3A_129, %add3A_130 : i32
          %dma_start3A = arith.constant 1 : i32
          %dma_start3A_132 = arith.constant 0 : i32
          %dma_start3A_133 = arith.constant 0 : i32
          %dma_start3A_134 = tpu.memref_slice %arg11[%dma_start3A, %dma_start3A_132, %dma_start3A_133] : memref<2x2x128xi32, #tpu.memory_space<vmem>> -> memref<1x2x128xi32, #tpu.memory_space<vmem>>
          %dma_start3A_135 = tpu.memref_squeeze %dma_start3A_134 : memref<1x2x128xi32, #tpu.memory_space<vmem>> -> memref<2x128xi32, #tpu.memory_space<vmem>>
          %dma_start3A_136 = arith.constant 0 : i32
          %dma_start3A_137 = arith.constant 0 : i32
          %dma_start3A_138 = tpu.memref_slice %arg6[%arg1, %add3A_131, %dma_start3A_136, %dma_start3A_137] : memref<16x80x2x128xi32, #tpu.memory_space<hbm>> -> memref<1x1x2x128xi32, #tpu.memory_space<hbm>>
          %dma_start3A_139 = tpu.memref_squeeze %dma_start3A_138 : memref<1x1x2x128xi32, #tpu.memory_space<hbm>> -> memref<2x128xi32, #tpu.memory_space<hbm>>
          %dma_start3A_140 = arith.constant 0 : i32
          %dma_start3A_141 = arith.constant 0 : i32
          %dma_start3A_142 = tpu.memref_slice %arg11[%dma_start3A, %dma_start3A_140, %dma_start3A_141] : memref<2x2x128xi32, #tpu.memory_space<vmem>> -> memref<1x2x128xi32, #tpu.memory_space<vmem>>
          %dma_start3A_143 = tpu.memref_squeeze %dma_start3A_142 : memref<1x2x128xi32, #tpu.memory_space<vmem>> -> memref<2x128xi32, #tpu.memory_space<vmem>>
          %dma_start3A_144 = arith.constant 0 : i32
          %dma_start3A_145 = arith.constant 0 : i32
          %dma_start3A_146 = tpu.memref_slice %arg6[%arg1, %add3A_131, %dma_start3A_144, %dma_start3A_145] : memref<16x80x2x128xi32, #tpu.memory_space<hbm>> -> memref<1x1x2x128xi32, #tpu.memory_space<hbm>>
          %dma_start3A_147 = tpu.memref_squeeze %dma_start3A_146 : memref<1x1x2x128xi32, #tpu.memory_space<hbm>> -> memref<2x128xi32, #tpu.memory_space<hbm>>
          tpu.enqueue_dma source(%dma_start3A_147 : memref<2x128xi32, #tpu.memory_space<hbm>>) target(%dma_start3A_143 : memref<2x128xi32, #tpu.memory_space<vmem>>) target_semaphore(%arg15 : memref<!tpu.dma_semaphore, #tpu.memory_space<semaphore_mem>>)
        } else {
        }
        %add3A_109 = arith.constant 2 : i32
        %add3A_110 = arith.addi %mul3A_87, %add3A_109 : i32
        %add3A_111 = arith.constant 0 : i32
        %add3A_112 = arith.addi %add3A_110, %add3A_111 : i32
        %lt3A_113 = arith.constant 80 : i32
        %lt3A_114 = arith.cmpi slt, %add3A_112, %lt3A_113 : i32
        %convert_element_type3A_115 = arith.extui %lt3A_114 : i1 to i32
        %cond3A_116 = arith.constant 0 : i32
        %cond3A_117 = arith.cmpi ne, %convert_element_type3A_115, %cond3A_116 : i32
        scf.if %cond3A_117 {
          %add3A_128 = arith.constant 2 : i32
          %add3A_129 = arith.addi %mul3A_87, %add3A_128 : i32
          %add3A_130 = arith.constant 0 : i32
          %add3A_131 = arith.addi %add3A_129, %add3A_130 : i32
          %dma_wait3A = arith.constant 0 : i32
          %dma_wait3A_132 = arith.constant 0 : i32
          %dma_wait3A_133 = arith.constant 0 : i32
          %dma_wait3A_134 = tpu.memref_slice %arg11[%dma_wait3A, %dma_wait3A_132, %dma_wait3A_133] : memref<2x2x128xi32, #tpu.memory_space<vmem>> -> memref<1x2x128xi32, #tpu.memory_space<vmem>>
          %dma_wait3A_135 = tpu.memref_squeeze %dma_wait3A_134 : memref<1x2x128xi32, #tpu.memory_space<vmem>> -> memref<2x128xi32, #tpu.memory_space<vmem>>
          %dma_wait3A_136 = arith.constant 0 : i32
          %dma_wait3A_137 = arith.constant 0 : i32
          %dma_wait3A_138 = tpu.memref_slice %arg6[%arg1, %add3A_131, %dma_wait3A_136, %dma_wait3A_137] : memref<16x80x2x128xi32, #tpu.memory_space<hbm>> -> memref<1x1x2x128xi32, #tpu.memory_space<hbm>>
          %dma_wait3A_139 = tpu.memref_squeeze %dma_wait3A_138 : memref<1x1x2x128xi32, #tpu.memory_space<hbm>> -> memref<2x128xi32, #tpu.memory_space<hbm>>
          %dma_wait3A_140 = arith.constant 0 : i32
          %dma_wait3A_141 = arith.constant 0 : i32
          %dma_wait3A_142 = tpu.memref_slice %arg11[%dma_wait3A, %dma_wait3A_140, %dma_wait3A_141] : memref<2x2x128xi32, #tpu.memory_space<vmem>> -> memref<1x2x128xi32, #tpu.memory_space<vmem>>
          %dma_wait3A_143 = tpu.memref_squeeze %dma_wait3A_142 : memref<1x2x128xi32, #tpu.memory_space<vmem>> -> memref<2x128xi32, #tpu.memory_space<vmem>>
          %dma_wait3A_144 = arith.constant 0 : i32
          %dma_wait3A_145 = arith.constant 0 : i32
          %dma_wait3A_146 = tpu.memref_slice %arg6[%arg1, %add3A_131, %dma_wait3A_144, %dma_wait3A_145] : memref<16x80x2x128xi32, #tpu.memory_space<hbm>> -> memref<1x1x2x128xi32, #tpu.memory_space<hbm>>
          %dma_wait3A_147 = tpu.memref_squeeze %dma_wait3A_146 : memref<1x1x2x128xi32, #tpu.memory_space<hbm>> -> memref<2x128xi32, #tpu.memory_space<hbm>>
          tpu.wait_dma2 semaphore(%arg14 : memref<!tpu.dma_semaphore, #tpu.memory_space<semaphore_mem>>) src(%dma_wait3A_147 : memref<2x128xi32, #tpu.memory_space<hbm>>) dst(%dma_wait3A_143 : memref<2x128xi32, #tpu.memory_space<vmem>>)
        } else {
        }
        %add3A_118 = arith.constant 2 : i32
        %add3A_119 = arith.addi %mul3A_87, %add3A_118 : i32
        %add3A_120 = arith.constant 1 : i32
        %add3A_121 = arith.addi %add3A_119, %add3A_120 : i32
        %lt3A_122 = arith.constant 80 : i32
        %lt3A_123 = arith.cmpi slt, %add3A_121, %lt3A_122 : i32
        %convert_element_type3A_124 = arith.extui %lt3A_123 : i1 to i32
        %cond3A_125 = arith.constant 0 : i32
        %cond3A_126 = arith.cmpi ne, %convert_element_type3A_124, %cond3A_125 : i32
        scf.if %cond3A_126 {
          %add3A_128 = arith.constant 2 : i32
          %add3A_129 = arith.addi %mul3A_87, %add3A_128 : i32
          %add3A_130 = arith.constant 1 : i32
          %add3A_131 = arith.addi %add3A_129, %add3A_130 : i32
          %dma_wait3A = arith.constant 1 : i32
          %dma_wait3A_132 = arith.constant 0 : i32
          %dma_wait3A_133 = arith.constant 0 : i32
          %dma_wait3A_134 = tpu.memref_slice %arg11[%dma_wait3A, %dma_wait3A_132, %dma_wait3A_133] : memref<2x2x128xi32, #tpu.memory_space<vmem>> -> memref<1x2x128xi32, #tpu.memory_space<vmem>>
          %dma_wait3A_135 = tpu.memref_squeeze %dma_wait3A_134 : memref<1x2x128xi32, #tpu.memory_space<vmem>> -> memref<2x128xi32, #tpu.memory_space<vmem>>
          %dma_wait3A_136 = arith.constant 0 : i32
          %dma_wait3A_137 = arith.constant 0 : i32
          %dma_wait3A_138 = tpu.memref_slice %arg6[%arg1, %add3A_131, %dma_wait3A_136, %dma_wait3A_137] : memref<16x80x2x128xi32, #tpu.memory_space<hbm>> -> memref<1x1x2x128xi32, #tpu.memory_space<hbm>>
          %dma_wait3A_139 = tpu.memref_squeeze %dma_wait3A_138 : memref<1x1x2x128xi32, #tpu.memory_space<hbm>> -> memref<2x128xi32, #tpu.memory_space<hbm>>
          %dma_wait3A_140 = arith.constant 0 : i32
          %dma_wait3A_141 = arith.constant 0 : i32
          %dma_wait3A_142 = tpu.memref_slice %arg11[%dma_wait3A, %dma_wait3A_140, %dma_wait3A_141] : memref<2x2x128xi32, #tpu.memory_space<vmem>> -> memref<1x2x128xi32, #tpu.memory_space<vmem>>
          %dma_wait3A_143 = tpu.memref_squeeze %dma_wait3A_142 : memref<1x2x128xi32, #tpu.memory_space<vmem>> -> memref<2x128xi32, #tpu.memory_space<vmem>>
          %dma_wait3A_144 = arith.constant 0 : i32
          %dma_wait3A_145 = arith.constant 0 : i32
          %dma_wait3A_146 = tpu.memref_slice %arg6[%arg1, %add3A_131, %dma_wait3A_144, %dma_wait3A_145] : memref<16x80x2x128xi32, #tpu.memory_space<hbm>> -> memref<1x1x2x128xi32, #tpu.memory_space<hbm>>
          %dma_wait3A_147 = tpu.memref_squeeze %dma_wait3A_146 : memref<1x1x2x128xi32, #tpu.memory_space<hbm>> -> memref<2x128xi32, #tpu.memory_space<hbm>>
          tpu.wait_dma2 semaphore(%arg15 : memref<!tpu.dma_semaphore, #tpu.memory_space<semaphore_mem>>) src(%dma_wait3A_147 : memref<2x128xi32, #tpu.memory_space<hbm>>) dst(%dma_wait3A_143 : memref<2x128xi32, #tpu.memory_space<vmem>>)
        } else {
        }
        %scan3A_127 = arith.constant 0 : i32
        scf.yield %scan3A_127 : i32
      }
      %scan3A_83 = arith.constant 40 : i32
    } else {
    }
    %eq3A_58 = arith.constant 1 : i32
    %eq3A_59 = arith.cmpi eq, %arg0, %eq3A_58 : i32
    %convert_element_type3A_60 = arith.extui %eq3A_59 : i1 to i32
    %cond3A_61 = arith.constant 0 : i32
    %cond3A_62 = arith.cmpi ne, %convert_element_type3A_60, %cond3A_61 : i32
    scf.if %cond3A_62 {
      %run_scoped3A = arith.constant 0 : i32
      %run_scoped3A_74 = arith.constant 0 : i32
      "tpu.region"() ({
        %run_scoped3A_84 = tpu.sem_alloc : memref<!tpu.dma_semaphore, #tpu.memory_space<semaphore_mem>>
        %dma_start3A = arith.constant 0 : i32
        %dma_start3A_85 = arith.constant 0 : i32
        %dma_start3A_86 = tpu.memref_slice %arg11[%run_scoped3A_74, %dma_start3A, %dma_start3A_85] : memref<2x2x128xi32, #tpu.memory_space<vmem>> -> memref<1x2x128xi32, #tpu.memory_space<vmem>>
        %dma_start3A_87 = tpu.memref_squeeze %dma_start3A_86 : memref<1x2x128xi32, #tpu.memory_space<vmem>> -> memref<2x128xi32, #tpu.memory_space<vmem>>
        %dma_start3A_88 = arith.constant 0 : i32
        %dma_start3A_89 = arith.constant 0 : i32
        %dma_start3A_90 = tpu.memref_slice %arg6[%arg1, %run_scoped3A, %dma_start3A_88, %dma_start3A_89] : memref<16x80x2x128xi32, #tpu.memory_space<hbm>> -> memref<1x1x2x128xi32, #tpu.memory_space<hbm>>
        %dma_start3A_91 = tpu.memref_squeeze %dma_start3A_90 : memref<1x1x2x128xi32, #tpu.memory_space<hbm>> -> memref<2x128xi32, #tpu.memory_space<hbm>>
        %dma_start3A_92 = arith.constant 0 : i32
        %dma_start3A_93 = arith.constant 0 : i32
        %dma_start3A_94 = tpu.memref_slice %arg11[%run_scoped3A_74, %dma_start3A_92, %dma_start3A_93] : memref<2x2x128xi32, #tpu.memory_space<vmem>> -> memref<1x2x128xi32, #tpu.memory_space<vmem>>
        %dma_start3A_95 = tpu.memref_squeeze %dma_start3A_94 : memref<1x2x128xi32, #tpu.memory_space<vmem>> -> memref<2x128xi32, #tpu.memory_space<vmem>>
        %dma_start3A_96 = arith.constant 0 : i32
        %dma_start3A_97 = arith.constant 0 : i32
        %dma_start3A_98 = tpu.memref_slice %arg6[%arg1, %run_scoped3A, %dma_start3A_96, %dma_start3A_97] : memref<16x80x2x128xi32, #tpu.memory_space<hbm>> -> memref<1x1x2x128xi32, #tpu.memory_space<hbm>>
        %dma_start3A_99 = tpu.memref_squeeze %dma_start3A_98 : memref<1x1x2x128xi32, #tpu.memory_space<hbm>> -> memref<2x128xi32, #tpu.memory_space<hbm>>
        tpu.enqueue_dma source(%dma_start3A_99 : memref<2x128xi32, #tpu.memory_space<hbm>>) target(%dma_start3A_95 : memref<2x128xi32, #tpu.memory_space<vmem>>) target_semaphore(%run_scoped3A_84 : memref<!tpu.dma_semaphore, #tpu.memory_space<semaphore_mem>>)
        %dma_wait3A = arith.constant 0 : i32
        %dma_wait3A_100 = arith.constant 0 : i32
        %dma_wait3A_101 = tpu.memref_slice %arg11[%run_scoped3A_74, %dma_wait3A, %dma_wait3A_100] : memref<2x2x128xi32, #tpu.memory_space<vmem>> -> memref<1x2x128xi32, #tpu.memory_space<vmem>>
        %dma_wait3A_102 = tpu.memref_squeeze %dma_wait3A_101 : memref<1x2x128xi32, #tpu.memory_space<vmem>> -> memref<2x128xi32, #tpu.memory_space<vmem>>
        %dma_wait3A_103 = arith.constant 0 : i32
        %dma_wait3A_104 = arith.constant 0 : i32
        %dma_wait3A_105 = tpu.memref_slice %arg6[%arg1, %run_scoped3A, %dma_wait3A_103, %dma_wait3A_104] : memref<16x80x2x128xi32, #tpu.memory_space<hbm>> -> memref<1x1x2x128xi32, #tpu.memory_space<hbm>>
        %dma_wait3A_106 = tpu.memref_squeeze %dma_wait3A_105 : memref<1x1x2x128xi32, #tpu.memory_space<hbm>> -> memref<2x128xi32, #tpu.memory_space<hbm>>
        %dma_wait3A_107 = arith.constant 0 : i32
        %dma_wait3A_108 = arith.constant 0 : i32
        %dma_wait3A_109 = tpu.memref_slice %arg11[%run_scoped3A_74, %dma_wait3A_107, %dma_wait3A_108] : memref<2x2x128xi32, #tpu.memory_space<vmem>> -> memref<1x2x128xi32, #tpu.memory_space<vmem>>
        %dma_wait3A_110 = tpu.memref_squeeze %dma_wait3A_109 : memref<1x2x128xi32, #tpu.memory_space<vmem>> -> memref<2x128xi32, #tpu.memory_space<vmem>>
        %dma_wait3A_111 = arith.constant 0 : i32
        %dma_wait3A_112 = arith.constant 0 : i32
        %dma_wait3A_113 = tpu.memref_slice %arg6[%arg1, %run_scoped3A, %dma_wait3A_111, %dma_wait3A_112] : memref<16x80x2x128xi32, #tpu.memory_space<hbm>> -> memref<1x1x2x128xi32, #tpu.memory_space<hbm>>
        %dma_wait3A_114 = tpu.memref_squeeze %dma_wait3A_113 : memref<1x1x2x128xi32, #tpu.memory_space<hbm>> -> memref<2x128xi32, #tpu.memory_space<hbm>>
        tpu.wait_dma2 semaphore(%run_scoped3A_84 : memref<!tpu.dma_semaphore, #tpu.memory_space<semaphore_mem>>) src(%dma_wait3A_114 : memref<2x128xi32, #tpu.memory_space<hbm>>) dst(%dma_wait3A_110 : memref<2x128xi32, #tpu.memory_space<vmem>>)
        tpu.yield
      }) : () -> ()
      %run_scoped3A_75 = arith.constant 1 : i32
      %run_scoped3A_76 = arith.constant 1 : i32
      "tpu.region"() ({
        %run_scoped3A_84 = tpu.sem_alloc : memref<!tpu.dma_semaphore, #tpu.memory_space<semaphore_mem>>
        %dma_start3A = arith.constant 0 : i32
        %dma_start3A_85 = arith.constant 0 : i32
        %dma_start3A_86 = tpu.memref_slice %arg11[%run_scoped3A_76, %dma_start3A, %dma_start3A_85] : memref<2x2x128xi32, #tpu.memory_space<vmem>> -> memref<1x2x128xi32, #tpu.memory_space<vmem>>
        %dma_start3A_87 = tpu.memref_squeeze %dma_start3A_86 : memref<1x2x128xi32, #tpu.memory_space<vmem>> -> memref<2x128xi32, #tpu.memory_space<vmem>>
        %dma_start3A_88 = arith.constant 0 : i32
        %dma_start3A_89 = arith.constant 0 : i32
        %dma_start3A_90 = tpu.memref_slice %arg6[%arg1, %run_scoped3A_75, %dma_start3A_88, %dma_start3A_89] : memref<16x80x2x128xi32, #tpu.memory_space<hbm>> -> memref<1x1x2x128xi32, #tpu.memory_space<hbm>>
        %dma_start3A_91 = tpu.memref_squeeze %dma_start3A_90 : memref<1x1x2x128xi32, #tpu.memory_space<hbm>> -> memref<2x128xi32, #tpu.memory_space<hbm>>
        %dma_start3A_92 = arith.constant 0 : i32
        %dma_start3A_93 = arith.constant 0 : i32
        %dma_start3A_94 = tpu.memref_slice %arg11[%run_scoped3A_76, %dma_start3A_92, %dma_start3A_93] : memref<2x2x128xi32, #tpu.memory_space<vmem>> -> memref<1x2x128xi32, #tpu.memory_space<vmem>>
        %dma_start3A_95 = tpu.memref_squeeze %dma_start3A_94 : memref<1x2x128xi32, #tpu.memory_space<vmem>> -> memref<2x128xi32, #tpu.memory_space<vmem>>
        %dma_start3A_96 = arith.constant 0 : i32
        %dma_start3A_97 = arith.constant 0 : i32
        %dma_start3A_98 = tpu.memref_slice %arg6[%arg1, %run_scoped3A_75, %dma_start3A_96, %dma_start3A_97] : memref<16x80x2x128xi32, #tpu.memory_space<hbm>> -> memref<1x1x2x128xi32, #tpu.memory_space<hbm>>
        %dma_start3A_99 = tpu.memref_squeeze %dma_start3A_98 : memref<1x1x2x128xi32, #tpu.memory_space<hbm>> -> memref<2x128xi32, #tpu.memory_space<hbm>>
        tpu.enqueue_dma source(%dma_start3A_99 : memref<2x128xi32, #tpu.memory_space<hbm>>) target(%dma_start3A_95 : memref<2x128xi32, #tpu.memory_space<vmem>>) target_semaphore(%run_scoped3A_84 : memref<!tpu.dma_semaphore, #tpu.memory_space<semaphore_mem>>)
        %dma_wait3A = arith.constant 0 : i32
        %dma_wait3A_100 = arith.constant 0 : i32
        %dma_wait3A_101 = tpu.memref_slice %arg11[%run_scoped3A_76, %dma_wait3A, %dma_wait3A_100] : memref<2x2x128xi32, #tpu.memory_space<vmem>> -> memref<1x2x128xi32, #tpu.memory_space<vmem>>
        %dma_wait3A_102 = tpu.memref_squeeze %dma_wait3A_101 : memref<1x2x128xi32, #tpu.memory_space<vmem>> -> memref<2x128xi32, #tpu.memory_space<vmem>>
        %dma_wait3A_103 = arith.constant 0 : i32
        %dma_wait3A_104 = arith.constant 0 : i32
        %dma_wait3A_105 = tpu.memref_slice %arg6[%arg1, %run_scoped3A_75, %dma_wait3A_103, %dma_wait3A_104] : memref<16x80x2x128xi32, #tpu.memory_space<hbm>> -> memref<1x1x2x128xi32, #tpu.memory_space<hbm>>
        %dma_wait3A_106 = tpu.memref_squeeze %dma_wait3A_105 : memref<1x1x2x128xi32, #tpu.memory_space<hbm>> -> memref<2x128xi32, #tpu.memory_space<hbm>>
        %dma_wait3A_107 = arith.constant 0 : i32
        %dma_wait3A_108 = arith.constant 0 : i32
        %dma_wait3A_109 = tpu.memref_slice %arg11[%run_scoped3A_76, %dma_wait3A_107, %dma_wait3A_108] : memref<2x2x128xi32, #tpu.memory_space<vmem>> -> memref<1x2x128xi32, #tpu.memory_space<vmem>>
        %dma_wait3A_110 = tpu.memref_squeeze %dma_wait3A_109 : memref<1x2x128xi32, #tpu.memory_space<vmem>> -> memref<2x128xi32, #tpu.memory_space<vmem>>
        %dma_wait3A_111 = arith.constant 0 : i32
        %dma_wait3A_112 = arith.constant 0 : i32
        %dma_wait3A_113 = tpu.memref_slice %arg6[%arg1, %run_scoped3A_75, %dma_wait3A_111, %dma_wait3A_112] : memref<16x80x2x128xi32, #tpu.memory_space<hbm>> -> memref<1x1x2x128xi32, #tpu.memory_space<hbm>>
        %dma_wait3A_114 = tpu.memref_squeeze %dma_wait3A_113 : memref<1x1x2x128xi32, #tpu.memory_space<hbm>> -> memref<2x128xi32, #tpu.memory_space<hbm>>
        tpu.wait_dma2 semaphore(%run_scoped3A_84 : memref<!tpu.dma_semaphore, #tpu.memory_space<semaphore_mem>>) src(%dma_wait3A_114 : memref<2x128xi32, #tpu.memory_space<hbm>>) dst(%dma_wait3A_110 : memref<2x128xi32, #tpu.memory_space<vmem>>)
        tpu.yield
      }) : () -> ()
      %scan3A_77 = arith.constant 0 : i32
      %scan3A_78 = arith.constant 0 : i32
      %scan3A_79 = arith.constant 40 : i32
      %scan3A_80 = arith.addi %scan3A_78, %scan3A_79 : i32
      %scan3A_81 = arith.constant 1 : i32
      %scan3A_82 = scf.for %scan3A_84 = %scan3A_78 to %scan3A_80 step %scan3A_81 iter_args(%scan3A_85 = %scan3A_77) -> (i32)  : i32 {
        %mul3A_86 = arith.constant 2 : i32
        %mul3A_87 = arith.muli %mul3A_86, %scan3A_84 : i32
        %run_scoped3A_88 = arith.constant 0 : i32
        %run_scoped3A_89 = arith.constant 1 : i32
        "tpu.region"() ({
          %run_scoped3A_128 = tpu.sem_alloc : memref<!tpu.dma_semaphore, #tpu.memory_space<semaphore_mem>>
          %dma_start3A = arith.constant 0 : i32
          %dma_start3A_129 = tpu.memref_slice %arg11[%run_scoped3A_88, %run_scoped3A_89, %dma_start3A] : memref<2x2x128xi32, #tpu.memory_space<vmem>> -> memref<1x1x128xi32, #tpu.memory_space<vmem>>
          %dma_start3A_130 = tpu.memref_squeeze %dma_start3A_129 : memref<1x1x128xi32, #tpu.memory_space<vmem>> -> memref<128xi32, #tpu.memory_space<vmem>>
          %dma_start3A_131 = arith.constant 0 : i32
          %dma_start3A_132 = arith.constant 0 : i32
          %dma_start3A_133 = tpu.memref_slice %arg18[%dma_start3A_131, %dma_start3A_132] : memref<10112x128xf32, #tpu.memory_space<vmem_shared>> -> memref<10112x128xf32, #tpu.memory_space<vmem_shared>>
          tpu.enqueue_indirect_dma source(%arg12 : memref<128x128xf32, #tpu.memory_space<vmem>>) target(%dma_start3A_133 : memref<10112x128xf32, #tpu.memory_space<vmem_shared>>) offsets(%dma_start3A_130 : memref<128xi32, #tpu.memory_space<vmem>>) semaphore(%run_scoped3A_128 : memref<!tpu.dma_semaphore, #tpu.memory_space<semaphore_mem>>) {add = true}
          %dma_wait3A = arith.constant 0 : i32
          %dma_wait3A_134 = tpu.memref_slice %arg11[%run_scoped3A_88, %run_scoped3A_89, %dma_wait3A] : memref<2x2x128xi32, #tpu.memory_space<vmem>> -> memref<1x1x128xi32, #tpu.memory_space<vmem>>
          %dma_wait3A_135 = tpu.memref_squeeze %dma_wait3A_134 : memref<1x1x128xi32, #tpu.memory_space<vmem>> -> memref<128xi32, #tpu.memory_space<vmem>>
          %dma_wait3A_136 = arith.constant 0 : i32
          %dma_wait3A_137 = arith.constant 0 : i32
          %dma_wait3A_138 = tpu.memref_slice %arg18[%dma_wait3A_136, %dma_wait3A_137] : memref<10112x128xf32, #tpu.memory_space<vmem_shared>> -> memref<10112x128xf32, #tpu.memory_space<vmem_shared>>
          tpu.wait_indirect_dma semaphore(%run_scoped3A_128 : memref<!tpu.dma_semaphore, #tpu.memory_space<semaphore_mem>>) src(%arg12 : memref<128x128xf32, #tpu.memory_space<vmem>>) dst(%dma_wait3A_138 : memref<10112x128xf32, #tpu.memory_space<vmem_shared>>)
          tpu.yield
        }) : () -> ()
        %add3A_90 = arith.constant 2 : i32
        %add3A_91 = arith.addi %mul3A_87, %add3A_90 : i32
        %add3A_92 = arith.constant 0 : i32
        %add3A_93 = arith.addi %add3A_91, %add3A_92 : i32
        %lt3A = arith.constant 80 : i32
        %lt3A_94 = arith.cmpi slt, %add3A_93, %lt3A : i32
        %convert_element_type3A_95 = arith.extui %lt3A_94 : i1 to i32
        %cond3A_96 = arith.constant 0 : i32
        %cond3A_97 = arith.cmpi ne, %convert_element_type3A_95, %cond3A_96 : i32
        scf.if %cond3A_97 {
          %add3A_128 = arith.constant 2 : i32
          %add3A_129 = arith.addi %mul3A_87, %add3A_128 : i32
          %add3A_130 = arith.constant 0 : i32
          %add3A_131 = arith.addi %add3A_129, %add3A_130 : i32
          %dma_start3A = arith.constant 0 : i32
          %dma_start3A_132 = arith.constant 0 : i32
          %dma_start3A_133 = arith.constant 0 : i32
          %dma_start3A_134 = tpu.memref_slice %arg11[%dma_start3A, %dma_start3A_132, %dma_start3A_133] : memref<2x2x128xi32, #tpu.memory_space<vmem>> -> memref<1x2x128xi32, #tpu.memory_space<vmem>>
          %dma_start3A_135 = tpu.memref_squeeze %dma_start3A_134 : memref<1x2x128xi32, #tpu.memory_space<vmem>> -> memref<2x128xi32, #tpu.memory_space<vmem>>
          %dma_start3A_136 = arith.constant 0 : i32
          %dma_start3A_137 = arith.constant 0 : i32
          %dma_start3A_138 = tpu.memref_slice %arg6[%arg1, %add3A_131, %dma_start3A_136, %dma_start3A_137] : memref<16x80x2x128xi32, #tpu.memory_space<hbm>> -> memref<1x1x2x128xi32, #tpu.memory_space<hbm>>
          %dma_start3A_139 = tpu.memref_squeeze %dma_start3A_138 : memref<1x1x2x128xi32, #tpu.memory_space<hbm>> -> memref<2x128xi32, #tpu.memory_space<hbm>>
          %dma_start3A_140 = arith.constant 0 : i32
          %dma_start3A_141 = arith.constant 0 : i32
          %dma_start3A_142 = tpu.memref_slice %arg11[%dma_start3A, %dma_start3A_140, %dma_start3A_141] : memref<2x2x128xi32, #tpu.memory_space<vmem>> -> memref<1x2x128xi32, #tpu.memory_space<vmem>>
          %dma_start3A_143 = tpu.memref_squeeze %dma_start3A_142 : memref<1x2x128xi32, #tpu.memory_space<vmem>> -> memref<2x128xi32, #tpu.memory_space<vmem>>
          %dma_start3A_144 = arith.constant 0 : i32
          %dma_start3A_145 = arith.constant 0 : i32
          %dma_start3A_146 = tpu.memref_slice %arg6[%arg1, %add3A_131, %dma_start3A_144, %dma_start3A_145] : memref<16x80x2x128xi32, #tpu.memory_space<hbm>> -> memref<1x1x2x128xi32, #tpu.memory_space<hbm>>
          %dma_start3A_147 = tpu.memref_squeeze %dma_start3A_146 : memref<1x1x2x128xi32, #tpu.memory_space<hbm>> -> memref<2x128xi32, #tpu.memory_space<hbm>>
          tpu.enqueue_dma source(%dma_start3A_147 : memref<2x128xi32, #tpu.memory_space<hbm>>) target(%dma_start3A_143 : memref<2x128xi32, #tpu.memory_space<vmem>>) target_semaphore(%arg14 : memref<!tpu.dma_semaphore, #tpu.memory_space<semaphore_mem>>)
        } else {
        }
        %run_scoped3A_98 = arith.constant 1 : i32
        %run_scoped3A_99 = arith.constant 1 : i32
        "tpu.region"() ({
          %run_scoped3A_128 = tpu.sem_alloc : memref<!tpu.dma_semaphore, #tpu.memory_space<semaphore_mem>>
          %dma_start3A = arith.constant 0 : i32
          %dma_start3A_129 = tpu.memref_slice %arg11[%run_scoped3A_98, %run_scoped3A_99, %dma_start3A] : memref<2x2x128xi32, #tpu.memory_space<vmem>> -> memref<1x1x128xi32, #tpu.memory_space<vmem>>
          %dma_start3A_130 = tpu.memref_squeeze %dma_start3A_129 : memref<1x1x128xi32, #tpu.memory_space<vmem>> -> memref<128xi32, #tpu.memory_space<vmem>>
          %dma_start3A_131 = arith.constant 0 : i32
          %dma_start3A_132 = arith.constant 0 : i32
          %dma_start3A_133 = tpu.memref_slice %arg18[%dma_start3A_131, %dma_start3A_132] : memref<10112x128xf32, #tpu.memory_space<vmem_shared>> -> memref<10112x128xf32, #tpu.memory_space<vmem_shared>>
          tpu.enqueue_indirect_dma source(%arg13 : memref<128x128xf32, #tpu.memory_space<vmem>>) target(%dma_start3A_133 : memref<10112x128xf32, #tpu.memory_space<vmem_shared>>) offsets(%dma_start3A_130 : memref<128xi32, #tpu.memory_space<vmem>>) semaphore(%run_scoped3A_128 : memref<!tpu.dma_semaphore, #tpu.memory_space<semaphore_mem>>) {add = true}
          %dma_wait3A = arith.constant 0 : i32
          %dma_wait3A_134 = tpu.memref_slice %arg11[%run_scoped3A_98, %run_scoped3A_99, %dma_wait3A] : memref<2x2x128xi32, #tpu.memory_space<vmem>> -> memref<1x1x128xi32, #tpu.memory_space<vmem>>
          %dma_wait3A_135 = tpu.memref_squeeze %dma_wait3A_134 : memref<1x1x128xi32, #tpu.memory_space<vmem>> -> memref<128xi32, #tpu.memory_space<vmem>>
          %dma_wait3A_136 = arith.constant 0 : i32
          %dma_wait3A_137 = arith.constant 0 : i32
          %dma_wait3A_138 = tpu.memref_slice %arg18[%dma_wait3A_136, %dma_wait3A_137] : memref<10112x128xf32, #tpu.memory_space<vmem_shared>> -> memref<10112x128xf32, #tpu.memory_space<vmem_shared>>
          tpu.wait_indirect_dma semaphore(%run_scoped3A_128 : memref<!tpu.dma_semaphore, #tpu.memory_space<semaphore_mem>>) src(%arg13 : memref<128x128xf32, #tpu.memory_space<vmem>>) dst(%dma_wait3A_138 : memref<10112x128xf32, #tpu.memory_space<vmem_shared>>)
          tpu.yield
        }) : () -> ()
        %add3A_100 = arith.constant 2 : i32
        %add3A_101 = arith.addi %mul3A_87, %add3A_100 : i32
        %add3A_102 = arith.constant 1 : i32
        %add3A_103 = arith.addi %add3A_101, %add3A_102 : i32
        %lt3A_104 = arith.constant 80 : i32
        %lt3A_105 = arith.cmpi slt, %add3A_103, %lt3A_104 : i32
        %convert_element_type3A_106 = arith.extui %lt3A_105 : i1 to i32
        %cond3A_107 = arith.constant 0 : i32
        %cond3A_108 = arith.cmpi ne, %convert_element_type3A_106, %cond3A_107 : i32
        scf.if %cond3A_108 {
          %add3A_128 = arith.constant 2 : i32
          %add3A_129 = arith.addi %mul3A_87, %add3A_128 : i32
          %add3A_130 = arith.constant 1 : i32
          %add3A_131 = arith.addi %add3A_129, %add3A_130 : i32
          %dma_start3A = arith.constant 1 : i32
          %dma_start3A_132 = arith.constant 0 : i32
          %dma_start3A_133 = arith.constant 0 : i32
          %dma_start3A_134 = tpu.memref_slice %arg11[%dma_start3A, %dma_start3A_132, %dma_start3A_133] : memref<2x2x128xi32, #tpu.memory_space<vmem>> -> memref<1x2x128xi32, #tpu.memory_space<vmem>>
          %dma_start3A_135 = tpu.memref_squeeze %dma_start3A_134 : memref<1x2x128xi32, #tpu.memory_space<vmem>> -> memref<2x128xi32, #tpu.memory_space<vmem>>
          %dma_start3A_136 = arith.constant 0 : i32
          %dma_start3A_137 = arith.constant 0 : i32
          %dma_start3A_138 = tpu.memref_slice %arg6[%arg1, %add3A_131, %dma_start3A_136, %dma_start3A_137] : memref<16x80x2x128xi32, #tpu.memory_space<hbm>> -> memref<1x1x2x128xi32, #tpu.memory_space<hbm>>
          %dma_start3A_139 = tpu.memref_squeeze %dma_start3A_138 : memref<1x1x2x128xi32, #tpu.memory_space<hbm>> -> memref<2x128xi32, #tpu.memory_space<hbm>>
          %dma_start3A_140 = arith.constant 0 : i32
          %dma_start3A_141 = arith.constant 0 : i32
          %dma_start3A_142 = tpu.memref_slice %arg11[%dma_start3A, %dma_start3A_140, %dma_start3A_141] : memref<2x2x128xi32, #tpu.memory_space<vmem>> -> memref<1x2x128xi32, #tpu.memory_space<vmem>>
          %dma_start3A_143 = tpu.memref_squeeze %dma_start3A_142 : memref<1x2x128xi32, #tpu.memory_space<vmem>> -> memref<2x128xi32, #tpu.memory_space<vmem>>
          %dma_start3A_144 = arith.constant 0 : i32
          %dma_start3A_145 = arith.constant 0 : i32
          %dma_start3A_146 = tpu.memref_slice %arg6[%arg1, %add3A_131, %dma_start3A_144, %dma_start3A_145] : memref<16x80x2x128xi32, #tpu.memory_space<hbm>> -> memref<1x1x2x128xi32, #tpu.memory_space<hbm>>
          %dma_start3A_147 = tpu.memref_squeeze %dma_start3A_146 : memref<1x1x2x128xi32, #tpu.memory_space<hbm>> -> memref<2x128xi32, #tpu.memory_space<hbm>>
          tpu.enqueue_dma source(%dma_start3A_147 : memref<2x128xi32, #tpu.memory_space<hbm>>) target(%dma_start3A_143 : memref<2x128xi32, #tpu.memory_space<vmem>>) target_semaphore(%arg15 : memref<!tpu.dma_semaphore, #tpu.memory_space<semaphore_mem>>)
        } else {
        }
        %add3A_109 = arith.constant 2 : i32
        %add3A_110 = arith.addi %mul3A_87, %add3A_109 : i32
        %add3A_111 = arith.constant 0 : i32
        %add3A_112 = arith.addi %add3A_110, %add3A_111 : i32
        %lt3A_113 = arith.constant 80 : i32
        %lt3A_114 = arith.cmpi slt, %add3A_112, %lt3A_113 : i32
        %convert_element_type3A_115 = arith.extui %lt3A_114 : i1 to i32
        %cond3A_116 = arith.constant 0 : i32
        %cond3A_117 = arith.cmpi ne, %convert_element_type3A_115, %cond3A_116 : i32
        scf.if %cond3A_117 {
          %add3A_128 = arith.constant 2 : i32
          %add3A_129 = arith.addi %mul3A_87, %add3A_128 : i32
          %add3A_130 = arith.constant 0 : i32
          %add3A_131 = arith.addi %add3A_129, %add3A_130 : i32
          %dma_wait3A = arith.constant 0 : i32
          %dma_wait3A_132 = arith.constant 0 : i32
          %dma_wait3A_133 = arith.constant 0 : i32
          %dma_wait3A_134 = tpu.memref_slice %arg11[%dma_wait3A, %dma_wait3A_132, %dma_wait3A_133] : memref<2x2x128xi32, #tpu.memory_space<vmem>> -> memref<1x2x128xi32, #tpu.memory_space<vmem>>
          %dma_wait3A_135 = tpu.memref_squeeze %dma_wait3A_134 : memref<1x2x128xi32, #tpu.memory_space<vmem>> -> memref<2x128xi32, #tpu.memory_space<vmem>>
          %dma_wait3A_136 = arith.constant 0 : i32
          %dma_wait3A_137 = arith.constant 0 : i32
          %dma_wait3A_138 = tpu.memref_slice %arg6[%arg1, %add3A_131, %dma_wait3A_136, %dma_wait3A_137] : memref<16x80x2x128xi32, #tpu.memory_space<hbm>> -> memref<1x1x2x128xi32, #tpu.memory_space<hbm>>
          %dma_wait3A_139 = tpu.memref_squeeze %dma_wait3A_138 : memref<1x1x2x128xi32, #tpu.memory_space<hbm>> -> memref<2x128xi32, #tpu.memory_space<hbm>>
          %dma_wait3A_140 = arith.constant 0 : i32
          %dma_wait3A_141 = arith.constant 0 : i32
          %dma_wait3A_142 = tpu.memref_slice %arg11[%dma_wait3A, %dma_wait3A_140, %dma_wait3A_141] : memref<2x2x128xi32, #tpu.memory_space<vmem>> -> memref<1x2x128xi32, #tpu.memory_space<vmem>>
          %dma_wait3A_143 = tpu.memref_squeeze %dma_wait3A_142 : memref<1x2x128xi32, #tpu.memory_space<vmem>> -> memref<2x128xi32, #tpu.memory_space<vmem>>
          %dma_wait3A_144 = arith.constant 0 : i32
          %dma_wait3A_145 = arith.constant 0 : i32
          %dma_wait3A_146 = tpu.memref_slice %arg6[%arg1, %add3A_131, %dma_wait3A_144, %dma_wait3A_145] : memref<16x80x2x128xi32, #tpu.memory_space<hbm>> -> memref<1x1x2x128xi32, #tpu.memory_space<hbm>>
          %dma_wait3A_147 = tpu.memref_squeeze %dma_wait3A_146 : memref<1x1x2x128xi32, #tpu.memory_space<hbm>> -> memref<2x128xi32, #tpu.memory_space<hbm>>
          tpu.wait_dma2 semaphore(%arg14 : memref<!tpu.dma_semaphore, #tpu.memory_space<semaphore_mem>>) src(%dma_wait3A_147 : memref<2x128xi32, #tpu.memory_space<hbm>>) dst(%dma_wait3A_143 : memref<2x128xi32, #tpu.memory_space<vmem>>)
        } else {
        }
        %add3A_118 = arith.constant 2 : i32
        %add3A_119 = arith.addi %mul3A_87, %add3A_118 : i32
        %add3A_120 = arith.constant 1 : i32
        %add3A_121 = arith.addi %add3A_119, %add3A_120 : i32
        %lt3A_122 = arith.constant 80 : i32
        %lt3A_123 = arith.cmpi slt, %add3A_121, %lt3A_122 : i32
        %convert_element_type3A_124 = arith.extui %lt3A_123 : i1 to i32
        %cond3A_125 = arith.constant 0 : i32
        %cond3A_126 = arith.cmpi ne, %convert_element_type3A_124, %cond3A_125 : i32
        scf.if %cond3A_126 {
          %add3A_128 = arith.constant 2 : i32
          %add3A_129 = arith.addi %mul3A_87, %add3A_128 : i32
          %add3A_130 = arith.constant 1 : i32
          %add3A_131 = arith.addi %add3A_129, %add3A_130 : i32
          %dma_wait3A = arith.constant 1 : i32
          %dma_wait3A_132 = arith.constant 0 : i32
          %dma_wait3A_133 = arith.constant 0 : i32
          %dma_wait3A_134 = tpu.memref_slice %arg11[%dma_wait3A, %dma_wait3A_132, %dma_wait3A_133] : memref<2x2x128xi32, #tpu.memory_space<vmem>> -> memref<1x2x128xi32, #tpu.memory_space<vmem>>
          %dma_wait3A_135 = tpu.memref_squeeze %dma_wait3A_134 : memref<1x2x128xi32, #tpu.memory_space<vmem>> -> memref<2x128xi32, #tpu.memory_space<vmem>>
          %dma_wait3A_136 = arith.constant 0 : i32
          %dma_wait3A_137 = arith.constant 0 : i32
          %dma_wait3A_138 = tpu.memref_slice %arg6[%arg1, %add3A_131, %dma_wait3A_136, %dma_wait3A_137] : memref<16x80x2x128xi32, #tpu.memory_space<hbm>> -> memref<1x1x2x128xi32, #tpu.memory_space<hbm>>
          %dma_wait3A_139 = tpu.memref_squeeze %dma_wait3A_138 : memref<1x1x2x128xi32, #tpu.memory_space<hbm>> -> memref<2x128xi32, #tpu.memory_space<hbm>>
          %dma_wait3A_140 = arith.constant 0 : i32
          %dma_wait3A_141 = arith.constant 0 : i32
          %dma_wait3A_142 = tpu.memref_slice %arg11[%dma_wait3A, %dma_wait3A_140, %dma_wait3A_141] : memref<2x2x128xi32, #tpu.memory_space<vmem>> -> memref<1x2x128xi32, #tpu.memory_space<vmem>>
          %dma_wait3A_143 = tpu.memref_squeeze %dma_wait3A_142 : memref<1x2x128xi32, #tpu.memory_space<vmem>> -> memref<2x128xi32, #tpu.memory_space<vmem>>
          %dma_wait3A_144 = arith.constant 0 : i32
          %dma_wait3A_145 = arith.constant 0 : i32
          %dma_wait3A_146 = tpu.memref_slice %arg6[%arg1, %add3A_131, %dma_wait3A_144, %dma_wait3A_145] : memref<16x80x2x128xi32, #tpu.memory_space<hbm>> -> memref<1x1x2x128xi32, #tpu.memory_space<hbm>>
          %dma_wait3A_147 = tpu.memref_squeeze %dma_wait3A_146 : memref<1x1x2x128xi32, #tpu.memory_space<hbm>> -> memref<2x128xi32, #tpu.memory_space<hbm>>
          tpu.wait_dma2 semaphore(%arg15 : memref<!tpu.dma_semaphore, #tpu.memory_space<semaphore_mem>>) src(%dma_wait3A_147 : memref<2x128xi32, #tpu.memory_space<hbm>>) dst(%dma_wait3A_143 : memref<2x128xi32, #tpu.memory_space<vmem>>)
        } else {
        }
        %scan3A_127 = arith.constant 0 : i32
        scf.yield %scan3A_127 : i32
      }
      %scan3A_83 = arith.constant 40 : i32
    } else {
    }
    %barrier3A_63 = arith.constant 0 : index
    tpu.barrier barrier_id(%barrier3A_63)
    %eq3A_64 = arith.constant 0 : i32
    %eq3A_65 = arith.cmpi eq, %arg0, %eq3A_64 : i32
    %convert_element_type3A_66 = arith.extui %eq3A_65 : i1 to i32
    %cond3A_67 = arith.constant 0 : i32
    %cond3A_68 = arith.cmpi ne, %convert_element_type3A_66, %cond3A_67 : i32
    scf.if %cond3A_68 {
      %mul3A_74 = arith.constant 632 : i32
      %mul3A_75 = arith.muli %arg1, %mul3A_74 : i32
      "tpu.region"() ({
        %run_scoped3A = tpu.sem_alloc : memref<!tpu.dma_semaphore, #tpu.memory_space<semaphore_mem>>
        %dma_start3A = arith.constant 0 : i32
        %dma_start3A_76 = tpu.memref_slice %arg8[%mul3A_75, %dma_start3A] : memref<10112x128xf32, #tpu.memory_space<hbm>> -> memref<632x128xf32, #tpu.memory_space<hbm>>
        %dma_start3A_77 = arith.constant 0 : i32
        %dma_start3A_78 = tpu.memref_slice %arg18[%mul3A_75, %dma_start3A_77] : memref<10112x128xf32, #tpu.memory_space<vmem_shared>> -> memref<632x128xf32, #tpu.memory_space<vmem_shared>>
        tpu.enqueue_dma source(%dma_start3A_78 : memref<632x128xf32, #tpu.memory_space<vmem_shared>>) target(%dma_start3A_76 : memref<632x128xf32, #tpu.memory_space<hbm>>) target_semaphore(%run_scoped3A : memref<!tpu.dma_semaphore, #tpu.memory_space<semaphore_mem>>)
        %dma_wait3A = arith.constant 0 : i32
        %dma_wait3A_79 = tpu.memref_slice %arg8[%mul3A_75, %dma_wait3A] : memref<10112x128xf32, #tpu.memory_space<hbm>> -> memref<632x128xf32, #tpu.memory_space<hbm>>
        %dma_wait3A_80 = arith.constant 0 : i32
        %dma_wait3A_81 = tpu.memref_slice %arg18[%mul3A_75, %dma_wait3A_80] : memref<10112x128xf32, #tpu.memory_space<vmem_shared>> -> memref<632x128xf32, #tpu.memory_space<vmem_shared>>
        tpu.wait_dma2 semaphore(%run_scoped3A : memref<!tpu.dma_semaphore, #tpu.memory_space<semaphore_mem>>) src(%dma_wait3A_81 : memref<632x128xf32, #tpu.memory_space<vmem_shared>>) dst(%dma_wait3A_79 : memref<632x128xf32, #tpu.memory_space<hbm>>)
        tpu.yield
      }) : () -> ()
    } else {
    }
    %eq3A_69 = arith.constant 1 : i32
    %eq3A_70 = arith.cmpi eq, %arg0, %eq3A_69 : i32
    %convert_element_type3A_71 = arith.extui %eq3A_70 : i1 to i32
    %cond3A_72 = arith.constant 0 : i32
    %cond3A_73 = arith.cmpi ne, %convert_element_type3A_71, %cond3A_72 : i32
    scf.if %cond3A_73 {
      %mul3A_74 = arith.constant 632 : i32
      %mul3A_75 = arith.muli %arg1, %mul3A_74 : i32
      "tpu.region"() ({
        %run_scoped3A = tpu.sem_alloc : memref<!tpu.dma_semaphore, #tpu.memory_space<semaphore_mem>>
        %dma_start3A = arith.constant 0 : i32
        %dma_start3A_76 = tpu.memref_slice %arg10[%mul3A_75, %dma_start3A] : memref<10112x128xf32, #tpu.memory_space<hbm>> -> memref<632x128xf32, #tpu.memory_space<hbm>>
        %dma_start3A_77 = arith.constant 0 : i32
        %dma_start3A_78 = tpu.memref_slice %arg18[%mul3A_75, %dma_start3A_77] : memref<10112x128xf32, #tpu.memory_space<vmem_shared>> -> memref<632x128xf32, #tpu.memory_space<vmem_shared>>
        tpu.enqueue_dma source(%dma_start3A_78 : memref<632x128xf32, #tpu.memory_space<vmem_shared>>) target(%dma_start3A_76 : memref<632x128xf32, #tpu.memory_space<hbm>>) target_semaphore(%run_scoped3A : memref<!tpu.dma_semaphore, #tpu.memory_space<semaphore_mem>>)
        %dma_wait3A = arith.constant 0 : i32
        %dma_wait3A_79 = tpu.memref_slice %arg10[%mul3A_75, %dma_wait3A] : memref<10112x128xf32, #tpu.memory_space<hbm>> -> memref<632x128xf32, #tpu.memory_space<hbm>>
        %dma_wait3A_80 = arith.constant 0 : i32
        %dma_wait3A_81 = tpu.memref_slice %arg18[%mul3A_75, %dma_wait3A_80] : memref<10112x128xf32, #tpu.memory_space<vmem_shared>> -> memref<632x128xf32, #tpu.memory_space<vmem_shared>>
        tpu.wait_dma2 semaphore(%run_scoped3A : memref<!tpu.dma_semaphore, #tpu.memory_space<semaphore_mem>>) src(%dma_wait3A_81 : memref<632x128xf32, #tpu.memory_space<vmem_shared>>) dst(%dma_wait3A_79 : memref<632x128xf32, #tpu.memory_space<hbm>>)
        tpu.yield
      }) : () -> ()
    } else {
    }
    return
  }
}

module attributes {stable_mosaic.version = 14 : i64} {
  func.func @_combine_body(%arg0: memref<2x10240xf32, #tpu.memory_space<vmem>>, %arg1: memref<2x10240xf32, #tpu.memory_space<vmem>>, %arg2: memref<1x10240xf32, #tpu.memory_space<vmem>>, %arg3: memref<1x10240xf32, #tpu.memory_space<vmem>>) attributes {dimension_semantics = [], scalar_prefetch = 0 : i64, scratch_operands = 0 : i64, tpu.core_type = #tpu.core_type<tc>} {
    %get3A = arith.constant 0 : index
    %get3A_0 = arith.constant 0 : index
    %get3A_1 = vector.load %arg0[%get3A, %get3A_0] : memref<2x10240xf32, #tpu.memory_space<vmem>>, vector<2x10240xf32>
    %reduce_max3A = arith.constant dense<0xFF800000> : vector<10240xf32>
    %reduce_max3A_2 = vector.multi_reduction <maximumf>, %get3A_1, %reduce_max3A [0] : vector<2x10240xf32> to vector<10240xf32>
    %broadcast_in_dim3A = vector.shape_cast %reduce_max3A_2 : vector<10240xf32> to vector<1x10240xf32>
    %iota3A = tpu.iota {dimensions = array<i32: 1>} : vector<1x10240xi32>
    %lt3A = arith.constant 10000 : i32
    %lt3A_3 = vector.broadcast %lt3A : i32 to vector<1x10240xi32>
    %lt3A_4 = arith.cmpi slt, %iota3A, %lt3A_3 : vector<1x10240xi32>
    %jit3A = arith.constant 0x7F800000 : f32
    %broadcast_in_dim3A_5 = vector.broadcast %jit3A : f32 to vector<1x10240xf32>
    %select_n3A = arith.select %lt3A_4, %broadcast_in_dim3A, %broadcast_in_dim3A_5 : vector<1x10240xi1>, vector<1x10240xf32>
    %reduce_min3A = vector.shape_cast %select_n3A : vector<1x10240xf32> to vector<1x1x10240xf32>
    %reduce_min3A_6 = arith.constant dense<0x7F800000> : vector<1xf32>
    %reduce_min3A_7 = vector.multi_reduction <minimumf>, %reduce_min3A, %reduce_min3A_6 [1, 2] : vector<1x1x10240xf32> to vector<1xf32>
    %reduce_min3A_8 = vector.shape_cast %reduce_min3A_7 : vector<1xf32> to vector<1x1x1xf32>
    %reduce_min3A_9 = vector.extract %reduce_min3A_8[0, 0, 0] : f32 from vector<1x1x1xf32>
    %jit3A_10 = arith.constant 0xFF800000 : f32
    %broadcast_in_dim3A_11 = vector.broadcast %jit3A_10 : f32 to vector<1x10240xf32>
    %select_n3A_12 = arith.select %lt3A_4, %broadcast_in_dim3A, %broadcast_in_dim3A_11 : vector<1x10240xi1>, vector<1x10240xf32>
    %reduce_max3A_13 = vector.shape_cast %select_n3A_12 : vector<1x10240xf32> to vector<1x1x10240xf32>
    %reduce_max3A_14 = arith.constant dense<0xFF800000> : vector<1xf32>
    %reduce_max3A_15 = vector.multi_reduction <maximumf>, %reduce_max3A_13, %reduce_max3A_14 [1, 2] : vector<1x1x10240xf32> to vector<1xf32>
    %reduce_max3A_16 = vector.shape_cast %reduce_max3A_15 : vector<1xf32> to vector<1x1x1xf32>
    %reduce_max3A_17 = vector.extract %reduce_max3A_16[0, 0, 0] : f32 from vector<1x1x1xf32>
    %gt3A = arith.cmpf ogt, %reduce_max3A_17, %reduce_min3A_9 : f32
    %sub3A = vector.broadcast %reduce_min3A_9 : f32 to vector<1x10240xf32>
    %sub3A_18 = arith.subf %broadcast_in_dim3A, %sub3A : vector<1x10240xf32>
    %sub3A_19 = arith.subf %reduce_max3A_17, %reduce_min3A_9 : f32
    %add3A = arith.constant 9.99999993E-9 : f32
    %add3A_20 = arith.addf %sub3A_19, %add3A : f32
    %div3A = vector.broadcast %add3A_20 : f32 to vector<1x10240xf32>
    %div3A_21 = arith.divf %sub3A_18, %div3A : vector<1x10240xf32>
    %select_n3A_22 = arith.select %gt3A, %div3A_21, %broadcast_in_dim3A : vector<1x10240xf32>
    %swap3A = arith.constant 0 : index
    %swap3A_23 = arith.constant 0 : index
    %swap3A_24 = vector.load %arg2[%swap3A, %swap3A_23] : memref<1x10240xf32, #tpu.memory_space<vmem>>, vector<1x10240xf32>
    tpu.vector_store %arg2[%swap3A, %swap3A_23], %select_n3A_22 {strides = array<i32>} : memref<1x10240xf32, #tpu.memory_space<vmem>>, vector<1x10240xf32>,
    %get3A_25 = arith.constant 0 : index
    %get3A_26 = arith.constant 0 : index
    %get3A_27 = vector.load %arg1[%get3A_25, %get3A_26] : memref<2x10240xf32, #tpu.memory_space<vmem>>, vector<2x10240xf32>
    %reduce_sum3A = arith.constant dense<0.000000e+00> : vector<10240xf32>
    %reduce_sum3A_28 = vector.multi_reduction <add>, %get3A_27, %reduce_sum3A [0] : vector<2x10240xf32> to vector<10240xf32>
    %broadcast_in_dim3A_29 = vector.shape_cast %reduce_sum3A_28 : vector<10240xf32> to vector<1x10240xf32>
    %add3A_30 = arith.constant 1.000000e+00 : f32
    %add3A_31 = vector.broadcast %add3A_30 : f32 to vector<1x10240xf32>
    %add3A_32 = arith.addf %broadcast_in_dim3A_29, %add3A_31 : vector<1x10240xf32>
    %rsqrt3A = math.rsqrt %add3A_32 : vector<1x10240xf32>
    %swap3A_33 = arith.constant 0 : index
    %swap3A_34 = arith.constant 0 : index
    %swap3A_35 = vector.load %arg3[%swap3A_33, %swap3A_34] : memref<1x10240xf32, #tpu.memory_space<vmem>>, vector<1x10240xf32>
    tpu.vector_store %arg3[%swap3A_33, %swap3A_34], %rsqrt3A {strides = array<i32>} : memref<1x10240xf32, #tpu.memory_space<vmem>>, vector<1x10240xf32>,
    return
  }
}

module attributes {stable_mosaic.version = 14 : i64} {
  func.func @_gemm1_body(%arg0: i32, %arg1: memref<2000x256xf32, #tpu.memory_space<vmem>>, %arg2: memref<512x256xf32, #tpu.memory_space<vmem>>, %arg3: memref<1x512xf32, #tpu.memory_space<vmem>>, %arg4: memref<1x512xf32, #tpu.memory_space<vmem>>, %arg5: memref<1x512xf32, #tpu.memory_space<vmem>>, %arg6: memref<2000x1xf32, #tpu.memory_space<vmem>>, %arg7: memref<512x512xf32, #tpu.memory_space<vmem>>, %arg8: memref<2000x1xf32, #tpu.memory_space<vmem>>, %arg9: memref<2000x128xf32, #tpu.memory_space<vmem>>, %arg10: memref<2000x128xf32, #tpu.memory_space<vmem>>, %arg11: memref<2000x128xf32, #tpu.memory_space<vmem>>, %arg12: memref<2000x128xf32, #tpu.memory_space<vmem>>) attributes {dimension_semantics = [#tpu.dimension_semantics<arbitrary>], iteration_bounds = array<i64: 5>, scalar_prefetch = 0 : i64, scratch_operands = 0 : i64, tpu.core_type = #tpu.core_type<tc>, window_params = [{transform_indices = @transform_0, window_bounds = array<i64: 2000, 256>}, {pipeline_mode = #tpu.pipeline_mode<synchronous>, transform_indices = @transform_1, window_bounds = array<i64: 512, 256>}, {pipeline_mode = #tpu.pipeline_mode<synchronous>, transform_indices = @transform_2, window_bounds = array<i64: 1, 512>}, {pipeline_mode = #tpu.pipeline_mode<synchronous>, transform_indices = @transform_3, window_bounds = array<i64: 1, 512>}, {pipeline_mode = #tpu.pipeline_mode<synchronous>, transform_indices = @transform_4, window_bounds = array<i64: 1, 512>}, {transform_indices = @transform_5, window_bounds = array<i64: 2000, 1>}, {pipeline_mode = #tpu.pipeline_mode<synchronous>, transform_indices = @transform_6, window_bounds = array<i64: 512, 512>}, {transform_indices = @transform_7, window_bounds = array<i64: 2000, 1>}, {transform_indices = @transform_8, window_bounds = array<i64: 2000, 128>}, {transform_indices = @transform_9, window_bounds = array<i64: 2000, 128>}, {transform_indices = @transform_10, window_bounds = array<i64: 2000, 128>}, {transform_indices = @transform_11, window_bounds = array<i64: 2000, 128>}]} {
    %get3A = arith.constant 0 : index
    %get3A_0 = arith.constant 0 : index
    %get3A_1 = vector.load %arg1[%get3A, %get3A_0] : memref<2000x256xf32, #tpu.memory_space<vmem>>, vector<2000x256xf32>
    %get3A_2 = arith.constant 0 : index
    %get3A_3 = arith.constant 0 : index
    %get3A_4 = vector.load %arg2[%get3A_2, %get3A_3] : memref<512x256xf32, #tpu.memory_space<vmem>>, vector<512x256xf32>
    %dot_general3A = arith.constant dense<0.000000e+00> : vector<2000x512xf32>
    %dot_general3A_5 = tpu.matmul %get3A_1, %get3A_4, %dot_general3A {dimension_numbers = #tpu.dot_dimension_numbers<[1], [1], [0], [0], [0, 0, 1, 0], [], []>, transpose_lhs_hint = false} : vector<2000x256xf32>, vector<512x256xf32>, vector<2000x512xf32> -> vector<2000x512xf32>
    %get3A_6 = arith.constant 0 : index
    %get3A_7 = arith.constant 0 : index
    %get3A_8 = vector.load %arg3[%get3A_6, %get3A_7] : memref<1x512xf32, #tpu.memory_space<vmem>>, vector<1x512xf32>
    %add3A = vector.broadcast %get3A_8 : vector<1x512xf32> to vector<2000x512xf32>
    %add3A_9 = arith.addf %dot_general3A_5, %add3A : vector<2000x512xf32>
    %get3A_10 = arith.constant 0 : index
    %get3A_11 = arith.constant 0 : index
    %get3A_12 = vector.load %arg5[%get3A_10, %get3A_11] : memref<1x512xf32, #tpu.memory_space<vmem>>, vector<1x512xf32>
    %add3A_13 = vector.broadcast %get3A_12 : vector<1x512xf32> to vector<2000x512xf32>
    %add3A_14 = arith.addf %add3A_9, %add3A_13 : vector<2000x512xf32>
    %get3A_15 = arith.constant 0 : index
    %get3A_16 = arith.constant 0 : index
    %get3A_17 = vector.load %arg6[%get3A_15, %get3A_16] : memref<2000x1xf32, #tpu.memory_space<vmem>>, vector<2000x1xf32>
    %get3A_18 = arith.constant 0 : index
    %get3A_19 = arith.constant 0 : index
    %get3A_20 = vector.load %arg4[%get3A_18, %get3A_19] : memref<1x512xf32, #tpu.memory_space<vmem>>, vector<1x512xf32>
    %mul3A = vector.broadcast %get3A_17 : vector<2000x1xf32> to vector<2000x512xf32>
    %mul3A_21 = vector.broadcast %get3A_20 : vector<1x512xf32> to vector<2000x512xf32>
    %mul3A_22 = arith.mulf %mul3A, %mul3A_21 : vector<2000x512xf32>
    %add3A_23 = arith.addf %add3A_14, %mul3A_22 : vector<2000x512xf32>
    %max3A = arith.constant 0.000000e+00 : f32
    %max3A_24 = vector.broadcast %max3A : f32 to vector<2000x512xf32>
    %max3A_25 = arith.maximumf %add3A_23, %max3A_24 : vector<2000x512xf32>
    %get3A_26 = arith.constant 0 : index
    %get3A_27 = arith.constant 0 : index
    %get3A_28 = vector.load %arg8[%get3A_26, %get3A_27] : memref<2000x1xf32, #tpu.memory_space<vmem>>, vector<2000x1xf32>
    %get3A_29 = arith.constant 0 : index
    %get3A_30 = arith.constant 0 : index
    %get3A_31 = vector.load %arg7[%get3A_29, %get3A_30] : memref<512x512xf32, #tpu.memory_space<vmem>>, vector<128x512xf32>
    %dot_general3A_32 = arith.constant dense<0.000000e+00> : vector<2000x128xf32>
    %dot_general3A_33 = tpu.matmul %max3A_25, %get3A_31, %dot_general3A_32 {dimension_numbers = #tpu.dot_dimension_numbers<[1], [1], [0], [0], [0, 0, 1, 0], [], []>, transpose_lhs_hint = false} : vector<2000x512xf32>, vector<128x512xf32>, vector<2000x128xf32> -> vector<2000x128xf32>
    %mul3A_34 = vector.broadcast %get3A_28 : vector<2000x1xf32> to vector<2000x128xf32>
    %mul3A_35 = arith.mulf %mul3A_34, %dot_general3A_33 : vector<2000x128xf32>
    %swap3A = arith.constant 0 : index
    %swap3A_36 = arith.constant 0 : index
    %swap3A_37 = vector.load %arg9[%swap3A, %swap3A_36] : memref<2000x128xf32, #tpu.memory_space<vmem>>, vector<2000x128xf32>
    tpu.vector_store %arg9[%swap3A, %swap3A_36], %mul3A_35 {strides = array<i32>} : memref<2000x128xf32, #tpu.memory_space<vmem>>, vector<2000x128xf32>,
    %get3A_38 = arith.constant 128 : index
    %get3A_39 = arith.constant 0 : index
    %get3A_40 = vector.load %arg7[%get3A_38, %get3A_39] : memref<512x512xf32, #tpu.memory_space<vmem>>, vector<128x512xf32>
    %dot_general3A_41 = arith.constant dense<0.000000e+00> : vector<2000x128xf32>
    %dot_general3A_42 = tpu.matmul %max3A_25, %get3A_40, %dot_general3A_41 {dimension_numbers = #tpu.dot_dimension_numbers<[1], [1], [0], [0], [0, 0, 1, 0], [], []>, transpose_lhs_hint = false} : vector<2000x512xf32>, vector<128x512xf32>, vector<2000x128xf32> -> vector<2000x128xf32>
    %mul3A_43 = vector.broadcast %get3A_28 : vector<2000x1xf32> to vector<2000x128xf32>
    %mul3A_44 = arith.mulf %mul3A_43, %dot_general3A_42 : vector<2000x128xf32>
    %swap3A_45 = arith.constant 0 : index
    %swap3A_46 = arith.constant 0 : index
    %swap3A_47 = vector.load %arg10[%swap3A_45, %swap3A_46] : memref<2000x128xf32, #tpu.memory_space<vmem>>, vector<2000x128xf32>
    tpu.vector_store %arg10[%swap3A_45, %swap3A_46], %mul3A_44 {strides = array<i32>} : memref<2000x128xf32, #tpu.memory_space<vmem>>, vector<2000x128xf32>,
    %get3A_48 = arith.constant 256 : index
    %get3A_49 = arith.constant 0 : index
    %get3A_50 = vector.load %arg7[%get3A_48, %get3A_49] : memref<512x512xf32, #tpu.memory_space<vmem>>, vector<128x512xf32>
    %dot_general3A_51 = arith.constant dense<0.000000e+00> : vector<2000x128xf32>
    %dot_general3A_52 = tpu.matmul %max3A_25, %get3A_50, %dot_general3A_51 {dimension_numbers = #tpu.dot_dimension_numbers<[1], [1], [0], [0], [0, 0, 1, 0], [], []>, transpose_lhs_hint = false} : vector<2000x512xf32>, vector<128x512xf32>, vector<2000x128xf32> -> vector<2000x128xf32>
    %mul3A_53 = vector.broadcast %get3A_28 : vector<2000x1xf32> to vector<2000x128xf32>
    %mul3A_54 = arith.mulf %mul3A_53, %dot_general3A_52 : vector<2000x128xf32>
    %swap3A_55 = arith.constant 0 : index
    %swap3A_56 = arith.constant 0 : index
    %swap3A_57 = vector.load %arg11[%swap3A_55, %swap3A_56] : memref<2000x128xf32, #tpu.memory_space<vmem>>, vector<2000x128xf32>
    tpu.vector_store %arg11[%swap3A_55, %swap3A_56], %mul3A_54 {strides = array<i32>} : memref<2000x128xf32, #tpu.memory_space<vmem>>, vector<2000x128xf32>,
    %get3A_58 = arith.constant 384 : index
    %get3A_59 = arith.constant 0 : index
    %get3A_60 = vector.load %arg7[%get3A_58, %get3A_59] : memref<512x512xf32, #tpu.memory_space<vmem>>, vector<128x512xf32>
    %dot_general3A_61 = arith.constant dense<0.000000e+00> : vector<2000x128xf32>
    %dot_general3A_62 = tpu.matmul %max3A_25, %get3A_60, %dot_general3A_61 {dimension_numbers = #tpu.dot_dimension_numbers<[1], [1], [0], [0], [0, 0, 1, 0], [], []>, transpose_lhs_hint = false} : vector<2000x512xf32>, vector<128x512xf32>, vector<2000x128xf32> -> vector<2000x128xf32>
    %mul3A_63 = vector.broadcast %get3A_28 : vector<2000x1xf32> to vector<2000x128xf32>
    %mul3A_64 = arith.mulf %mul3A_63, %dot_general3A_62 : vector<2000x128xf32>
    %swap3A_65 = arith.constant 0 : index
    %swap3A_66 = arith.constant 0 : index
    %swap3A_67 = vector.load %arg12[%swap3A_65, %swap3A_66] : memref<2000x128xf32, #tpu.memory_space<vmem>>, vector<2000x128xf32>
    tpu.vector_store %arg12[%swap3A_65, %swap3A_66], %mul3A_64 {strides = array<i32>} : memref<2000x128xf32, #tpu.memory_space<vmem>>, vector<2000x128xf32>,
    return
  }
  func.func @transform_0(%arg0: i32) -> (i32, i32) {
    %c0_i32 = arith.constant 0 : i32
    %c0_i32_0 = arith.constant 0 : i32
    return %arg0, %c0_i32 : i32, i32
  }
  func.func @transform_1(%arg0: i32) -> (i32, i32) {
    %c0_i32 = arith.constant 0 : i32
    %c0_i32_0 = arith.constant 0 : i32
    %c0_i32_1 = arith.constant 0 : i32
    return %c0_i32, %c0_i32_0 : i32, i32
  }
  func.func @transform_2(%arg0: i32) -> (i32, i32) {
    %c0_i32 = arith.constant 0 : i32
    %c0_i32_0 = arith.constant 0 : i32
    %c0_i32_1 = arith.constant 0 : i32
    return %c0_i32, %c0_i32_0 : i32, i32
  }
  func.func @transform_3(%arg0: i32) -> (i32, i32) {
    %c0_i32 = arith.constant 0 : i32
    %c0_i32_0 = arith.constant 0 : i32
    %c0_i32_1 = arith.constant 0 : i32
    return %c0_i32, %c0_i32_0 : i32, i32
  }
  func.func @transform_4(%arg0: i32) -> (i32, i32) {
    %c0_i32 = arith.constant 0 : i32
    %c0_i32_0 = arith.constant 0 : i32
    %c0_i32_1 = arith.constant 0 : i32
    return %c0_i32, %c0_i32_0 : i32, i32
  }
  func.func @transform_5(%arg0: i32) -> (i32, i32) {
    %c0_i32 = arith.constant 0 : i32
    %c0_i32_0 = arith.constant 0 : i32
    return %arg0, %c0_i32 : i32, i32
  }
  func.func @transform_6(%arg0: i32) -> (i32, i32) {
    %c0_i32 = arith.constant 0 : i32
    %c0_i32_0 = arith.constant 0 : i32
    %c0_i32_1 = arith.constant 0 : i32
    return %c0_i32, %c0_i32_0 : i32, i32
  }
  func.func @transform_7(%arg0: i32) -> (i32, i32) {
    %c0_i32 = arith.constant 0 : i32
    %c0_i32_0 = arith.constant 0 : i32
    return %arg0, %c0_i32 : i32, i32
  }
  func.func @transform_8(%arg0: i32) -> (i32, i32) {
    %c0_i32 = arith.constant 0 : i32
    %c0_i32_0 = arith.constant 0 : i32
    return %arg0, %c0_i32 : i32, i32
  }
  func.func @transform_9(%arg0: i32) -> (i32, i32) {
    %c0_i32 = arith.constant 0 : i32
    %c0_i32_0 = arith.constant 0 : i32
    return %arg0, %c0_i32 : i32, i32
  }
  func.func @transform_10(%arg0: i32) -> (i32, i32) {
    %c0_i32 = arith.constant 0 : i32
    %c0_i32_0 = arith.constant 0 : i32
    return %arg0, %c0_i32 : i32, i32
  }
  func.func @transform_11(%arg0: i32) -> (i32, i32) {
    %c0_i32 = arith.constant 0 : i32
    %c0_i32_0 = arith.constant 0 : i32
    return %arg0, %c0_i32 : i32, i32
  }
}

module attributes {stable_mosaic.version = 14 : i64} {
  func.func @_tail_body(%arg0: i32, %arg1: memref<2000x128xf32, #tpu.memory_space<vmem>>, %arg2: memref<2000x128xf32, #tpu.memory_space<vmem>>, %arg3: memref<2000x128xf32, #tpu.memory_space<vmem>>, %arg4: memref<2000x128xf32, #tpu.memory_space<vmem>>, %arg5: memref<2000x128xf32, #tpu.memory_space<vmem>>, %arg6: memref<2000x128xf32, #tpu.memory_space<vmem>>, %arg7: memref<2000x128xf32, #tpu.memory_space<vmem>>, %arg8: memref<2000x128xf32, #tpu.memory_space<vmem>>, %arg9: memref<2000x1xf32, #tpu.memory_space<vmem>>, %arg10: memref<1x512xf32, #tpu.memory_space<vmem>>, %arg11: memref<64x512xf32, #tpu.memory_space<vmem>>, %arg12: memref<1x64xf32, #tpu.memory_space<vmem>>, %arg13: memref<2x64xf32, #tpu.memory_space<vmem>>, %arg14: memref<1x2xf32, #tpu.memory_space<vmem>>, %arg15: memref<2000x2xf32, #tpu.memory_space<vmem>>) attributes {dimension_semantics = [#tpu.dimension_semantics<arbitrary>], iteration_bounds = array<i64: 5>, scalar_prefetch = 0 : i64, scratch_operands = 0 : i64, tpu.core_type = #tpu.core_type<tc>, window_params = [{transform_indices = @transform_0, window_bounds = array<i64: 2000, 128>}, {transform_indices = @transform_1, window_bounds = array<i64: 2000, 128>}, {transform_indices = @transform_2, window_bounds = array<i64: 2000, 128>}, {transform_indices = @transform_3, window_bounds = array<i64: 2000, 128>}, {transform_indices = @transform_4, window_bounds = array<i64: 2000, 128>}, {transform_indices = @transform_5, window_bounds = array<i64: 2000, 128>}, {transform_indices = @transform_6, window_bounds = array<i64: 2000, 128>}, {transform_indices = @transform_7, window_bounds = array<i64: 2000, 128>}, {transform_indices = @transform_8, window_bounds = array<i64: 2000, 1>}, {pipeline_mode = #tpu.pipeline_mode<synchronous>, transform_indices = @transform_9, window_bounds = array<i64: 1, 512>}, {pipeline_mode = #tpu.pipeline_mode<synchronous>, transform_indices = @transform_10, window_bounds = array<i64: 64, 512>}, {pipeline_mode = #tpu.pipeline_mode<synchronous>, transform_indices = @transform_11, window_bounds = array<i64: 1, 64>}, {pipeline_mode = #tpu.pipeline_mode<synchronous>, transform_indices = @transform_12, window_bounds = array<i64: 2, 64>}, {pipeline_mode = #tpu.pipeline_mode<synchronous>, transform_indices = @transform_13, window_bounds = array<i64: 1, 2>}, {transform_indices = @transform_14, window_bounds = array<i64: 2000, 2>}]} {
    %get3A = arith.constant 0 : index
    %get3A_0 = arith.constant 0 : index
    %get3A_1 = vector.load %arg9[%get3A, %get3A_0] : memref<2000x1xf32, #tpu.memory_space<vmem>>, vector<2000x1xf32>
    %get3A_2 = arith.constant 0 : index
    %get3A_3 = arith.constant 0 : index
    %get3A_4 = vector.load %arg1[%get3A_2, %get3A_3] : memref<2000x128xf32, #tpu.memory_space<vmem>>, vector<2000x128xf32>
    %get3A_5 = arith.constant 0 : index
    %get3A_6 = arith.constant 0 : index
    %get3A_7 = vector.load %arg5[%get3A_5, %get3A_6] : memref<2000x128xf32, #tpu.memory_space<vmem>>, vector<2000x128xf32>
    %add3A = arith.addf %get3A_4, %get3A_7 : vector<2000x128xf32>
    %mul3A = vector.broadcast %get3A_1 : vector<2000x1xf32> to vector<2000x128xf32>
    %mul3A_8 = arith.mulf %mul3A, %add3A : vector<2000x128xf32>
    %get3A_9 = arith.constant 0 : index
    %get3A_10 = arith.constant 0 : index
    %get3A_11 = vector.load %arg10[%get3A_9, %get3A_10] : memref<1x512xf32, #tpu.memory_space<vmem>>, vector<1x128xf32>
    %add3A_12 = vector.broadcast %get3A_11 : vector<1x128xf32> to vector<2000x128xf32>
    %add3A_13 = arith.addf %mul3A_8, %add3A_12 : vector<2000x128xf32>
    %get3A_14 = arith.constant 0 : index
    %get3A_15 = arith.constant 0 : index
    %get3A_16 = vector.load %arg11[%get3A_14, %get3A_15] : memref<64x512xf32, #tpu.memory_space<vmem>>, vector<64x128xf32>
    %dot_general3A = arith.constant dense<0.000000e+00> : vector<2000x64xf32>
    %dot_general3A_17 = tpu.matmul %add3A_13, %get3A_16, %dot_general3A {dimension_numbers = #tpu.dot_dimension_numbers<[1], [1], [0], [0], [0, 0, 1, 0], [], []>, transpose_lhs_hint = false} : vector<2000x128xf32>, vector<64x128xf32>, vector<2000x64xf32> -> vector<2000x64xf32>
    %get3A_18 = arith.constant 0 : index
    %get3A_19 = arith.constant 0 : index
    %get3A_20 = vector.load %arg2[%get3A_18, %get3A_19] : memref<2000x128xf32, #tpu.memory_space<vmem>>, vector<2000x128xf32>
    %get3A_21 = arith.constant 0 : index
    %get3A_22 = arith.constant 0 : index
    %get3A_23 = vector.load %arg6[%get3A_21, %get3A_22] : memref<2000x128xf32, #tpu.memory_space<vmem>>, vector<2000x128xf32>
    %add3A_24 = arith.addf %get3A_20, %get3A_23 : vector<2000x128xf32>
    %mul3A_25 = vector.broadcast %get3A_1 : vector<2000x1xf32> to vector<2000x128xf32>
    %mul3A_26 = arith.mulf %mul3A_25, %add3A_24 : vector<2000x128xf32>
    %get3A_27 = arith.constant 0 : index
    %get3A_28 = arith.constant 128 : index
    %get3A_29 = vector.load %arg10[%get3A_27, %get3A_28] : memref<1x512xf32, #tpu.memory_space<vmem>>, vector<1x128xf32>
    %add3A_30 = vector.broadcast %get3A_29 : vector<1x128xf32> to vector<2000x128xf32>
    %add3A_31 = arith.addf %mul3A_26, %add3A_30 : vector<2000x128xf32>
    %get3A_32 = arith.constant 0 : index
    %get3A_33 = arith.constant 128 : index
    %get3A_34 = vector.load %arg11[%get3A_32, %get3A_33] : memref<64x512xf32, #tpu.memory_space<vmem>>, vector<64x128xf32>
    %dot_general3A_35 = arith.constant dense<0.000000e+00> : vector<2000x64xf32>
    %dot_general3A_36 = tpu.matmul %add3A_31, %get3A_34, %dot_general3A_35 {dimension_numbers = #tpu.dot_dimension_numbers<[1], [1], [0], [0], [0, 0, 1, 0], [], []>, transpose_lhs_hint = false} : vector<2000x128xf32>, vector<64x128xf32>, vector<2000x64xf32> -> vector<2000x64xf32>
    %add3A_37 = arith.addf %dot_general3A_17, %dot_general3A_36 : vector<2000x64xf32>
    %get3A_38 = arith.constant 0 : index
    %get3A_39 = arith.constant 0 : index
    %get3A_40 = vector.load %arg3[%get3A_38, %get3A_39] : memref<2000x128xf32, #tpu.memory_space<vmem>>, vector<2000x128xf32>
    %get3A_41 = arith.constant 0 : index
    %get3A_42 = arith.constant 0 : index
    %get3A_43 = vector.load %arg7[%get3A_41, %get3A_42] : memref<2000x128xf32, #tpu.memory_space<vmem>>, vector<2000x128xf32>
    %add3A_44 = arith.addf %get3A_40, %get3A_43 : vector<2000x128xf32>
    %mul3A_45 = vector.broadcast %get3A_1 : vector<2000x1xf32> to vector<2000x128xf32>
    %mul3A_46 = arith.mulf %mul3A_45, %add3A_44 : vector<2000x128xf32>
    %get3A_47 = arith.constant 0 : index
    %get3A_48 = arith.constant 256 : index
    %get3A_49 = vector.load %arg10[%get3A_47, %get3A_48] : memref<1x512xf32, #tpu.memory_space<vmem>>, vector<1x128xf32>
    %add3A_50 = vector.broadcast %get3A_49 : vector<1x128xf32> to vector<2000x128xf32>
    %add3A_51 = arith.addf %mul3A_46, %add3A_50 : vector<2000x128xf32>
    %get3A_52 = arith.constant 0 : index
    %get3A_53 = arith.constant 256 : index
    %get3A_54 = vector.load %arg11[%get3A_52, %get3A_53] : memref<64x512xf32, #tpu.memory_space<vmem>>, vector<64x128xf32>
    %dot_general3A_55 = arith.constant dense<0.000000e+00> : vector<2000x64xf32>
    %dot_general3A_56 = tpu.matmul %add3A_51, %get3A_54, %dot_general3A_55 {dimension_numbers = #tpu.dot_dimension_numbers<[1], [1], [0], [0], [0, 0, 1, 0], [], []>, transpose_lhs_hint = false} : vector<2000x128xf32>, vector<64x128xf32>, vector<2000x64xf32> -> vector<2000x64xf32>
    %add3A_57 = arith.addf %add3A_37, %dot_general3A_56 : vector<2000x64xf32>
    %get3A_58 = arith.constant 0 : index
    %get3A_59 = arith.constant 0 : index
    %get3A_60 = vector.load %arg4[%get3A_58, %get3A_59] : memref<2000x128xf32, #tpu.memory_space<vmem>>, vector<2000x128xf32>
    %get3A_61 = arith.constant 0 : index
    %get3A_62 = arith.constant 0 : index
    %get3A_63 = vector.load %arg8[%get3A_61, %get3A_62] : memref<2000x128xf32, #tpu.memory_space<vmem>>, vector<2000x128xf32>
    %add3A_64 = arith.addf %get3A_60, %get3A_63 : vector<2000x128xf32>
    %mul3A_65 = vector.broadcast %get3A_1 : vector<2000x1xf32> to vector<2000x128xf32>
    %mul3A_66 = arith.mulf %mul3A_65, %add3A_64 : vector<2000x128xf32>
    %get3A_67 = arith.constant 0 : index
    %get3A_68 = arith.constant 384 : index
    %get3A_69 = vector.load %arg10[%get3A_67, %get3A_68] : memref<1x512xf32, #tpu.memory_space<vmem>>, vector<1x128xf32>
    %add3A_70 = vector.broadcast %get3A_69 : vector<1x128xf32> to vector<2000x128xf32>
    %add3A_71 = arith.addf %mul3A_66, %add3A_70 : vector<2000x128xf32>
    %get3A_72 = arith.constant 0 : index
    %get3A_73 = arith.constant 384 : index
    %get3A_74 = vector.load %arg11[%get3A_72, %get3A_73] : memref<64x512xf32, #tpu.memory_space<vmem>>, vector<64x128xf32>
    %dot_general3A_75 = arith.constant dense<0.000000e+00> : vector<2000x64xf32>
    %dot_general3A_76 = tpu.matmul %add3A_71, %get3A_74, %dot_general3A_75 {dimension_numbers = #tpu.dot_dimension_numbers<[1], [1], [0], [0], [0, 0, 1, 0], [], []>, transpose_lhs_hint = false} : vector<2000x128xf32>, vector<64x128xf32>, vector<2000x64xf32> -> vector<2000x64xf32>
    %add3A_77 = arith.addf %add3A_57, %dot_general3A_76 : vector<2000x64xf32>
    %get3A_78 = arith.constant 0 : index
    %get3A_79 = arith.constant 0 : index
    %get3A_80 = vector.load %arg12[%get3A_78, %get3A_79] : memref<1x64xf32, #tpu.memory_space<vmem>>, vector<1x64xf32>
    %add3A_81 = vector.broadcast %get3A_80 : vector<1x64xf32> to vector<2000x64xf32>
    %add3A_82 = arith.addf %add3A_77, %add3A_81 : vector<2000x64xf32>
    %max3A = arith.constant 0.000000e+00 : f32
    %max3A_83 = vector.broadcast %max3A : f32 to vector<2000x64xf32>
    %max3A_84 = arith.maximumf %add3A_82, %max3A_83 : vector<2000x64xf32>
    %get3A_85 = arith.constant 0 : index
    %get3A_86 = arith.constant 0 : index
    %get3A_87 = vector.load %arg13[%get3A_85, %get3A_86] : memref<2x64xf32, #tpu.memory_space<vmem>>, vector<2x64xf32>
    %dot_general3A_88 = arith.constant dense<0.000000e+00> : vector<2000x2xf32>
    %dot_general3A_89 = tpu.matmul %max3A_84, %get3A_87, %dot_general3A_88 {dimension_numbers = #tpu.dot_dimension_numbers<[1], [1], [0], [0], [0, 0, 1, 0], [], []>, transpose_lhs_hint = false} : vector<2000x64xf32>, vector<2x64xf32>, vector<2000x2xf32> -> vector<2000x2xf32>
    %get3A_90 = arith.constant 0 : index
    %get3A_91 = arith.constant 0 : index
    %get3A_92 = vector.load %arg14[%get3A_90, %get3A_91] : memref<1x2xf32, #tpu.memory_space<vmem>>, vector<1x2xf32>
    %add3A_93 = vector.broadcast %get3A_92 : vector<1x2xf32> to vector<2000x2xf32>
    %add3A_94 = arith.addf %dot_general3A_89, %add3A_93 : vector<2000x2xf32>
    %swap3A = arith.constant 0 : index
    %swap3A_95 = arith.constant 0 : index
    %swap3A_96 = vector.load %arg15[%swap3A, %swap3A_95] : memref<2000x2xf32, #tpu.memory_space<vmem>>, vector<2000x2xf32>
    tpu.vector_store %arg15[%swap3A, %swap3A_95], %add3A_94 {strides = array<i32>} : memref<2000x2xf32, #tpu.memory_space<vmem>>, vector<2000x2xf32>,
    return
  }
  func.func @transform_0(%arg0: i32) -> (i32, i32) {
    %c0_i32 = arith.constant 0 : i32
    %c0_i32_0 = arith.constant 0 : i32
    return %arg0, %c0_i32 : i32, i32
  }
  func.func @transform_1(%arg0: i32) -> (i32, i32) {
    %c0_i32 = arith.constant 0 : i32
    %c0_i32_0 = arith.constant 0 : i32
    return %arg0, %c0_i32 : i32, i32
  }
  func.func @transform_2(%arg0: i32) -> (i32, i32) {
    %c0_i32 = arith.constant 0 : i32
    %c0_i32_0 = arith.constant 0 : i32
    return %arg0, %c0_i32 : i32, i32
  }
  func.func @transform_3(%arg0: i32) -> (i32, i32) {
    %c0_i32 = arith.constant 0 : i32
    %c0_i32_0 = arith.constant 0 : i32
    return %arg0, %c0_i32 : i32, i32
  }
  func.func @transform_4(%arg0: i32) -> (i32, i32) {
    %c0_i32 = arith.constant 0 : i32
    %c0_i32_0 = arith.constant 0 : i32
    return %arg0, %c0_i32 : i32, i32
  }
  func.func @transform_5(%arg0: i32) -> (i32, i32) {
    %c0_i32 = arith.constant 0 : i32
    %c0_i32_0 = arith.constant 0 : i32
    return %arg0, %c0_i32 : i32, i32
  }
  func.func @transform_6(%arg0: i32) -> (i32, i32) {
    %c0_i32 = arith.constant 0 : i32
    %c0_i32_0 = arith.constant 0 : i32
    return %arg0, %c0_i32 : i32, i32
  }
  func.func @transform_7(%arg0: i32) -> (i32, i32) {
    %c0_i32 = arith.constant 0 : i32
    %c0_i32_0 = arith.constant 0 : i32
    return %arg0, %c0_i32 : i32, i32
  }
  func.func @transform_8(%arg0: i32) -> (i32, i32) {
    %c0_i32 = arith.constant 0 : i32
    %c0_i32_0 = arith.constant 0 : i32
    return %arg0, %c0_i32 : i32, i32
  }
  func.func @transform_9(%arg0: i32) -> (i32, i32) {
    %c0_i32 = arith.constant 0 : i32
    %c0_i32_0 = arith.constant 0 : i32
    %c0_i32_1 = arith.constant 0 : i32
    return %c0_i32, %c0_i32_0 : i32, i32
  }
  func.func @transform_10(%arg0: i32) -> (i32, i32) {
    %c0_i32 = arith.constant 0 : i32
    %c0_i32_0 = arith.constant 0 : i32
    %c0_i32_1 = arith.constant 0 : i32
    return %c0_i32, %c0_i32_0 : i32, i32
  }
  func.func @transform_11(%arg0: i32) -> (i32, i32) {
    %c0_i32 = arith.constant 0 : i32
    %c0_i32_0 = arith.constant 0 : i32
    %c0_i32_1 = arith.constant 0 : i32
    return %c0_i32, %c0_i32_0 : i32, i32
  }
  func.func @transform_12(%arg0: i32) -> (i32, i32) {
    %c0_i32 = arith.constant 0 : i32
    %c0_i32_0 = arith.constant 0 : i32
    %c0_i32_1 = arith.constant 0 : i32
    return %c0_i32, %c0_i32_0 : i32, i32
  }
  func.func @transform_13(%arg0: i32) -> (i32, i32) {
    %c0_i32 = arith.constant 0 : i32
    %c0_i32_0 = arith.constant 0 : i32
    %c0_i32_1 = arith.constant 0 : i32
    return %c0_i32, %c0_i32_0 : i32, i32
  }
  func.func @transform_14(%arg0: i32) -> (i32, i32) {
    %c0_i32 = arith.constant 0 : i32
    %c0_i32_0 = arith.constant 0 : i32
    return %arg0, %c0_i32 : i32, i32
  }
}

</mosaic_0001>

<sc_bundles>
// kernel: kernel.10.cloned.1.call-start
scs
__scs_entry_jumppad:
0x0: {  	(pc) =	sbr.rel $0x88, $3  }
0x1: {  	(tag) =	ssettag $0x0;
	lr =	simm.s32 $0x1  }
0x2: {  	[smem:$0x3F94] =	sst lr;
	_ =	strace $0xD0000000  }
0x3: {  	_ = 	snop  }
0x4: {  	_ = 	snop  }
0x5: {  	_ = 	snop  }
0x6: {  	_ = 	snop  }
0x7: {  	_ = 	snop  }
__scs_overlays_trampoline_lowered:
0x8: {  	[smem:$0x3FA3] =	sst s0  }
0x9: {  	[smem:$0x3FA4] =	sst s1  }
0xa: {  	[smem:$0x3FA5] =	sst s2  }
0xb: {  	[smem:$0x3FA6] =	sst s3  }
0xc: {  	[smem:$0x3FA7] =	sst s4  }
0xd: {  	[smem:$0x3FA8] =	sst s5  }
0xe: {  	[smem:$0x3FA9] =	sst s6  }
0xf: {  	[smem:$0x3FAA] =	sst s7  }
0x10: {  	[smem:$0x3FAB] =	sst s8  }
0x11: {  	[smem:$0x3FAC] =	sst s9;
	s0 =	simm.s32 @!p0 $0x0  }
0x12: {  	s1 =	sld [smem:$0x3F92];
	s0 =	simm.s32 @p0 $0x1  }
0x13: {  	[smem:$0x3FAD] =	sst s0;
	s0 =	simm.s32 @!p1 $0x0  }
0x14: {  	s2 =	sld [smem:$0x3F91];
	s0 =	simm.s32 @p1 $0x1  }
0x15: {  	[smem:$0x3FAE] =	sst s0;
	s0 =	simm.s32 @!p2 $0x0  }
0x16: {  	s3 =	sld [smem:$0x3FDB];
	s0 =	simm.s32 @p2 $0x1  }
0x17: {  	s4 =	simm.s32 $0x1BF5;
	[smem:$0x3FB0] =	sst s0  }
0x18: {  	s0 =	sld [smem:$0x3F93];
	_ =	swait.ge [sflag:s4], $0x0  }
0x19: {  	s7 =	sld [smem:$0x3F94]  }
0x1a: {  	s8 =	sadd.s32 $0xFFFFE003, lr  }
0x1b: {  	s9 =	sadd.s32 $0xFFFFFEF7, lr;
	s5 =	simm.s32 $0xFFFFFFFF;
	p2 =	slt.u32 s8, $0xFFFFF086  }
0x1c: {  	p1 =	slt.u32 s9, $0xF7A;
	s5 =	simm.s32 @!p2 $0x0  }
0x1d: {  	s5 =	simm.s32 @p1 $0x1;
	p0 =	seq.s32 s7, s2  }
0x1e: {  	s7 =	smul.u32 @!p0 $0xF7A, s2;
	p2 =	seq.s32 @!p0 s5, $0x0  }
0x1f: {  	s9 =	smul.u32 $0xF7A, s1;
	s8 =	simm.s32 @!p0 $0x1BF5;
	p2 =	por !p2, p0  }
0x20: {  	[sflag:s8] =	ssyncset.s32 @!p0 $0xFFFFF086;
	s6 =	sadd.s32 @!p0 s3, s7;
	s7 =	simm.s32 @!p0 $0x108  }
0x21: {  	s3 =	sadd.s32 s3, s9;
	s6 =	sadd.s32 @!p0 $0x88, s6;
	s7 =	simm.s32 @p2 $0x1082  }
0x22: {  	[simem:s7], [sflag:s8] =	dma.local @!p0 [hbm:s6], $0xF7A  }
0x23: {  	s9 =	sor.u32 $0xD0000000, s2;
	s6 =	simm.s32 $0x108;
	_ =	swait.ge @!p0 [sflag:s8], $0x0  }
0x24: {  	s3 =	sadd.s32 $0x88, s3;
	s6 =	simm.s32 @!p1 $0x1082;
	[sflag:s4] =	ssyncset.s32 $0xFFFFF086  }
0x25: {  	[simem:s6], [sflag:s4] =	dma.local [hbm:s3], $0xF7A  }
0x26: {  	[smem:$0x3F94] =	sst s1;
	(tag) =	ssettag s2;
	_ =	strace s9  }
0x27: {  	s1 =	sld [smem:$0x3FA4]  }
0x28: {  	s2 =	sld [smem:$0x3FA5]  }
0x29: {  	s4 =	sld [smem:$0x3FA7]  }
0x2a: {  	p0 =	seq.s32 s5, $0x0;
	s5 =	sld [smem:$0x3FA8]  }
0x2b: {  	s6 =	sld [smem:$0x3FA9]  }
0x2c: {  	s7 =	sld [smem:$0x3FAA]  }
0x2d: {  	s3 =	simm.s32 $0x108;
	s8 =	sld [smem:$0x3FAB]  }
0x2e: {  	s3 =	simm.s32 @!p0 $0x1082;
	s9 =	sld [smem:$0x3FAC]  }
0x2f: {  	lr =	sadd.s32 s0, s3;
	s0 =	sld [smem:$0x3FA3]  }
0x30: {  	s3 =	sld [smem:$0x3FA6]  }
0x31: {  	[smem:$0x3FAF] =	sst s10  }
0x32: {  	s10 =	sld [smem:$0x3FAD];
	_ =	sdelay $0x3  }
0x33: {  	p0 =	seq.s32 s10, $0x1;
	s10 =	sld [smem:$0x3FAF];
	_ =	sdelay $0x3  }
0x34: {  	[smem:$0x3FAF] =	sst s10  }
0x35: {  	s10 =	sld [smem:$0x3FAE];
	_ =	sdelay $0x3  }
0x36: {  	p1 =	seq.s32 s10, $0x1;
	s10 =	sld [smem:$0x3FAF];
	_ =	sdelay $0x3  }
0x37: {  	[smem:$0x3FAF] =	sst s10  }
0x38: {  	s10 =	sld [smem:$0x3FB0]  }
0x39: {  	_ = 	snop;
	(pc) =	sbr.ind lr, $3  }
0x3a: {  	_ = 	snop  }
0x3b: {  	_ = 	snop  }
0x3c: {  	p2 =	seq.s32 s10, $0x1;
	s10 =	sld [smem:$0x3FAF]  }
0x3d: {  	_ =	shalt  }
0x3e: {  	_ =	shalt  }
0x3f: {  	_ =	shalt  }
0x40: {  	_ =	shalt  }
0x41: {  	_ =	shalt  }
0x42: {  	_ =	shalt  }
0x43: {  	_ =	shalt  }
0x44: {  	_ =	shalt  }
0x45: {  	_ =	shalt  }
0x46: {  	_ =	shalt  }
0x47: {  	_ =	shalt  }
0x48: {  	_ =	shalt  }
0x49: {  	_ =	shalt  }
0x4a: {  	_ =	shalt  }
0x4b: {  	_ =	shalt  }
0x4c: {  	_ =	shalt  }
0x4d: {  	_ =	shalt  }
0x4e: {  	_ =	shalt  }
0x4f: {  	_ =	shalt  }
0x50: {  	_ =	shalt  }
0x51: {  	_ =	shalt  }
0x52: {  	_ =	shalt  }
0x53: {  	_ =	shalt  }
0x54: {  	_ =	shalt  }
0x55: {  	_ =	shalt  }
0x56: {  	_ =	shalt  }
0x57: {  	_ =	shalt  }
0x58: {  	_ =	shalt  }
0x59: {  	_ =	shalt  }
0x5a: {  	_ =	shalt  }
0x5b: {  	_ =	shalt  }
0x5c: {  	_ =	shalt  }
0x5d: {  	_ =	shalt  }
0x5e: {  	_ =	shalt  }
0x5f: {  	_ =	shalt  }
0x60: {  	_ =	shalt  }
0x61: {  	_ =	shalt  }
0x62: {  	_ =	shalt  }
0x63: {  	_ =	shalt  }
0x64: {  	_ =	shalt  }
0x65: {  	_ =	shalt  }
0x66: {  	_ =	shalt  }
0x67: {  	_ =	shalt  }
0x68: {  	_ =	shalt  }
0x69: {  	_ =	shalt  }
0x6a: {  	_ =	shalt  }
0x6b: {  	_ =	shalt  }
0x6c: {  	_ =	shalt  }
0x6d: {  	_ =	shalt  }
0x6e: {  	_ =	shalt  }
0x6f: {  	_ =	shalt  }
0x70: {  	_ =	shalt  }
0x71: {  	_ =	shalt  }
0x72: {  	_ =	shalt  }
0x73: {  	_ =	shalt  }
0x74: {  	_ =	shalt  }
0x75: {  	_ =	shalt  }
0x76: {  	_ =	shalt  }
0x77: {  	_ =	shalt  }
0x78: {  	_ =	shalt  }
0x79: {  	_ =	shalt  }
0x7a: {  	_ =	shalt  }
0x7b: {  	_ =	shalt  }
0x7c: {  	_ =	shalt  }
0x7d: {  	_ =	shalt  }
0x7e: {  	_ =	shalt  }
0x7f: {  	_ =	shalt  }
0x80: {  	_ =	shalt  }
0x81: {  	_ =	shalt  }
0x82: {  	_ =	shalt  }
0x83: {  	_ =	shalt  }
0x84: {  	_ =	shalt  }
0x85: {  	_ =	shalt  }
0x86: {  	_ =	shalt  }
0x87: {  	_ =	shalt  }
.Lfunc_end0:
.L_simem_size_0:
called_computation.1_lowered:
.L_overlay_start_0:
0x88: {  	s2 =	sld [smem:$0x3FD9]  }
0x89: {  	s3 =	sld [smem:$0x3FFE];
	_ =	sdelay $0x1  }
0x8a: {  	s1 =	srdreg.scid  }
0x8b: {  	s0 =	sand.u32 $0x1, s1  }
0x8c: {  	s16 =	sshll.u32 s0, $0xA;
	s2 =	sadd.s32 s3, s2  }
0x8d: {  	s2 =	sadd.s32 s2, s16  }
0x8e: {  	[smem:$0x3FBB] =	sst s2  }
0x8f: {  	_ = 	snop  }
0x90: {  	(tm) =	ssettm $0x1  }
0x91: {  	s17 =	sld [smem:$0x3FFB];
	_ =	sdelay $0x3  }
0x92: {  	_ =	strace s17  }
0x93: {  	s2 =	sld [smem:$0x3FFC];
	_ =	sdelay $0x3  }
0x94: {  	_ =	strace s2  }
0x95: {  	s2 =	sld [smem:$0x3FFD];
	_ =	sdelay $0x3  }
0x96: {  	_ =	strace s2  }
0x97: {  	_ =	strace $0x8FFFFFFF  }
0x98: {  	s18 =	sld [smem:$0x3FDB];
	_ =	sdelay $0x1  }
0x99: {  	s19 =	simm.s32 $_scs_section_size  }
0x9a: {  	s4 =	simm.s32 $_size__tile_overlayer_lowered;
	s5 =	simm.s32 $_tile_overlayer_lowered  }
0x9b: {  	s22 =	simm.s32 $0x1BFF;
	s21 =	sshll.u32 s5, $0x1;
	s2 =	sadd.s32 s19, s18  }
0x9c: {  	s6 =	simm.s32 $0x0;
	s20 =	sshll.u32 s4, $0x1;
	s4 =	sadd.s32 s21, s2  }
0x9d: {  	[timem:s6], [sflag:s22] =	dma.local [hbm:s4], s20  }
0x9e: {  	_ =	swait.ge [sflag:s22], s20  }
0x9f: {  	s3 =	ssub.s32 $0x0, s20;
	[sflag:s22] =	ssyncset.done $0x0  }
0xa0: {  	[sflag:s22] =	ssyncadd.s32 s3;
	_ =	sdelay $0x1  }
0xa1: {  	s23 =	simm.s32 $0x1B8B  }
0xa2: {  	_ =	swait.ge [sflag:s23], $0x1  }
0xa3: {  	[sflag:s23] =	ssyncset.done $0x0  }
0xa4: {  	s25 =	simm.s32 $0x1B8E;
	s24 =	sld [smem:$0x3FFE];
	[sflag:s23] =	ssyncadd.s32 $0xFFFFFFFF  }
0xa5: {  	s26 =	simm.s32 $execute0_lowered;
	[smem:$0x3FD2] =	sst s25  }
0xa6: {  	s4 =	sshll.u32 s26, $0x1;
	_ =	strace $0x80000049;
	[dreg:$0x1] =	wrdreg $0xFFFFFFFF  }
0xa7: {  	s28 =	simm.s32 $_size_execute0_lowered;
	s2 =	sadd.s32 s2, s4;
	[dreg:$0x0] =	wrdreg $0x0  }
0xa8: {  	s4 =	sshll.u32 s28, $0x1;
	[dreg:$0x2] =	wrdreg s2  }
0xa9: {  	[dreg:$0x3] =	wrdreg s4  }
0xaa: {  	[dreg:$0x4] =	wrdreg $0xC0  }
0xab: {  	_ =	task [dreg:s6], $0x5FFFF  }
0xac: {  	[dreg:$0x1] =	wrdreg $0xFFFFFFFF  }
0xad: {  	[dreg:$0x0] =	wrdreg $0x60  }
0xae: {  	[dreg:$0x2] =	wrdreg s24  }
0xaf: {  	[dreg:$0x3] =	wrdreg $0x82000  }
0xb0: {  	[dreg:$0x4] =	wrdreg $0x9  }
0xb1: {  	_ =	task.clear_ibuf [dreg:s6], $0x5FFFF;
	_ =	strace $0x90000049  }
0xb2: {  	s29 =	simm.s32 $0x9;
	_ =	strace $0x8000004B  }
0xb3: {  	_ =	swait.ge [sflag:s29], $0x1  }
0xb4: {  	[sflag:s29] =	ssyncadd.s32 $0xFFFFFFFF  }
0xb5: {  	_ =	strace $0x9000004B  }
0xb6: {  	_ =	sfence  }
0xb7: {  	s30 =	sld [smem:$0x0];
	_ =	sdelay $0x2  }
0xb8: {  	s31 =	sshll.u32 s1, $0xD;
	s1 =	sshrl.u32 s1, $0x2  }
0xb9: {  	s3 =	sand.u32 $0x4000, s31;
	s1 =	sadd.s32 s1, s30  }
0xba: {  	s0 =	sor.u32 s3, s0;
	s1 =	sshll.u32 s1, $0x11  }
0xbb: {  	s0 =	sor.u32 s1, s0  }
0xbc: {  	s0 =	sadd.s32 $0x8F2B, s0  }
0xbd: {  	[sflag:s0] =	ssyncadd.remote.s32 $0x1  }
0xbe: {  	_ =	sfence.sel $0xFFFF  }
0xbf: {  	[dreg:$0x0] =	wrdreg $0xFFFFFFFF;
	(pc) =	sbr.abs _section_cstart, $3  }
0xc0: {  	[dreg:$0x1] =	wrdreg $0xFFFFFFFF  }
0xc1: {  	_ =	task.clear_ibuf [dreg:s6], $0x2FFFF;
	_ =	strace $0x9FFFFFFF  }
0xc2: {  	(tm) =	ssettm $0x7FFFFFFF  }
0xc3: {  	_ =	shalt  }
tec
execute0_lowered:
.L_overlay_start_1:
0x0: {  	(tag) =	ssettag $0x1  }
0x1: {  	s0 =	rddreg [dreg:$0x0]  }
0x2: {  	s1 =	rddreg [dreg:$0x1];
	s2 =	simm.s32 $0x0;
	s5 =	srdreg.scid  }
0x3: {  	s3 =	stileid.u32;
	s20 =	simm.s32 $0x100;
	s21 =	simm.s32 $0x80  }
0x4: {  	s22 =	simm.s32 $0x180;
	s23 =	simm.s32 $0x4200;
	s24 =	simm.s32 $0x1  }
0x5: {  	s25 =	simm.s32 $0x2;
	s26 =	simm.s32 $0x0;
	[smem:$0x7FF] =	sst s2  }
0x6: {  	s18 =	sand.u32 $0x1, s5;
	s8 =	smul.u32 $0x4F000, s3;
	s5 =	sadd.s32 $0x103600, s0  }
0x7: {  	s17 =	sadd.s32 $0xE400, s0;
	s10 =	smul.u32 $0x5000, s3;
	s6 =	sadd.s32 $0x12AE00, s0  }
0x8: {  	s4 =	sadd.s32 $0xDBE00, s0;
	s7 =	sadd.s32 $0x152600, s0;
	s19 =	smul.u32 $0xA00, s3  }
0x9: {  	_ =	strace $0x8000004A;
	[dreg:$0x3] =	wrdreg s4;
	s9 =	ssub.s32 $0x2, s18  }
0xa: {  	p0 =	sne.s32 s18, $0x0;
	s18 =	simm.s32 $0x200;
	s30 =	sshrl.u32 s9, $0x1  }
.Ltmp0:
0xb: {  	s8 =	sshrl.u32 s8, $0x2;
	s31 =	sshrl.u32 s10, $0x3;
	(pc) =	sbr.rel .LBB2_1-.Ltmp0, $4  }
0xc: {  	s10 =	smul.u32 $0x2780, s3;
	s0 =	ssub.s32 s9, s30;
	s8 =	sadd.s32 s8, s1  }
0xd: {  	s9 =	sadd.s32 s17, s31;
	s17 =	sadd.s32 s19, s17;
	s19 =	simm.s32 $0x3  }
0xe: {  	s11 =	sadd.s32 $0x10000, s8;
	s12 =	sadd.s32 $0x20, s9;
	s13 =	smax.u32 s0, $0x1  }
0xf: {  	v0 =	vimm.f32 $0.0e+00;
	s14 =	sadd.s32 $0x4000, s8;
	s15 =	sadd.s32 $0x8000, s8;
	s16 =	sadd.s32 $0xC000, s8  }
.LBB2_18:
0x10: {  	[sflag:s25] =	ssyncadd.s32 $0xFFFFFF00;
	s30 =	smov.u32 s7  }
.LBB2_19:
0x11: {  	[spmem:s1] =	stream.indirect.scatter.add.f32 [tilespmem:s18], [sflag:$0x3], $0x80, s21, s21, $0xb8;
	[tilespmem:$0x1BE00] =	vst v63  }
0x12: {  	_ =	swait.ge [sflag:s19], $0x4000  }
0x13: {  	[sflag:s19] =	ssyncset.done $0x0  }
0x14: {  	[sflag:s19] =	ssyncadd.s32 $0xFFFFC000  }
0x15: {  	[spmem:s1] =	stream.indirect.scatter.add.f32 [tilespmem:s23], [sflag:$0x3], $0x80, s22, s21, $0xb8;
	[tilespmem:$0x1BE00] =	vst v63  }
0x16: {  	_ =	swait.ge [sflag:s19], $0x4000  }
0x17: {  	s26 =	sadd.s32 $0x1, s26;
	[sflag:s19] =	ssyncset.done $0x0  }
0x18: {  	p1 =	sne.s32 s26, s13;
	[sflag:s19] =	ssyncadd.s32 $0xFFFFC000  }
.Ltmp1:
0x19: {  	s0 =	sadd.s32 s30, s10;
	[bflag:$0x0] =	sbarrier.arrive $0xFFFF;
	(pc) =	sbr.rel @!p1 .LBB2_20-.Ltmp1, $4  }
0x1a: {  	[hbm:s0], [sflag:s28] =	dma.local [spmem:s29], $0x2780  }
0x1b: {  	_ =	swait.ge [sflag:s19], $0x2780  }
0x1c: {  	[sflag:s19] =	ssyncset.done $0x0  }
0x1d: {  	[sflag:s19] =	ssyncadd.s32 $0xFFFFD880  }
.LBB2_1:
0x1e: {  	s0 =	sand.u32 $0xFE00, s2  }
0x1f: {  	s29 =	sand.u32 $0x70, s2;
	s0 =	sshrl.u32 s0, $0x2  }
0x20: {  	s28 =	simm.s32 $0x40;
	s30 =	sor.u32 s29, s0;
	s29 =	simm.s32 $0x0  }
.LBB2_2:
0x21: {  	p1 =	sne.s32 s28, $0xFFC0  }
0x22: {  	[tilespmem:s30+$0x200] =	vst v0;
	s29 =	sadd.s32 $0x10, s29;
	s0 =	smov.u32 s28;
	s28 =	sadd.s32 $0x40, s28  }
.Ltmp2:
0x23: {  	(pc) =	sbr.rel @p1 .LBB2_2-.Ltmp2, $4  }
0x24: {  	_ = 	snop  }
0x25: {  	s0 =	sand.u32 $0xFE00, s0  }
0x26: {  	s30 =	sand.u32 $0x70, s29;
	s0 =	sshrl.u32 s0, $0x2  }
0x27: {  	s30 =	sor.u32 s30, s0  }
0x28: {  	[tilespmem:s30+$0x200] =	vst v0  }
0x29: {  	[spmem:s8] =	stream.linear.scatter [tilespmem:s18], [sflag:$0x3], $0x4000, $0x38;
	[tilespmem:$0x1BE00] =	vst v63  }
0x2a: {  	_ =	swait.ge [sflag:s19], $0x4000  }
0x2b: {  	[sflag:s19] =	ssyncset.done $0x0  }
0x2c: {  	[sflag:s19] =	ssyncadd.s32 $0xFFFFC000  }
0x2d: {  	[spmem:s14] =	stream.linear.scatter [tilespmem:s18], [sflag:$0x3], $0x4000, $0x38;
	[tilespmem:$0x1BE00] =	vst v63  }
0x2e: {  	_ =	swait.ge [sflag:s19], $0x4000  }
0x2f: {  	[sflag:s19] =	ssyncset.done $0x0  }
0x30: {  	[sflag:s19] =	ssyncadd.s32 $0xFFFFC000  }
0x31: {  	[spmem:s15] =	stream.linear.scatter [tilespmem:s18], [sflag:$0x3], $0x4000, $0x38;
	[tilespmem:$0x1BE00] =	vst v63  }
0x32: {  	_ =	swait.ge [sflag:s19], $0x4000  }
0x33: {  	[sflag:s19] =	ssyncset.done $0x0  }
0x34: {  	[sflag:s19] =	ssyncadd.s32 $0xFFFFC000  }
0x35: {  	[spmem:s16] =	stream.linear.scatter [tilespmem:s18], [sflag:$0x3], $0x4000, $0x38;
	[tilespmem:$0x1BE00] =	vst v63  }
0x36: {  	_ =	swait.ge [sflag:s19], $0x4000  }
0x37: {  	[sflag:s19] =	ssyncset.done $0x0  }
0x38: {  	[sflag:s19] =	ssyncadd.s32 $0xFFFFC000  }
0x39: {  	[spmem:s11] =	stream.linear.scatter [tilespmem:s18], [sflag:$0x3], $0x3C00, $0x38;
	[tilespmem:$0x1BE00] =	vst v63  }
0x3a: {  	_ =	swait.ge [sflag:s19], $0x3C00  }
0x3b: {  	[sflag:s19] =	ssyncset.done $0x0  }
0x3c: {  	[sflag:s19] =	ssyncadd.s32 $0xFFFFC400  }
0x3d: {  	[bflag:$0x0] =	sbarrier.arrive $0xFFFF  }
0x3e: {  	[tilespmem:s2], [sflag:$0x3] =	stream.linear.gather [hbm4b:s9+s2], $0x100, $0x38;
	[tilespmem:$0x1BE00] =	vst v63  }
0x3f: {  	_ =	swait.ge [sflag:s19], $0x100  }
0x40: {  	[sflag:s19] =	ssyncset.done $0x0  }
.Ltmp3:
0x41: {  	[sflag:s19] =	ssyncadd.s32 $0xFFFFFF00;
	(pc) =	sbr.rel @p0 .LBB2_7-.Ltmp3, $4  }
0x42: {  	[tilespmem:s20], [sflag:$0x3] =	stream.linear.gather [hbm4b:s12+s2], $0x100, $0x38;
	[tilespmem:$0x1BE00] =	vst v63  }
0x43: {  	_ =	swait.ge [sflag:s19], $0x100  }
0x44: {  	[sflag:s19] =	ssyncset.done $0x0  }
0x45: {  	[sflag:s19] =	ssyncadd.s32 $0xFFFFFF00  }
0x46: {  	[spmem:s1] =	stream.indirect.scatter.add.f32 [tilespmem:s18], [sflag:$0x3], $0x80, s21, s21, $0xb8;
	[tilespmem:$0x1BE00] =	vst v63  }
0x47: {  	_ =	swait.ge [sflag:s19], $0x4000  }
0x48: {  	s0 =	sadd.s32 $0xFFFFF640, s17;
	[sflag:s19] =	ssyncset.done $0x0  }
0x49: {  	s28 =	sadd.s32 $0xA00, s0;
	[sflag:s19] =	ssyncadd.s32 $0xFFFFC000  }
0x4a: {  	[tilespmem:s2], [sflag:$0x1] =	stream.linear.gather [hbm4b:s28+s2], $0x100, $0x38;
	[tilespmem:$0x1BE00] =	vst v63  }
0x4b: {  	_ = 	snop  }
0x4c: {  	[spmem:s1] =	stream.indirect.scatter.add.f32 [tilespmem:s23], [sflag:$0x3], $0x80, s22, s21, $0xb8;
	[tilespmem:$0x1BE00] =	vst v63  }
0x4d: {  	_ =	swait.ge [sflag:s19], $0x4000  }
0x4e: {  	[sflag:s19] =	ssyncset.done $0x0  }
0x4f: {  	s0 =	sadd.s32 $0xA20, s0;
	[sflag:s19] =	ssyncadd.s32 $0xFFFFC000  }
0x50: {  	[tilespmem:s20], [sflag:$0x2] =	stream.linear.gather [hbm4b:s0+s2], $0x100, $0x38;
	[tilespmem:$0x1BE00] =	vst v63  }
0x51: {  	_ =	swait.ge [sflag:s24], $0x100  }
0x52: {  	[sflag:s24] =	ssyncset.done $0x0  }
0x53: {  	[sflag:s24] =	ssyncadd.s32 $0xFFFFFF00  }
0x54: {  	_ =	swait.ge [sflag:s25], $0x100  }
0x55: {  	s28 =	simm.s32 $0xFFFFF680;
	[sflag:s25] =	ssyncset.done $0x0  }
.LBB2_5:
0x56: {  	p1 =	seq.s32 s28, $0xFFFFFFC0  }
0x57: {  	[sflag:s25] =	ssyncadd.s32 $0xFFFFFF00;
	s0 =	smov.u32 s28;
	s28 =	sadd.s32 $0x40, s28  }
0x58: {  	[spmem:s1] =	stream.indirect.scatter.add.f32 [tilespmem:s18], [sflag:$0x3], $0x80, s21, s21, $0xb8;
	[tilespmem:$0x1BE00] =	vst v63  }
0x59: {  	_ =	swait.ge [sflag:s19], $0x4000  }
0x5a: {  	s0 =	sadd.s32 s0, s17;
	[sflag:s19] =	ssyncset.done $0x0  }
0x5b: {  	s29 =	sadd.s32 $0xA00, s0;
	[sflag:s19] =	ssyncadd.s32 $0xFFFFC000  }
0x5c: {  	[tilespmem:s2], [sflag:$0x1] =	stream.linear.gather [hbm4b:s29+s2], $0x100, $0x38;
	[tilespmem:$0x1BE00] =	vst v63  }
0x5d: {  	_ = 	snop  }
0x5e: {  	[spmem:s1] =	stream.indirect.scatter.add.f32 [tilespmem:s23], [sflag:$0x3], $0x80, s22, s21, $0xb8;
	[tilespmem:$0x1BE00] =	vst v63  }
0x5f: {  	_ =	swait.ge [sflag:s19], $0x4000  }
0x60: {  	[sflag:s19] =	ssyncset.done $0x0  }
0x61: {  	s0 =	sadd.s32 $0xA20, s0;
	[sflag:s19] =	ssyncadd.s32 $0xFFFFC000  }
0x62: {  	[tilespmem:s20], [sflag:$0x2] =	stream.linear.gather [hbm4b:s0+s2], $0x100, $0x38;
	[tilespmem:$0x1BE00] =	vst v63  }
.Ltmp4:
0x63: {  	_ =	swait.ge [sflag:s24], $0x100;
	(pc) =	sbr.rel @!p1 .LBB2_5-.Ltmp4, $4  }
0x64: {  	[sflag:s24] =	ssyncset.done $0x0  }
0x65: {  	[sflag:s24] =	ssyncadd.s32 $0xFFFFFF00  }
0x66: {  	_ =	swait.ge [sflag:s25], $0x100  }
0x67: {  	[sflag:s25] =	ssyncset.done $0x0  }
.Ltmp5:
0x68: {  	(pc) =	sbr.rel .LBB2_10-.Ltmp5, $2  }
0x69: {  	_ =	sdelay $0x2  }
0x6a: {  	[sflag:s25] =	ssyncadd.s32 $0xFFFFFF00;
	s28 =	rddreg [dreg:$0x3]  }
.LBB2_7:
0x6b: {  	[spmem:s1] =	stream.indirect.scatter.add.f32 [tilespmem:s18], [sflag:$0x3], $0x80, s21, s21, $0xb8;
	[tilespmem:$0x1BE00] =	vst v63  }
0x6c: {  	_ =	swait.ge [sflag:s19], $0x4000  }
0x6d: {  	s0 =	sadd.s32 $0xFFFFF640, s17;
	[sflag:s19] =	ssyncset.done $0x0  }
0x6e: {  	s28 =	sadd.s32 $0xA00, s0;
	[sflag:s19] =	ssyncadd.s32 $0xFFFFC000  }
0x6f: {  	[tilespmem:s2], [sflag:$0x1] =	stream.linear.gather [hbm4b:s28+s2], $0x100, $0x38;
	[tilespmem:$0x1BE00] =	vst v63  }
0x70: {  	_ = 	snop  }
0x71: {  	[spmem:s1] =	stream.indirect.scatter.add.f32 [tilespmem:s23], [sflag:$0x3], $0x80, s22, s21, $0xb8;
	[tilespmem:$0x1BE00] =	vst v63  }
0x72: {  	_ =	swait.ge [sflag:s19], $0x4000  }
0x73: {  	[sflag:s19] =	ssyncset.done $0x0  }
0x74: {  	s0 =	sadd.s32 $0xA20, s0;
	[sflag:s19] =	ssyncadd.s32 $0xFFFFC000  }
0x75: {  	[tilespmem:s20], [sflag:$0x2] =	stream.linear.gather [hbm4b:s0+s2], $0x100, $0x38;
	[tilespmem:$0x1BE00] =	vst v63  }
0x76: {  	_ =	swait.ge [sflag:s24], $0x100  }
0x77: {  	[sflag:s24] =	ssyncset.done $0x0  }
0x78: {  	[sflag:s24] =	ssyncadd.s32 $0xFFFFFF00  }
0x79: {  	_ =	swait.ge [sflag:s25], $0x100  }
0x7a: {  	s28 =	simm.s32 $0xFFFFF680;
	[sflag:s25] =	ssyncset.done $0x0  }
.LBB2_8:
0x7b: {  	p1 =	sne.s32 s28, $0xFFFFFFC0  }
0x7c: {  	[sflag:s25] =	ssyncadd.s32 $0xFFFFFF00;
	s0 =	smov.u32 s28;
	s28 =	sadd.s32 $0x40, s28  }
0x7d: {  	[spmem:s1] =	stream.indirect.scatter.add.f32 [tilespmem:s18], [sflag:$0x3], $0x80, s21, s21, $0xb8;
	[tilespmem:$0x1BE00] =	vst v63  }
0x7e: {  	_ =	swait.ge [sflag:s19], $0x4000  }
0x7f: {  	s0 =	sadd.s32 s0, s17;
	[sflag:s19] =	ssyncset.done $0x0  }
0x80: {  	s29 =	sadd.s32 $0xA00, s0;
	[sflag:s19] =	ssyncadd.s32 $0xFFFFC000  }
0x81: {  	[tilespmem:s2], [sflag:$0x1] =	stream.linear.gather [hbm4b:s29+s2], $0x100, $0x38;
	[tilespmem:$0x1BE00] =	vst v63  }
0x82: {  	_ = 	snop  }
0x83: {  	[spmem:s1] =	stream.indirect.scatter.add.f32 [tilespmem:s23], [sflag:$0x3], $0x80, s22, s21, $0xb8;
	[tilespmem:$0x1BE00] =	vst v63  }
0x84: {  	_ =	swait.ge [sflag:s19], $0x4000  }
0x85: {  	[sflag:s19] =	ssyncset.done $0x0  }
0x86: {  	s0 =	sadd.s32 $0xA20, s0;
	[sflag:s19] =	ssyncadd.s32 $0xFFFFC000  }
0x87: {  	[tilespmem:s20], [sflag:$0x2] =	stream.linear.gather [hbm4b:s0+s2], $0x100, $0x38;
	[tilespmem:$0x1BE00] =	vst v63  }
.Ltmp6:
0x88: {  	_ =	swait.ge [sflag:s24], $0x100;
	(pc) =	sbr.rel @p1 .LBB2_8-.Ltmp6, $4  }
0x89: {  	[sflag:s24] =	ssyncset.done $0x0  }
0x8a: {  	[sflag:s24] =	ssyncadd.s32 $0xFFFFFF00  }
0x8b: {  	_ =	swait.ge [sflag:s25], $0x100  }
0x8c: {  	[sflag:s25] =	ssyncset.done $0x0  }
0x8d: {  	[sflag:s25] =	ssyncadd.s32 $0xFFFFFF00;
	s28 =	smov.u32 s6  }
.LBB2_10:
0x8e: {  	[spmem:s1] =	stream.indirect.scatter.add.f32 [tilespmem:s18], [sflag:$0x3], $0x80, s21, s21, $0xb8;
	[tilespmem:$0x1BE00] =	vst v63  }
0x8f: {  	_ =	swait.ge [sflag:s19], $0x4000  }
0x90: {  	[sflag:s19] =	ssyncset.done $0x0  }
0x91: {  	[sflag:s19] =	ssyncadd.s32 $0xFFFFC000  }
0x92: {  	[spmem:s1] =	stream.indirect.scatter.add.f32 [tilespmem:s23], [sflag:$0x3], $0x80, s22, s21, $0xb8;
	[tilespmem:$0x1BE00] =	vst v63  }
0x93: {  	_ =	swait.ge [sflag:s19], $0x4000  }
0x94: {  	s0 =	sadd.s32 s28, s10;
	[sflag:s19] =	ssyncset.done $0x0  }
0x95: {  	s28 =	sshll.u32 s3, $0x6;
	s29 =	sshrl.u32 s8, $0x3;
	[sflag:s19] =	ssyncadd.s32 $0xFFFFC000  }
0x96: {  	s30 =	simm.s32 $0x0;
	s28 =	sor.u32 $0x1C03, s28;
	[bflag:$0x0] =	sbarrier.arrive $0xFFFF  }
0x97: {  	[hbm:s0], [sflag:s28] =	dma.local [spmem:s29], $0x2780  }
0x98: {  	s0 =	sand.u32 $0xFE00, s30;
	_ =	swait.ge [sflag:s19], $0x2780  }
0x99: {  	s4 =	sand.u32 $0x70, s30;
	s0 =	sshrl.u32 s0, $0x2;
	[sflag:s19] =	ssyncset.done $0x0  }
0x9a: {  	s31 =	simm.s32 $0x40;
	s0 =	sor.u32 s4, s0;
	[sflag:s19] =	ssyncadd.s32 $0xFFFFD880  }
.LBB2_11:
0x9b: {  	p1 =	sne.s32 s31, $0xFFC0  }
0x9c: {  	[tilespmem:s0+$0x200] =	vst v0;
	s30 =	sadd.s32 $0x10, s30;
	s0 =	smov.u32 s31;
	s31 =	sadd.s32 $0x40, s31  }
.Ltmp7:
0x9d: {  	(pc) =	sbr.rel @p1 .LBB2_11-.Ltmp7, $4  }
0x9e: {  	_ = 	snop  }
0x9f: {  	s0 =	sand.u32 $0xFE00, s0  }
0xa0: {  	s4 =	sand.u32 $0x70, s30;
	s0 =	sshrl.u32 s0, $0x2  }
0xa1: {  	s0 =	sor.u32 s4, s0  }
0xa2: {  	[tilespmem:s0+$0x200] =	vst v0  }
0xa3: {  	[spmem:s8] =	stream.linear.scatter [tilespmem:s18], [sflag:$0x3], $0x4000, $0x38;
	[tilespmem:$0x1BE00] =	vst v63  }
0xa4: {  	_ =	swait.ge [sflag:s19], $0x4000  }
0xa5: {  	[sflag:s19] =	ssyncset.done $0x0  }
0xa6: {  	[sflag:s19] =	ssyncadd.s32 $0xFFFFC000  }
0xa7: {  	[spmem:s14] =	stream.linear.scatter [tilespmem:s18], [sflag:$0x3], $0x4000, $0x38;
	[tilespmem:$0x1BE00] =	vst v63  }
0xa8: {  	_ =	swait.ge [sflag:s19], $0x4000  }
0xa9: {  	[sflag:s19] =	ssyncset.done $0x0  }
0xaa: {  	[sflag:s19] =	ssyncadd.s32 $0xFFFFC000  }
0xab: {  	[spmem:s15] =	stream.linear.scatter [tilespmem:s18], [sflag:$0x3], $0x4000, $0x38;
	[tilespmem:$0x1BE00] =	vst v63  }
0xac: {  	_ =	swait.ge [sflag:s19], $0x4000  }
0xad: {  	[sflag:s19] =	ssyncset.done $0x0  }
0xae: {  	[sflag:s19] =	ssyncadd.s32 $0xFFFFC000  }
0xaf: {  	[spmem:s16] =	stream.linear.scatter [tilespmem:s18], [sflag:$0x3], $0x4000, $0x38;
	[tilespmem:$0x1BE00] =	vst v63  }
0xb0: {  	_ =	swait.ge [sflag:s19], $0x4000  }
0xb1: {  	[sflag:s19] =	ssyncset.done $0x0  }
0xb2: {  	[sflag:s19] =	ssyncadd.s32 $0xFFFFC000  }
0xb3: {  	[spmem:s11] =	stream.linear.scatter [tilespmem:s18], [sflag:$0x3], $0x3C00, $0x38;
	[tilespmem:$0x1BE00] =	vst v63  }
0xb4: {  	_ =	swait.ge [sflag:s19], $0x3C00  }
0xb5: {  	[sflag:s19] =	ssyncset.done $0x0  }
0xb6: {  	[sflag:s19] =	ssyncadd.s32 $0xFFFFC400  }
0xb7: {  	[bflag:$0x0] =	sbarrier.arrive $0xFFFF  }
0xb8: {  	[tilespmem:s2], [sflag:$0x3] =	stream.linear.gather [hbm4b:s9+s2], $0x100, $0x38;
	[tilespmem:$0x1BE00] =	vst v63  }
0xb9: {  	_ =	swait.ge [sflag:s19], $0x100  }
0xba: {  	[sflag:s19] =	ssyncset.done $0x0  }
.Ltmp8:
0xbb: {  	[sflag:s19] =	ssyncadd.s32 $0xFFFFFF00;
	(pc) =	sbr.rel @p0 .LBB2_16-.Ltmp8, $4  }
0xbc: {  	[tilespmem:s20], [sflag:$0x3] =	stream.linear.gather [hbm4b:s12+s2], $0x100, $0x38;
	[tilespmem:$0x1BE00] =	vst v63  }
0xbd: {  	_ =	swait.ge [sflag:s19], $0x100  }
0xbe: {  	[sflag:s19] =	ssyncset.done $0x0  }
0xbf: {  	[sflag:s19] =	ssyncadd.s32 $0xFFFFFF00  }
0xc0: {  	[spmem:s1] =	stream.indirect.scatter.add.f32 [tilespmem:s18], [sflag:$0x3], $0x80, s21, s21, $0xb8;
	[tilespmem:$0x1BE00] =	vst v63  }
0xc1: {  	_ =	swait.ge [sflag:s19], $0x4000  }
0xc2: {  	s0 =	sadd.s32 $0xFFFFF640, s17;
	[sflag:s19] =	ssyncset.done $0x0  }
0xc3: {  	s4 =	sadd.s32 $0xA00, s0;
	[sflag:s19] =	ssyncadd.s32 $0xFFFFC000  }
0xc4: {  	[tilespmem:s2], [sflag:$0x1] =	stream.linear.gather [hbm4b:s4+s2], $0x100, $0x38;
	[tilespmem:$0x1BE00] =	vst v63  }
0xc5: {  	_ = 	snop  }
0xc6: {  	[spmem:s1] =	stream.indirect.scatter.add.f32 [tilespmem:s23], [sflag:$0x3], $0x80, s22, s21, $0xb8;
	[tilespmem:$0x1BE00] =	vst v63  }
0xc7: {  	_ =	swait.ge [sflag:s19], $0x4000  }
0xc8: {  	[sflag:s19] =	ssyncset.done $0x0  }
0xc9: {  	s0 =	sadd.s32 $0xA20, s0;
	[sflag:s19] =	ssyncadd.s32 $0xFFFFC000  }
0xca: {  	[tilespmem:s20], [sflag:$0x2] =	stream.linear.gather [hbm4b:s0+s2], $0x100, $0x38;
	[tilespmem:$0x1BE00] =	vst v63  }
0xcb: {  	_ =	swait.ge [sflag:s24], $0x100  }
0xcc: {  	[sflag:s24] =	ssyncset.done $0x0  }
0xcd: {  	[sflag:s24] =	ssyncadd.s32 $0xFFFFFF00  }
0xce: {  	_ =	swait.ge [sflag:s25], $0x100  }
0xcf: {  	s30 =	simm.s32 $0xFFFFF680;
	[sflag:s25] =	ssyncset.done $0x0  }
.LBB2_14:
0xd0: {  	p1 =	seq.s32 s30, $0xFFFFFFC0  }
0xd1: {  	[sflag:s25] =	ssyncadd.s32 $0xFFFFFF00;
	s0 =	smov.u32 s30;
	s30 =	sadd.s32 $0x40, s30  }
0xd2: {  	[spmem:s1] =	stream.indirect.scatter.add.f32 [tilespmem:s18], [sflag:$0x3], $0x80, s21, s21, $0xb8;
	[tilespmem:$0x1BE00] =	vst v63  }
0xd3: {  	_ =	swait.ge [sflag:s19], $0x4000  }
0xd4: {  	s0 =	sadd.s32 s0, s17;
	[sflag:s19] =	ssyncset.done $0x0  }
0xd5: {  	s4 =	sadd.s32 $0xA00, s0;
	[sflag:s19] =	ssyncadd.s32 $0xFFFFC000  }
0xd6: {  	[tilespmem:s2], [sflag:$0x1] =	stream.linear.gather [hbm4b:s4+s2], $0x100, $0x38;
	[tilespmem:$0x1BE00] =	vst v63  }
0xd7: {  	_ = 	snop  }
0xd8: {  	[spmem:s1] =	stream.indirect.scatter.add.f32 [tilespmem:s23], [sflag:$0x3], $0x80, s22, s21, $0xb8;
	[tilespmem:$0x1BE00] =	vst v63  }
0xd9: {  	_ =	swait.ge [sflag:s19], $0x4000  }
0xda: {  	[sflag:s19] =	ssyncset.done $0x0  }
0xdb: {  	s0 =	sadd.s32 $0xA20, s0;
	[sflag:s19] =	ssyncadd.s32 $0xFFFFC000  }
0xdc: {  	[tilespmem:s20], [sflag:$0x2] =	stream.linear.gather [hbm4b:s0+s2], $0x100, $0x38;
	[tilespmem:$0x1BE00] =	vst v63  }
.Ltmp9:
0xdd: {  	_ =	swait.ge [sflag:s24], $0x100;
	(pc) =	sbr.rel @!p1 .LBB2_14-.Ltmp9, $4  }
0xde: {  	[sflag:s24] =	ssyncset.done $0x0  }
0xdf: {  	[sflag:s24] =	ssyncadd.s32 $0xFFFFFF00  }
0xe0: {  	_ =	swait.ge [sflag:s25], $0x100  }
0xe1: {  	[sflag:s25] =	ssyncset.done $0x0  }
.Ltmp10:
0xe2: {  	(pc) =	sbr.rel .LBB2_19-.Ltmp10, $2  }
0xe3: {  	_ =	sdelay $0x2  }
0xe4: {  	[sflag:s25] =	ssyncadd.s32 $0xFFFFFF00;
	s30 =	smov.u32 s5  }
.LBB2_16:
0xe5: {  	[spmem:s1] =	stream.indirect.scatter.add.f32 [tilespmem:s18], [sflag:$0x3], $0x80, s21, s21, $0xb8;
	[tilespmem:$0x1BE00] =	vst v63  }
0xe6: {  	_ =	swait.ge [sflag:s19], $0x4000  }
0xe7: {  	s0 =	sadd.s32 $0xFFFFF640, s17;
	[sflag:s19] =	ssyncset.done $0x0  }
0xe8: {  	s4 =	sadd.s32 $0xA00, s0;
	[sflag:s19] =	ssyncadd.s32 $0xFFFFC000  }
0xe9: {  	[tilespmem:s2], [sflag:$0x1] =	stream.linear.gather [hbm4b:s4+s2], $0x100, $0x38;
	[tilespmem:$0x1BE00] =	vst v63  }
0xea: {  	_ = 	snop  }
0xeb: {  	[spmem:s1] =	stream.indirect.scatter.add.f32 [tilespmem:s23], [sflag:$0x3], $0x80, s22, s21, $0xb8;
	[tilespmem:$0x1BE00] =	vst v63  }
0xec: {  	_ =	swait.ge [sflag:s19], $0x4000  }
0xed: {  	[sflag:s19] =	ssyncset.done $0x0  }
0xee: {  	s0 =	sadd.s32 $0xA20, s0;
	[sflag:s19] =	ssyncadd.s32 $0xFFFFC000  }
0xef: {  	[tilespmem:s20], [sflag:$0x2] =	stream.linear.gather [hbm4b:s0+s2], $0x100, $0x38;
	[tilespmem:$0x1BE00] =	vst v63  }
0xf0: {  	_ =	swait.ge [sflag:s24], $0x100  }
0xf1: {  	[sflag:s24] =	ssyncset.done $0x0  }
0xf2: {  	[sflag:s24] =	ssyncadd.s32 $0xFFFFFF00  }
0xf3: {  	_ =	swait.ge [sflag:s25], $0x100  }
0xf4: {  	s30 =	simm.s32 $0xFFFFF680;
	[sflag:s25] =	ssyncset.done $0x0  }
.LBB2_17:
0xf5: {  	p1 =	sne.s32 s30, $0xFFFFFFC0  }
0xf6: {  	[sflag:s25] =	ssyncadd.s32 $0xFFFFFF00;
	s0 =	smov.u32 s30;
	s30 =	sadd.s32 $0x40, s30  }
0xf7: {  	[spmem:s1] =	stream.indirect.scatter.add.f32 [tilespmem:s18], [sflag:$0x3], $0x80, s21, s21, $0xb8;
	[tilespmem:$0x1BE00] =	vst v63  }
0xf8: {  	_ =	swait.ge [sflag:s19], $0x4000  }
0xf9: {  	s0 =	sadd.s32 s0, s17;
	[sflag:s19] =	ssyncset.done $0x0  }
0xfa: {  	s4 =	sadd.s32 $0xA00, s0;
	[sflag:s19] =	ssyncadd.s32 $0xFFFFC000  }
0xfb: {  	[tilespmem:s2], [sflag:$0x1] =	stream.linear.gather [hbm4b:s4+s2], $0x100, $0x38;
	[tilespmem:$0x1BE00] =	vst v63  }
0xfc: {  	_ = 	snop  }
0xfd: {  	[spmem:s1] =	stream.indirect.scatter.add.f32 [tilespmem:s23], [sflag:$0x3], $0x80, s22, s21, $0xb8;
	[tilespmem:$0x1BE00] =	vst v63  }
0xfe: {  	_ =	swait.ge [sflag:s19], $0x4000  }
0xff: {  	[sflag:s19] =	ssyncset.done $0x0  }
0x100: {  	s0 =	sadd.s32 $0xA20, s0;
	[sflag:s19] =	ssyncadd.s32 $0xFFFFC000  }
0x101: {  	[tilespmem:s20], [sflag:$0x2] =	stream.linear.gather [hbm4b:s0+s2], $0x100, $0x38;
	[tilespmem:$0x1BE00] =	vst v63  }
.Ltmp11:
0x102: {  	_ =	swait.ge [sflag:s24], $0x100;
	(pc) =	sbr.rel @p1 .LBB2_17-.Ltmp11, $4  }
0x103: {  	[sflag:s24] =	ssyncset.done $0x0  }
0x104: {  	[sflag:s24] =	ssyncadd.s32 $0xFFFFFF00  }
0x105: {  	_ =	swait.ge [sflag:s25], $0x100  }
0x106: {  	[sflag:s25] =	ssyncset.done $0x0  }
.Ltmp12:
0x107: {  	_ = 	snop;
	(pc) =	sbr.rel .LBB2_18-.Ltmp12, $1  }
0x108: {  	_ =	sdelay $0x3  }
.LBB2_20:
0x109: {  	_ =	sfence.sel $0x180000  }
0x10a: {  	[bflag:$0x0] =	sbarrier.arrive $0xFFFF  }
0x10b: {  	_ =	strace $0x9000004A  }
0x10c: {  	[bflag:$0x2] =	sbarrier.arrive $0xFFFF  }
0x10d: {  	p0 =	sne.s32 s3, $0x0;
	s0 =	rddreg [dreg:$0x2]  }
0x10e: {  	s0 =	sadd.s32 @!p0 $0x100000, s0  }
0x10f: {  	[sflag:s0] =	ssyncadd.tile.s32 @!p0 $0x1;
	_ =	shalt  }
.Lfunc_end2:
_tile_overlayer_lowered:
.L_overlay_start_2:
0x110: {  	(tag) =	ssettag $0x2  }
0x111: {  	s0 =	rddreg [dreg:$0x0];
	s2 =	stileid.u32  }
0x112: {  	s1 =	rddreg [dreg:$0x1];
	p0 =	sne.s32 s2, $0x0  }
0x113: {  	s3 =	rddreg [dreg:$0x2];
	[bflag:$0x3] =	sbarrier.arrive $0xFFFF;
	s2 =	simm.s32 @!p0 $0x1C03  }
0x114: {  	[timem:s3], [sflag:s2] =	dma.local @!p0 [hbm:s0], s1  }
0x115: {  	s0 =	simm.s32 @!p0 $0x3  }
0x116: {  	_ =	swait.ge @!p0 [sflag:s0], s1  }
0x117: {  	s1 =	ssub.s32 @!p0 $0x0, s1;
	[sflag:s0] =	ssyncset.done @!p0 $0x0  }
0x118: {  	[sflag:s0] =	ssyncadd.s32 @!p0 s1  }
0x119: {  	[bflag:$0x3] =	sbarrier.arrive $0xFFFF  }
0x11a: {  	_ =	shalt  }

// kernel: kernel.7.cloned.1.call-start
scs
__scs_entry_jumppad:
0x0: {  	(pc) =	sbr.rel $0x88, $3  }
0x1: {  	(tag) =	ssettag $0x0;
	lr =	simm.s32 $0x1  }
0x2: {  	[smem:$0x3F94] =	sst lr;
	_ =	strace $0xD0000000  }
0x3: {  	_ = 	snop  }
0x4: {  	_ = 	snop  }
0x5: {  	_ = 	snop  }
0x6: {  	_ = 	snop  }
0x7: {  	_ = 	snop  }
__scs_overlays_trampoline_lowered:
0x8: {  	[smem:$0x3FA3] =	sst s0  }
0x9: {  	[smem:$0x3FA4] =	sst s1  }
0xa: {  	[smem:$0x3FA5] =	sst s2  }
0xb: {  	[smem:$0x3FA6] =	sst s3  }
0xc: {  	[smem:$0x3FA7] =	sst s4  }
0xd: {  	[smem:$0x3FA8] =	sst s5  }
0xe: {  	[smem:$0x3FA9] =	sst s6  }
0xf: {  	[smem:$0x3FAA] =	sst s7  }
0x10: {  	[smem:$0x3FAB] =	sst s8  }
0x11: {  	[smem:$0x3FAC] =	sst s9;
	s0 =	simm.s32 @!p0 $0x0  }
0x12: {  	s1 =	sld [smem:$0x3F92];
	s0 =	simm.s32 @p0 $0x1  }
0x13: {  	[smem:$0x3FAD] =	sst s0;
	s0 =	simm.s32 @!p1 $0x0  }
0x14: {  	s2 =	sld [smem:$0x3F91];
	s0 =	simm.s32 @p1 $0x1  }
0x15: {  	[smem:$0x3FAE] =	sst s0;
	s0 =	simm.s32 @!p2 $0x0  }
0x16: {  	s3 =	sld [smem:$0x3FDB];
	s0 =	simm.s32 @p2 $0x1  }
0x17: {  	s4 =	simm.s32 $0x1BF5;
	[smem:$0x3FB0] =	sst s0  }
0x18: {  	s0 =	sld [smem:$0x3F93];
	_ =	swait.ge [sflag:s4], $0x0  }
0x19: {  	s7 =	sld [smem:$0x3F94]  }
0x1a: {  	s8 =	sadd.s32 $0xFFFFE003, lr  }
0x1b: {  	s9 =	sadd.s32 $0xFFFFFEF7, lr;
	s5 =	simm.s32 $0xFFFFFFFF;
	p2 =	slt.u32 s8, $0xFFFFF086  }
0x1c: {  	p1 =	slt.u32 s9, $0xF7A;
	s5 =	simm.s32 @!p2 $0x0  }
0x1d: {  	s5 =	simm.s32 @p1 $0x1;
	p0 =	seq.s32 s7, s2  }
0x1e: {  	s7 =	smul.u32 @!p0 $0xF7A, s2;
	p2 =	seq.s32 @!p0 s5, $0x0  }
0x1f: {  	s9 =	smul.u32 $0xF7A, s1;
	s8 =	simm.s32 @!p0 $0x1BF5;
	p2 =	por !p2, p0  }
0x20: {  	[sflag:s8] =	ssyncset.s32 @!p0 $0xFFFFF086;
	s6 =	sadd.s32 @!p0 s3, s7;
	s7 =	simm.s32 @!p0 $0x108  }
0x21: {  	s3 =	sadd.s32 s3, s9;
	s6 =	sadd.s32 @!p0 $0x88, s6;
	s7 =	simm.s32 @p2 $0x1082  }
0x22: {  	[simem:s7], [sflag:s8] =	dma.local @!p0 [hbm:s6], $0xF7A  }
0x23: {  	s9 =	sor.u32 $0xD0000000, s2;
	s6 =	simm.s32 $0x108;
	_ =	swait.ge @!p0 [sflag:s8], $0x0  }
0x24: {  	s3 =	sadd.s32 $0x88, s3;
	s6 =	simm.s32 @!p1 $0x1082;
	[sflag:s4] =	ssyncset.s32 $0xFFFFF086  }
0x25: {  	[simem:s6], [sflag:s4] =	dma.local [hbm:s3], $0xF7A  }
0x26: {  	[smem:$0x3F94] =	sst s1;
	(tag) =	ssettag s2;
	_ =	strace s9  }
0x27: {  	s1 =	sld [smem:$0x3FA4]  }
0x28: {  	s2 =	sld [smem:$0x3FA5]  }
0x29: {  	s4 =	sld [smem:$0x3FA7]  }
0x2a: {  	p0 =	seq.s32 s5, $0x0;
	s5 =	sld [smem:$0x3FA8]  }
0x2b: {  	s6 =	sld [smem:$0x3FA9]  }
0x2c: {  	s7 =	sld [smem:$0x3FAA]  }
0x2d: {  	s3 =	simm.s32 $0x108;
	s8 =	sld [smem:$0x3FAB]  }
0x2e: {  	s3 =	simm.s32 @!p0 $0x1082;
	s9 =	sld [smem:$0x3FAC]  }
0x2f: {  	lr =	sadd.s32 s0, s3;
	s0 =	sld [smem:$0x3FA3]  }
0x30: {  	s3 =	sld [smem:$0x3FA6]  }
0x31: {  	[smem:$0x3FAF] =	sst s10  }
0x32: {  	s10 =	sld [smem:$0x3FAD];
	_ =	sdelay $0x3  }
0x33: {  	p0 =	seq.s32 s10, $0x1;
	s10 =	sld [smem:$0x3FAF];
	_ =	sdelay $0x3  }
0x34: {  	[smem:$0x3FAF] =	sst s10  }
0x35: {  	s10 =	sld [smem:$0x3FAE];
	_ =	sdelay $0x3  }
0x36: {  	p1 =	seq.s32 s10, $0x1;
	s10 =	sld [smem:$0x3FAF];
	_ =	sdelay $0x3  }
0x37: {  	[smem:$0x3FAF] =	sst s10  }
0x38: {  	s10 =	sld [smem:$0x3FB0]  }
0x39: {  	_ = 	snop;
	(pc) =	sbr.ind lr, $3  }
0x3a: {  	_ = 	snop  }
0x3b: {  	_ = 	snop  }
0x3c: {  	p2 =	seq.s32 s10, $0x1;
	s10 =	sld [smem:$0x3FAF]  }
0x3d: {  	_ =	shalt  }
0x3e: {  	_ =	shalt  }
0x3f: {  	_ =	shalt  }
0x40: {  	_ =	shalt  }
0x41: {  	_ =	shalt  }
0x42: {  	_ =	shalt  }
0x43: {  	_ =	shalt  }
0x44: {  	_ =	shalt  }
0x45: {  	_ =	shalt  }
0x46: {  	_ =	shalt  }
0x47: {  	_ =	shalt  }
0x48: {  	_ =	shalt  }
0x49: {  	_ =	shalt  }
0x4a: {  	_ =	shalt  }
0x4b: {  	_ =	shalt  }
0x4c: {  	_ =	shalt  }
0x4d: {  	_ =	shalt  }
0x4e: {  	_ =	shalt  }
0x4f: {  	_ =	shalt  }
0x50: {  	_ =	shalt  }
0x51: {  	_ =	shalt  }
0x52: {  	_ =	shalt  }
0x53: {  	_ =	shalt  }
0x54: {  	_ =	shalt  }
0x55: {  	_ =	shalt  }
0x56: {  	_ =	shalt  }
0x57: {  	_ =	shalt  }
0x58: {  	_ =	shalt  }
0x59: {  	_ =	shalt  }
0x5a: {  	_ =	shalt  }
0x5b: {  	_ =	shalt  }
0x5c: {  	_ =	shalt  }
0x5d: {  	_ =	shalt  }
0x5e: {  	_ =	shalt  }
0x5f: {  	_ =	shalt  }
0x60: {  	_ =	shalt  }
0x61: {  	_ =	shalt  }
0x62: {  	_ =	shalt  }
0x63: {  	_ =	shalt  }
0x64: {  	_ =	shalt  }
0x65: {  	_ =	shalt  }
0x66: {  	_ =	shalt  }
0x67: {  	_ =	shalt  }
0x68: {  	_ =	shalt  }
0x69: {  	_ =	shalt  }
0x6a: {  	_ =	shalt  }
0x6b: {  	_ =	shalt  }
0x6c: {  	_ =	shalt  }
0x6d: {  	_ =	shalt  }
0x6e: {  	_ =	shalt  }
0x6f: {  	_ =	shalt  }
0x70: {  	_ =	shalt  }
0x71: {  	_ =	shalt  }
0x72: {  	_ =	shalt  }
0x73: {  	_ =	shalt  }
0x74: {  	_ =	shalt  }
0x75: {  	_ =	shalt  }
0x76: {  	_ =	shalt  }
0x77: {  	_ =	shalt  }
0x78: {  	_ =	shalt  }
0x79: {  	_ =	shalt  }
0x7a: {  	_ =	shalt  }
0x7b: {  	_ =	shalt  }
0x7c: {  	_ =	shalt  }
0x7d: {  	_ =	shalt  }
0x7e: {  	_ =	shalt  }
0x7f: {  	_ =	shalt  }
0x80: {  	_ =	shalt  }
0x81: {  	_ =	shalt  }
0x82: {  	_ =	shalt  }
0x83: {  	_ =	shalt  }
0x84: {  	_ =	shalt  }
0x85: {  	_ =	shalt  }
0x86: {  	_ =	shalt  }
0x87: {  	_ =	shalt  }
.Lfunc_end0:
.L_simem_size_0:
called_computation_lowered:
.L_overlay_start_0:
0x88: {  	s2 =	sld [smem:$0x3FD9]  }
0x89: {  	s3 =	sld [smem:$0x3FFE];
	_ =	sdelay $0x1  }
0x8a: {  	s1 =	srdreg.scid  }
0x8b: {  	s0 =	sand.u32 $0x1, s1  }
0x8c: {  	s16 =	sshll.u32 s0, $0xA;
	s2 =	sadd.s32 s3, s2  }
0x8d: {  	s2 =	sadd.s32 s2, s16  }
0x8e: {  	[smem:$0x3FBB] =	sst s2  }
0x8f: {  	_ = 	snop  }
0x90: {  	(tm) =	ssettm $0x1  }
0x91: {  	s17 =	sld [smem:$0x3FFB];
	_ =	sdelay $0x3  }
0x92: {  	_ =	strace s17  }
0x93: {  	s2 =	sld [smem:$0x3FFC];
	_ =	sdelay $0x3  }
0x94: {  	_ =	strace s2  }
0x95: {  	s2 =	sld [smem:$0x3FFD];
	_ =	sdelay $0x3  }
0x96: {  	_ =	strace s2  }
0x97: {  	_ =	strace $0x8FFFFFFF  }
0x98: {  	s18 =	sld [smem:$0x3FDB];
	_ =	sdelay $0x1  }
0x99: {  	s19 =	simm.s32 $_scs_section_size  }
0x9a: {  	s4 =	simm.s32 $_size__tile_overlayer_lowered;
	s5 =	simm.s32 $_tile_overlayer_lowered  }
0x9b: {  	s22 =	simm.s32 $0x1BFF;
	s21 =	sshll.u32 s5, $0x1;
	s2 =	sadd.s32 s19, s18  }
0x9c: {  	s6 =	simm.s32 $0x0;
	s20 =	sshll.u32 s4, $0x1;
	s4 =	sadd.s32 s21, s2  }
0x9d: {  	[timem:s6], [sflag:s22] =	dma.local [hbm:s4], s20  }
0x9e: {  	_ =	swait.ge [sflag:s22], s20  }
0x9f: {  	s3 =	ssub.s32 $0x0, s20;
	[sflag:s22] =	ssyncset.done $0x0  }
0xa0: {  	[sflag:s22] =	ssyncadd.s32 s3;
	_ =	sdelay $0x1  }
0xa1: {  	s23 =	simm.s32 $0x1B8B  }
0xa2: {  	_ =	swait.ge [sflag:s23], $0x1  }
0xa3: {  	[sflag:s23] =	ssyncset.done $0x0  }
0xa4: {  	s25 =	simm.s32 $0x1B8E;
	s24 =	sld [smem:$0x3FFE];
	[sflag:s23] =	ssyncadd.s32 $0xFFFFFFFF  }
0xa5: {  	s26 =	simm.s32 $execute0_lowered;
	[smem:$0x3FD2] =	sst s25  }
0xa6: {  	s4 =	sshll.u32 s26, $0x1;
	_ =	strace $0x80000046;
	[dreg:$0x1] =	wrdreg $0xFFFFFFFF  }
0xa7: {  	s28 =	simm.s32 $_size_execute0_lowered;
	s2 =	sadd.s32 s2, s4;
	[dreg:$0x0] =	wrdreg $0x0  }
0xa8: {  	s4 =	sshll.u32 s28, $0x1;
	[dreg:$0x2] =	wrdreg s2  }
0xa9: {  	[dreg:$0x3] =	wrdreg s4  }
0xaa: {  	[dreg:$0x4] =	wrdreg $0xC0  }
0xab: {  	_ =	task [dreg:s6], $0x5FFFF  }
0xac: {  	[dreg:$0x1] =	wrdreg $0xFFFFFFFF  }
0xad: {  	[dreg:$0x0] =	wrdreg $0x60  }
0xae: {  	[dreg:$0x2] =	wrdreg s24  }
0xaf: {  	[dreg:$0x3] =	wrdreg $0xCD000  }
0xb0: {  	[dreg:$0x4] =	wrdreg $0xF5000  }
0xb1: {  	[dreg:$0x5] =	wrdreg $0x9  }
0xb2: {  	_ =	task.clear_ibuf [dreg:s6], $0x6FFFF;
	_ =	strace $0x90000046  }
0xb3: {  	s29 =	simm.s32 $0x9;
	_ =	strace $0x80000048  }
0xb4: {  	_ =	swait.ge [sflag:s29], $0x1  }
0xb5: {  	[sflag:s29] =	ssyncadd.s32 $0xFFFFFFFF  }
0xb6: {  	_ =	strace $0x90000048  }
0xb7: {  	_ =	sfence  }
0xb8: {  	s30 =	sld [smem:$0x0];
	_ =	sdelay $0x2  }
0xb9: {  	s31 =	sshll.u32 s1, $0xD;
	s1 =	sshrl.u32 s1, $0x2  }
0xba: {  	s3 =	sand.u32 $0x4000, s31;
	s1 =	sadd.s32 s1, s30  }
0xbb: {  	s0 =	sor.u32 s3, s0;
	s1 =	sshll.u32 s1, $0x11  }
0xbc: {  	s0 =	sor.u32 s1, s0  }
0xbd: {  	s0 =	sadd.s32 $0x8F2B, s0  }
0xbe: {  	[sflag:s0] =	ssyncadd.remote.s32 $0x1  }
0xbf: {  	_ =	sfence.sel $0xFFFF  }
0xc0: {  	[dreg:$0x0] =	wrdreg $0xFFFFFFFF;
	(pc) =	sbr.abs _section_cstart, $3  }
0xc1: {  	[dreg:$0x1] =	wrdreg $0xFFFFFFFF  }
0xc2: {  	_ =	task.clear_ibuf [dreg:s6], $0x2FFFF;
	_ =	strace $0x9FFFFFFF  }
0xc3: {  	(tm) =	ssettm $0x7FFFFFFF  }
tec
execute0_lowered:
.L_overlay_start_1:
0x0: {  	(tag) =	ssettag $0x1  }
0x1: {  	s3 =	rddreg [dreg:$0x0]  }
0x2: {  	s7 =	rddreg [dreg:$0x1]  }
0x3: {  	s8 =	rddreg [dreg:$0x2];
	s1 =	simm.s32 $0x0  }
0x4: {  	[smem:$0x7FF] =	sst s1  }
0x5: {  	s0 =	rddreg [dreg:$0x3];
	v0 =	vimm.f32 $1.000000000e+00;
	_ =	strace $0x80000047  }
0x6: {  	(xrf0) =	vmax.scan.msk.f32 $0xffff, v0;
	_ =	sdelay $0x5  }
0x7: {  	v1, _, _ =	vpop (xrf0)  }
0x8: {  	(v2sf) =	vpush v1, $0xF  }
0x9: {  	s2 =	srdreg.scid;
	s13 =	simm.s32 $0x400  }
0xa: {  	s14 =	simm.s32 $0x1;
	s15 =	simm.s32 $0x1400;
	s17 =	simm.s32 $0x2800  }
0xb: {  	s18 =	simm.s32 $0x14000;
	s19 =	simm.s32 $0x7800;
	s20 =	simm.s32 $0xA000  }
0xc: {  	s21 =	simm.s32 $0xC800;
	s4 =	sand.u32 $0x1, s2;
	s2 =	stileid.u32  }
0xd: {  	s22 =	simm.s32 $0xCA80;
	s23 =	simm.s32 $0x0;
	s9 =	smul.u32 $0x280, s2  }
0xe: {  	s5 =	sshll.u32 s4, $0x4;
	s6 =	sshll.u32 s2, $0x7;
	s10 =	smul.u32 $0x2800, s4  }
0xf: {  	s4 =	ssub.s32 $0x2, s4;
	s30 =	sshrl.u32 s2, $0x3;
	s5 =	sor.u32 s2, s5  }
0x10: {  	s31 =	smul.u32 $0x1400, s2;
	s6 =	sand.u32 $0x380, s6;
	s5 =	sshrl.u32 s5, $0x3  }
0x11: {  	s11 =	sshrl.u32 s4, $0x1;
	s9 =	sadd.s32 s9, s10;
	s5 =	smul.u32 $0xA000, s5  }
0x12: {  	s10 =	smul.u32 $0x14000, s30;
	s11 =	ssub.s32 s4, s11;
	s9 =	sshrl.u32 s9, $0x3  }
0x13: {  	s11 =	smax.u32 s11, $0x1;
	s12 =	sadd.s32 s9, s3;
	s5 =	sor.u32 s6, s5  }
0x14: {  	s6 =	sor.u32 s6, s10;
	s9 =	sadd.s32 $0xD000, s12;
	s5 =	sshrl.u32 s5, $0x3  }
0x15: {  	s10 =	sadd.s32 $0xDA00, s12;
	s12 =	simm.s32 $0x80;
	s5 =	sadd.s32 s5, s3  }
0x16: {  	s3 =	sadd.s32 $0x8000, s5;
	s4 =	sadd.s32 $0x3000, s5;
	s5 =	sadd.s32 s6, s7  }
0x17: {  	s6 =	sadd.s32 s6, s8;
	s7 =	sadd.s32 s31, s7;
	s16 =	spop (v2sf)  }
0x18: {  	vm0 =	vmmov $0xffff;
	s8 =	sadd.s32 s31, s8;
	v1 =	vimm.f32 $0.0e+00;
	p0 =	sgt.f32 s16, $0.0e+00;
	s16 =	simm.s32 $0x5000  }
.LBB2_1:
0x19: {  	[tilespmem:s1], [sflag:$0x1] =	stream.strided.gather [hbm4b:s3+s12], $0x1400, s13, s12, $0x38;
	[tilespmem:$0x11D00] =	vst v63  }
0x1a: {  	_ =	swait.ge [sflag:s14], $0x1400  }
0x1b: {  	[sflag:s14] =	ssyncset.done $0x0  }
0x1c: {  	[sflag:s14] =	ssyncadd.s32 $0xFFFFEC00  }
0x1d: {  	[tilespmem:s15], [sflag:$0x1] =	stream.strided.gather [hbm4b:s4+s12], $0x1400, s13, s12, $0x38;
	[tilespmem:$0x11D00] =	vst v63  }
0x1e: {  	_ =	swait.ge [sflag:s14], $0x1400  }
0x1f: {  	[sflag:s14] =	ssyncset.done $0x0  }
0x20: {  	s24 =	simm.s32 $0x0;
	[sflag:s14] =	ssyncadd.s32 $0xFFFFEC00  }
.LBB2_2:
0x21: {  	p1 =	sne.s32 s24, $0x9FC0  }
.Ltmp0:
0x22: {  	_ = 	snop;
	(pc) =	sbr.rel @p1 .LBB2_2-.Ltmp0, $4  }
0x23: {  	_ = 	snop  }
0x24: {  	s25 =	sshra.s32 s24, $0x2  }
0x25: {  	[tilespmem:s25+$0x2800] =	vst v1  }
0x26: {  	s24 =	sadd.s32 $0x40, s24;
	[tilespmem:s25+$0x5000] =	vst v1  }
.Ltmp1:
0x27: {  	(pc) =	sbr.rel .LBB2_4-.Ltmp1, $2  }
0x28: {  	_ =	sdelay $0x2  }
0x29: {  	s24 =	simm.s32 $0x0  }
.LBB2_6:
0x2a: {  	s24 =	sadd.s32 $0x1, s24  }
0x2b: {  	p1 =	sne.s32 s24, $0x139  }
.Ltmp2:
0x2c: {  	_ = 	snop;
	(pc) =	sbr.rel @!p1 .LBB2_7-.Ltmp2, $1  }
0x2d: {  	_ =	sdelay $0x3  }
.LBB2_4:
0x2e: {  	s25 =	sshll.u32 s24, $0x4  }
0x2f: {  	v2 =	vld [tilespmem:s25+$0x0];
	_ =	sdelay $0x2  }
0x30: {  	vm1 =	vmmov vm0  }
.Ltmp3:
0x31: {  	_ = 	snop;
	(pc) =	sbr.rel @!p0 .LBB2_6-.Ltmp3, $3  }
0x32: {  	_ =	sdelay $0x1  }
0x33: {  	v3 =	vld [tilespmem:s25+$0x1400]  }
0x34: {  	[tilespmem:v2+s16+$0x0] =	vst.idx.add.f32.msk $0xffff, v0  }
.LBB2_5:
0x35: {  	v4 =	vld.idx.msk [tilespmem:v2+s17+$0x0], vm1;
	_ =	sdelay $0x4  }
0x36: {  	vm2 =	vgt.f32 v3, v4  }
0x37: {  	vm1 =	vmand vm1, vm2  }
0x38: {  	v4 =	vsel vm1, $0x3F800000, v1  }
0x39: {  	(xrf0) =	vmax.scan.msk.f32 $0xffff, v4;
	_ =	sdelay $0x5  }
0x3a: {  	v4, _, _ =	vpop (xrf0)  }
0x3b: {  	(v2sf) =	vpush v4, $0xF;
	_ =	sdelay $0xe  }
0x3c: {  	s25 =	spop (v2sf)  }
0x3d: {  	p1 =	sgt.f32 s25, $0.0e+00  }
.Ltmp4:
0x3e: {  	_ = 	snop;
	(pc) =	sbr.rel @p1 .LBB2_5-.Ltmp4, $2  }
0x3f: {  	_ =	sdelay $0x2  }
0x40: {  	[tilespmem:v2+s17+$0x0] =	vst.idx.msk vm1, v3  }
.Ltmp5:
0x41: {  	_ = 	snop;
	(pc) =	sbr.rel .LBB2_6-.Ltmp5, $1  }
0x42: {  	_ =	sdelay $0x3  }
.LBB2_7:
0x43: {  	[spmem:s5] =	stream.strided.scatter [tilespmem:s17], [sflag:$0x1], $0x2800, s13, s12, $0x38;
	[tilespmem:$0x11D00] =	vst v63  }
0x44: {  	_ =	swait.ge [sflag:s14], $0x2800  }
0x45: {  	[sflag:s14] =	ssyncset.done $0x0  }
0x46: {  	[sflag:s14] =	ssyncadd.s32 $0xFFFFD800  }
0x47: {  	[spmem:s6] =	stream.strided.scatter [tilespmem:s16], [sflag:$0x1], $0x2800, s13, s12, $0x38;
	[tilespmem:$0x11D00] =	vst v63  }
0x48: {  	_ =	swait.ge [sflag:s14], $0x2800  }
0x49: {  	[sflag:s14] =	ssyncset.done $0x0  }
0x4a: {  	[sflag:s14] =	ssyncadd.s32 $0xFFFFD800  }
0x4b: {  	[bflag:$0x0] =	sbarrier.arrive $0xFFFF  }
0x4c: {  	[tilespmem:s19], [sflag:$0x1] =	stream.strided.gather [spmem:s7], $0x2800, s18, s15, $0x38;
	[tilespmem:$0x11D00] =	vst v63  }
0x4d: {  	_ =	swait.ge [sflag:s14], $0x2800  }
0x4e: {  	[sflag:s14] =	ssyncset.done $0x0  }
0x4f: {  	[sflag:s14] =	ssyncadd.s32 $0xFFFFD800  }
0x50: {  	[tilespmem:s20], [sflag:$0x1] =	stream.strided.gather [spmem:s8], $0x2800, s18, s15, $0x38;
	[tilespmem:$0x11D00] =	vst v63  }
0x51: {  	s24 =	simm.s32 $0x0;
	_ =	swait.ge [sflag:s14], $0x2800  }
0x52: {  	s25 =	sand.u32 $0x70, s24;
	s26 =	sand.u32 $0x1C00, s24;
	[sflag:s14] =	ssyncset.done $0x0  }
0x53: {  	s25 =	sor.u32 s25, s26;
	[sflag:s14] =	ssyncadd.s32 $0xFFFFD800  }
0x54: {  	v2 =	vld [tilespmem:s25+$0xB780]  }
0x55: {  	v3 =	vld [tilespmem:s25+$0xB700]  }
0x56: {  	v4 =	vld [tilespmem:s25+$0xA080]  }
0x57: {  	v5 =	vld [tilespmem:s25+$0xA000]  }
0x58: {  	v6 =	vld [tilespmem:s25+$0xB680]  }
0x59: {  	v7 =	vld [tilespmem:s25+$0xA100]  }
0x5a: {  	v8 =	vld [tilespmem:s25+$0xB600]  }
0x5b: {  	v9 =	vld [tilespmem:s25+$0xA180]  }
0x5c: {  	v10 =	vld [tilespmem:s25+$0xA200];
	v4 =	vadd.f32 v4, v5  }
0x5d: {  	v46 =	vld [tilespmem:s25+$0xB500]  }
0x5e: {  	v11 =	vld [tilespmem:s25+$0xA280];
	v4 =	vadd.f32 v7, v4  }
0x5f: {  	v47 =	vld [tilespmem:s25+$0xB480]  }
0x60: {  	s24 =	sor.u32 s24, s24;
	v12 =	vld [tilespmem:s25+$0xA300];
	v4 =	vadd.f32 v9, v4  }
0x61: {  	s24 =	sor.u32 $0x380, s24;
	v48 =	vld [tilespmem:s25+$0xB400]  }
0x62: {  	v13 =	vld [tilespmem:s24+$0xA000];
	v4 =	vadd.f32 v10, v4  }
0x63: {  	v14 =	vld [tilespmem:s25+$0x7880]  }
0x64: {  	v49 =	vld [tilespmem:s25+$0x7800];
	v4 =	vadd.f32 v11, v4  }
0x65: {  	v15 =	vld [tilespmem:s25+$0x7900]  }
0x66: {  	v50 =	vld [tilespmem:s25+$0x7980];
	v4 =	vadd.f32 v12, v4  }
0x67: {  	v16 =	vld [tilespmem:s25+$0x7A00]  }
0x68: {  	v51 =	vld [tilespmem:s25+$0x7A80];
	v4 =	vadd.f32 v13, v4  }
0x69: {  	v52 =	vld [tilespmem:s25+$0x7B00]  }
0x6a: {  	v54 =	vld [tilespmem:s24+$0x7800];
	v11 =	vmax.f32 v49, v14;
	v4 =	vadd.f32 v48, v4  }
0x6b: {  	v5 =	vld [tilespmem:s25+$0xB580];
	v53 =	vmax.f32 v11, v15  }
0x6c: {  	v55 =	vld [tilespmem:s25+$0x8C00];
	v10 =	vmax.f32 v53, v50;
	v4 =	vadd.f32 v47, v4  }
0x6d: {  	v57 =	vld [tilespmem:s25+$0x8C80];
	v56 =	vmax.f32 v10, v16  }
0x6e: {  	v58 =	vld [tilespmem:s25+$0x8D00];
	v9 =	vmax.f32 v56, v51;
	v4 =	vadd.f32 v46, v4  }
0x6f: {  	v60 =	vld [tilespmem:s25+$0x8D80];
	v59 =	vmax.f32 v9, v52  }
0x70: {  	v7 =	vmax.f32 v59, v54;
	v4 =	vadd.f32 v5, v4;
	v5 =	vld [tilespmem:s25+$0x8E00]  }
0x71: {  	v61 =	vld [tilespmem:s25+$0x8E80];
	v7 =	vmax.f32 v7, v55  }
0x72: {  	v62 =	vld [tilespmem:s25+$0x8F00];
	v7 =	vmax.f32 v7, v57;
	v4 =	vadd.f32 v8, v4  }
0x73: {  	v63 =	vld [tilespmem:s25+$0x8F80];
	v7 =	vmax.f32 v7, v58  }
0x74: {  	v7 =	vmax.f32 v7, v60;
	v4 =	vadd.f32 v6, v4  }
0x75: {  	v5 =	vmax.f32 v7, v5  }
0x76: {  	v5 =	vmax.f32 v5, v61;
	v3 =	vadd.f32 v3, v4  }
0x77: {  	v4 =	vmax.f32 v5, v62  }
0x78: {  	s28 =	simm.s32 $0x10;
	s29 =	simm.s32 $0x80;
	s24 =	simm.s32 $0xC800;
	v4 =	vmax.f32 v4, v63;
	v2 =	vadd.f32 v2, v3  }
0x79: {  	s31 =	sand.u32 $0x70, s28;
	s30 =	sand.u32 $0x1C00, s29;
	s25 =	simm.s32 $0xCA80;
	[tilespmem:s24+$0x0] =	vst v4  }
0x7a: {  	s26 =	sor.u32 s31, s30;
	[tilespmem:s25+$0x0] =	vst v2  }
0x7b: {  	v2 =	vld [tilespmem:s26+$0xB780]  }
0x7c: {  	s30 =	simm.s32 $0x20;
	v3 =	vld [tilespmem:s26+$0xB700]  }
.LBB2_8:
0x7d: {  	p1 =	sne.s32 s30, $0x270;
	v4 =	vld [tilespmem:s26+$0xA080]  }
0x7e: {  	v5 =	vld [tilespmem:s26+$0xA000]  }
0x7f: {  	v6 =	vld [tilespmem:s26+$0xB680]  }
0x80: {  	v7 =	vld [tilespmem:s26+$0xA100]  }
0x81: {  	v8 =	vld [tilespmem:s26+$0xB600]  }
0x82: {  	v9 =	vld [tilespmem:s26+$0xA180]  }
0x83: {  	v4 =	vadd.f32 v4, v5;
	v5 =	vld [tilespmem:s26+$0xB580]  }
0x84: {  	v10 =	vld [tilespmem:s26+$0xA200]  }
0x85: {  	v4 =	vadd.f32 v7, v4;
	v7 =	vld [tilespmem:s26+$0xB500]  }
0x86: {  	v11 =	vld [tilespmem:s26+$0xA280]  }
0x87: {  	v4 =	vadd.f32 v9, v4;
	v9 =	vld [tilespmem:s26+$0xB480]  }
0x88: {  	s31 =	sor.u32 s29, s28;
	s28 =	smov.u32 s30;
	v12 =	vld [tilespmem:s26+$0xA300]  }
0x89: {  	s31 =	sor.u32 $0x380, s31;
	v4 =	vadd.f32 v10, v4;
	v10 =	vld [tilespmem:s26+$0xB400]  }
0x8a: {  	v13 =	vld [tilespmem:s31+$0xA000]  }
0x8b: {  	v14 =	vld [tilespmem:s26+$0x7880];
	v4 =	vadd.f32 v11, v4  }
0x8c: {  	v11 =	vld [tilespmem:s26+$0x7800]  }
0x8d: {  	v15 =	vld [tilespmem:s26+$0x7900];
	v4 =	vadd.f32 v12, v4  }
0x8e: {  	v12 =	vld [tilespmem:s26+$0x7980]  }
0x8f: {  	v16 =	vld [tilespmem:s26+$0x7A00];
	v4 =	vadd.f32 v13, v4  }
0x90: {  	v13 =	vld [tilespmem:s26+$0x7A80]  }
0x91: {  	v11 =	vmax.f32 v11, v14;
	v14 =	vld [tilespmem:s26+$0x7B00];
	v4 =	vadd.f32 v10, v4  }
0x92: {  	v10 =	vmax.f32 v11, v15;
	v11 =	vld [tilespmem:s31+$0x7800]  }
0x93: {  	v10 =	vmax.f32 v10, v12;
	v12 =	vld [tilespmem:s26+$0x8C00];
	v4 =	vadd.f32 v9, v4  }
0x94: {  	v9 =	vmax.f32 v10, v16;
	v10 =	vld [tilespmem:s26+$0x8C80]  }
0x95: {  	v9 =	vmax.f32 v9, v13;
	v13 =	vld [tilespmem:s26+$0x8D00];
	v4 =	vadd.f32 v7, v4  }
0x96: {  	v7 =	vmax.f32 v9, v14;
	v9 =	vld [tilespmem:s26+$0x8D80]  }
0x97: {  	v7 =	vmax.f32 v7, v11;
	v4 =	vadd.f32 v5, v4;
	v5 =	vld [tilespmem:s26+$0x8E00]  }
0x98: {  	v7 =	vmax.f32 v7, v12;
	v11 =	vld [tilespmem:s26+$0x8E80]  }
0x99: {  	v7 =	vmax.f32 v7, v10;
	v4 =	vadd.f32 v8, v4;
	v8 =	vld [tilespmem:s26+$0x8F00]  }
0x9a: {  	v7 =	vmax.f32 v7, v13;
	v10 =	vld [tilespmem:s26+$0x8F80]  }
0x9b: {  	v7 =	vmax.f32 v7, v9;
	v4 =	vadd.f32 v6, v4  }
0x9c: {  	v5 =	vmax.f32 v7, v5  }
0x9d: {  	v5 =	vmax.f32 v5, v11;
	v3 =	vadd.f32 v3, v4  }
0x9e: {  	v4 =	vmax.f32 v5, v8  }
.Ltmp6:
0x9f: {  	s29 =	sadd.s32 $0x80, s29;
	s24 =	sadd.s32 $0x10, s24;
	v4 =	vmax.f32 v4, v10;
	v2 =	vadd.f32 v2, v3;
	(pc) =	sbr.rel @p1 .LBB2_8-.Ltmp6, $4  }
0xa0: {  	s25 =	sadd.s32 $0x10, s25;
	s31 =	sand.u32 $0x1C00, s29;
	s26 =	sand.u32 $0x70, s30;
	[tilespmem:s24+$0x0] =	vst v4  }
0xa1: {  	s26 =	sor.u32 s26, s31;
	[tilespmem:s25+$0x0] =	vst v2  }
0xa2: {  	v2 =	vld [tilespmem:s26+$0xB780]  }
0xa3: {  	s30 =	sadd.s32 $0x10, s30;
	v3 =	vld [tilespmem:s26+$0xB700]  }
0xa4: {  	v4 =	vld [tilespmem:s26+$0xA080]  }
0xa5: {  	v5 =	vld [tilespmem:s26+$0xA000]  }
0xa6: {  	v6 =	vld [tilespmem:s26+$0xB680]  }
0xa7: {  	v7 =	vld [tilespmem:s26+$0xA100]  }
0xa8: {  	v8 =	vld [tilespmem:s26+$0xB600]  }
0xa9: {  	v9 =	vld [tilespmem:s26+$0xA180]  }
0xaa: {  	v43 =	vld [tilespmem:s26+$0xB580];
	v4 =	vadd.f32 v4, v5  }
0xab: {  	v10 =	vld [tilespmem:s26+$0xA200]  }
0xac: {  	v44 =	vld [tilespmem:s26+$0xB500];
	v4 =	vadd.f32 v7, v4  }
0xad: {  	v11 =	vld [tilespmem:s26+$0xA280]  }
0xae: {  	v45 =	vld [tilespmem:s26+$0xB480];
	v4 =	vadd.f32 v9, v4  }
0xaf: {  	v12 =	vld [tilespmem:s26+$0xA300];
	s28 =	sor.u32 s29, s28  }
0xb0: {  	v46 =	vld [tilespmem:s26+$0xB400];
	s28 =	sor.u32 $0x380, s28;
	v4 =	vadd.f32 v10, v4  }
0xb1: {  	v13 =	vld [tilespmem:s28+$0xA000]  }
0xb2: {  	v14 =	vld [tilespmem:s26+$0x7880];
	v4 =	vadd.f32 v11, v4  }
0xb3: {  	v47 =	vld [tilespmem:s26+$0x7800]  }
0xb4: {  	v15 =	vld [tilespmem:s26+$0x7900];
	v4 =	vadd.f32 v12, v4  }
0xb5: {  	v48 =	vld [tilespmem:s26+$0x7980]  }
0xb6: {  	v16 =	vld [tilespmem:s26+$0x7A00];
	v4 =	vadd.f32 v13, v4  }
0xb7: {  	v49 =	vld [tilespmem:s26+$0x7A80]  }
0xb8: {  	v50 =	vld [tilespmem:s26+$0x7B00];
	v11 =	vmax.f32 v47, v14;
	v4 =	vadd.f32 v46, v4  }
0xb9: {  	v52 =	vld [tilespmem:s28+$0x7800];
	v51 =	vmax.f32 v11, v15  }
0xba: {  	v53 =	vld [tilespmem:s26+$0x8C00];
	v10 =	vmax.f32 v51, v48;
	v4 =	vadd.f32 v45, v4  }
0xbb: {  	v55 =	vld [tilespmem:s26+$0x8C80];
	v54 =	vmax.f32 v10, v16  }
0xbc: {  	v56 =	vld [tilespmem:s26+$0x8D00];
	v9 =	vmax.f32 v54, v49;
	v4 =	vadd.f32 v44, v4  }
0xbd: {  	v58 =	vld [tilespmem:s26+$0x8D80];
	v57 =	vmax.f32 v9, v50  }
0xbe: {  	v59 =	vld [tilespmem:s26+$0x8E00];
	v7 =	vmax.f32 v57, v52;
	v4 =	vadd.f32 v43, v4  }
0xbf: {  	v60 =	vld [tilespmem:s26+$0x8E80];
	v7 =	vmax.f32 v7, v53  }
0xc0: {  	v61 =	vld [tilespmem:s26+$0x8F00];
	v7 =	vmax.f32 v7, v55;
	v4 =	vadd.f32 v8, v4  }
0xc1: {  	v62 =	vld [tilespmem:s26+$0x8F80];
	v7 =	vmax.f32 v7, v56  }
0xc2: {  	v7 =	vmax.f32 v7, v58;
	v4 =	vadd.f32 v6, v4  }
0xc3: {  	v5 =	vmax.f32 v7, v59  }
0xc4: {  	v5 =	vmax.f32 v5, v60;
	v3 =	vadd.f32 v3, v4  }
0xc5: {  	v63 =	vmax.f32 v5, v61  }
0xc6: {  	s24 =	sadd.s32 $0x10, s24;
	v4 =	vmax.f32 v63, v62;
	v2 =	vadd.f32 v2, v3  }
0xc7: {  	s31 =	sadd.s32 $0x10, s25;
	[tilespmem:s24+$0x0] =	vst v4  }
0xc8: {  	[tilespmem:s31+$0x0] =	vst v2  }
0xc9: {  	[hbm4b:s9+s1] =	stream.linear.scatter [tilespmem:s21], [sflag:$0x1], $0x280, $0x38;
	[tilespmem:$0x11D00] =	vst v63  }
0xca: {  	s23 =	sadd.s32 $0x1, s23;
	_ =	swait.ge [sflag:s14], $0x280  }
0xcb: {  	p1 =	sne.s32 s23, s11;
	[sflag:s14] =	ssyncset.done $0x0  }
.Ltmp7:
0xcc: {  	[sflag:s14] =	ssyncadd.s32 $0xFFFFFD80;
	(pc) =	sbr.rel @p1 .LBB2_1-.Ltmp7, $4  }
0xcd: {  	[hbm4b:s10+s1] =	stream.linear.scatter [tilespmem:s22], [sflag:$0x1], $0x280, $0x38;
	[tilespmem:$0x11D00] =	vst v63  }
0xce: {  	_ =	swait.ge [sflag:s14], $0x280  }
0xcf: {  	[sflag:s14] =	ssyncset.done $0x0  }
0xd0: {  	[sflag:s14] =	ssyncadd.s32 $0xFFFFFD80  }
0xd1: {  	_ =	sfence.sel $0x180000  }
0xd2: {  	[bflag:$0x0] =	sbarrier.arrive $0xFFFF  }
0xd3: {  	p0 =	sne.s32 s2, $0x0;
	_ =	strace $0x90000047  }
0xd4: {  	s0 =	sadd.s32 @!p0 $0x100000, s0;
	[bflag:$0x2] =	sbarrier.arrive $0xFFFF  }
0xd5: {  	[sflag:s0] =	ssyncadd.tile.s32 @!p0 $0x1;
	_ =	shalt  }
.Lfunc_end2:
_tile_overlayer_lowered:
.L_overlay_start_2:
0xd6: {  	(tag) =	ssettag $0x2  }
0xd7: {  	s0 =	rddreg [dreg:$0x0];
	s2 =	stileid.u32  }
0xd8: {  	s1 =	rddreg [dreg:$0x1];
	p0 =	sne.s32 s2, $0x0  }
0xd9: {  	s3 =	rddreg [dreg:$0x2];
	[bflag:$0x3] =	sbarrier.arrive $0xFFFF;
	s2 =	simm.s32 @!p0 $0x1C01  }
0xda: {  	[timem:s3], [sflag:s2] =	dma.local @!p0 [hbm:s0], s1  }
0xdb: {  	s0 =	simm.s32 @!p0 $0x1  }
0xdc: {  	_ =	swait.ge @!p0 [sflag:s0], s1  }
0xdd: {  	s1 =	ssub.s32 @!p0 $0x0, s1;
	[sflag:s0] =	ssyncset.done @!p0 $0x0  }
0xde: {  	[sflag:s0] =	ssyncadd.s32 @!p0 s1  }
0xdf: {  	[bflag:$0x3] =	sbarrier.arrive $0xFFFF  }
0xe0: {  	_ =	shalt  }

</sc_bundles>
